<compile_context>
chip_gen: v7x
topology: tpu7x:2x2x1
jax: 0.10.2.dev20260603
libtpu: 0.0.44.dev20260713+nightly
codegen_flags: <defaults>
</compile_context>

<pallas_src>
import functools

import jax
import jax.numpy as jnp
from jax import lax
from jax.experimental import pallas as pl
from jax.experimental.pallas import tpu as pltpu
from jax.experimental.pallas import tpu_sc as plsc

BATCH = 16384
EMBED_DIM = 32
HIDDEN_DIM = 64
EPS = 1e-5

LANES = 128
PACK = LANES // EMBED_DIM
TABLE_ROWS = 1000001
_TP_BLOCK = 16384
_TP_NBLK = 16
WIDE_ROWS = _TP_NBLK * _TP_BLOCK

NUM_CORES = 2
NUM_SUBCORES = 16
NUM_WORKERS = NUM_CORES * NUM_SUBCORES
ROWS_PER_WORKER = BATCH // NUM_WORKERS
GATHER_CHUNK = 128
CHUNKS_PER_WORKER = ROWS_PER_WORKER // GATHER_CHUNK
SC_LANES = 16


def _tp_body(in0, in1, in2, in3, out_ref):
    x = jnp.concatenate([in0[...], in1[...], in2[...], in3[...]], axis=0)
    for c in range(_TP_BLOCK // LANES):
        out_ref[pl.ds(c * LANES, LANES), :] = x[:, c * LANES : (c + 1) * LANES].T


def _tc_transpose_pack(tt):
    last_blk = (TABLE_ROWS - 1) // _TP_BLOCK
    spec = lambda a: pl.BlockSpec(
        (EMBED_DIM, _TP_BLOCK),
        lambda k, a=a: (0, jnp.minimum(a * _TP_NBLK + k, last_blk)),
    )
    return pl.pallas_call(
        _tp_body,
        grid=(_TP_NBLK,),
        in_specs=[spec(0), spec(1), spec(2), spec(3)],
        out_specs=pl.BlockSpec((_TP_BLOCK, LANES), lambda k: (k, 0)),
        out_shape=jax.ShapeDtypeStruct((WIDE_ROWS, LANES), jnp.float32),
    )(tt, tt, tt, tt)


def _sc_gather(lin, ids2d):
    mesh = plsc.VectorSubcoreMesh(core_axis_name="c", subcore_axis_name="s")

    @functools.partial(
        pl.kernel,
        mesh=mesh,
        out_type=jax.ShapeDtypeStruct((BATCH, LANES), jnp.float32),
        scratch_types=[
            pltpu.VMEM((CHUNKS_PER_WORKER, GATHER_CHUNK), jnp.int32),
            pltpu.VMEM((ROWS_PER_WORKER, LANES), jnp.float32),
            pltpu.SemaphoreType.DMA,
        ],
    )
    def gather_kernel(lin_hbm, idx_hbm, out_hbm, idx_v, rows_v, sem):
        wid = lax.axis_index("s") * NUM_CORES + lax.axis_index("c")
        pltpu.sync_copy(
            idx_hbm.at[pl.ds(wid * CHUNKS_PER_WORKER, CHUNKS_PER_WORKER)], idx_v
        )
        for j in range(CHUNKS_PER_WORKER):
            for t in range(GATHER_CHUNK // SC_LANES):
                sl = pl.ds(t * SC_LANES, SC_LANES)
                idx_v[j, sl] = lax.rem(idx_v[j, sl], WIDE_ROWS)
        copies = []
        for j in range(CHUNKS_PER_WORKER):
            copies.append(
                pltpu.async_copy(
                    lin_hbm.at[idx_v.at[j]],
                    rows_v.at[pl.ds(j * GATHER_CHUNK, GATHER_CHUNK)],
                    sem,
                )
            )
        for c in copies:
            c.wait()
        pltpu.sync_copy(
            rows_v, out_hbm.at[pl.ds(wid * ROWS_PER_WORKER, ROWS_PER_WORKER)]
        )

    return gather_kernel(lin, ids2d)


_MLP_BLOCK = 4096


def _mlp_body(emb_ref, ids_ref, w_ref, b_ref, g_ref, be_ref, out_ref):
    emb = emb_ref[...]
    rmod = ids_ref[...] // WIDE_ROWS
    group = lax.broadcasted_iota(jnp.int32, emb.shape, 1) // EMBED_DIM
    emb_sel = jnp.where(group == rmod, emb, 0.0)
    h = lax.dot_general(
        emb_sel,
        w_ref[...],
        (((1,), (0,)), ((), ())),
        preferred_element_type=jnp.float32,
    )
    h = h + b_ref[...]
    mu = jnp.mean(h, axis=1, keepdims=True)
    var = jnp.mean((h - mu) ** 2, axis=1, keepdims=True)
    hn = (h - mu) * lax.rsqrt(var + EPS)
    o = jnp.maximum(hn * g_ref[...] + be_ref[...], 0.0)
    for c in range(_MLP_BLOCK // LANES):
        out_ref[:, pl.ds(c * LANES, LANES)] = o[c * LANES : (c + 1) * LANES, :].T


def _tc_mlp_t(emb, ids, W_rep, b, gamma, beta):
    grid = (BATCH // _MLP_BLOCK,)
    return pl.pallas_call(
        _mlp_body,
        grid=grid,
        in_specs=[
            pl.BlockSpec((_MLP_BLOCK, LANES), lambda i: (i, 0)),
            pl.BlockSpec((_MLP_BLOCK, 1), lambda i: (i, 0)),
            pl.BlockSpec((LANES, HIDDEN_DIM), lambda i: (0, 0)),
            pl.BlockSpec((1, HIDDEN_DIM), lambda i: (0, 0)),
            pl.BlockSpec((1, HIDDEN_DIM), lambda i: (0, 0)),
            pl.BlockSpec((1, HIDDEN_DIM), lambda i: (0, 0)),
        ],
        out_specs=pl.BlockSpec((HIDDEN_DIM, _MLP_BLOCK), lambda i: (0, i)),
        out_shape=jax.ShapeDtypeStruct((HIDDEN_DIM, BATCH), jnp.float32),
    )(emb, ids, W_rep, b, gamma, beta)


def kernel(task_ids, table, W, b, gamma, beta):
    ids = task_ids.astype(jnp.int32)
    lin = _tc_transpose_pack(table.T)
    ids2d = ids.reshape(BATCH // GATHER_CHUNK, GATHER_CHUNK)
    emb128 = _sc_gather(lin, ids2d)
    W_rep = jnp.tile(W, (PACK, 1))
    out_t = _tc_mlp_t(
        emb128,
        ids.reshape(BATCH, 1),
        W_rep,
        b.reshape(1, HIDDEN_DIM),
        gamma.reshape(1, HIDDEN_DIM),
        beta.reshape(1, HIDDEN_DIM),
    )
    return out_t.T

# --- scband reference (transcript-rebuilt; emitter-appended) ---
"""Pipeline reference for scband-task-encoder-17214228922797 (READ-ONLY COPY).

The authoritative reference and input builder live on the scoring server;
editing this copy changes nothing except your own understanding.
"""

import jax, jax.numpy as jnp
import numpy as np

NUM_TASKS = 1000000
EMBED_DIM = 32
HIDDEN_DIM = 64
BATCH = 16384
EPS = 1e-5

def setup_inputs(seed: int = 0):
    key = jax.random.key(seed)
    k1, k2, k3 = jax.random.split(key, 3)
    task_ids = jax.random.randint(k1, (BATCH, 1), 0, NUM_TASKS + 1)
    table = jax.random.normal(k2, (NUM_TASKS + 1, EMBED_DIM), dtype=jnp.float32) * 0.02
    W = jax.random.normal(k3, (EMBED_DIM, HIDDEN_DIM), dtype=jnp.float32) * 0.05
    b = jnp.zeros((HIDDEN_DIM,), dtype=jnp.float32)
    gamma = jnp.ones((HIDDEN_DIM,), dtype=jnp.float32)
    beta = jnp.zeros((HIDDEN_DIM,), dtype=jnp.float32)
    return {"task_ids": task_ids, "table": table, "W": W, "b": b, "gamma": gamma, "beta": beta}

def reference(task_ids, table, W, b, gamma, beta):
    ids = jnp.squeeze(task_ids, axis=-1)
    emb = jnp.take(table, ids, axis=0)
    h = emb @ W + b
    mu = jnp.mean(h, axis=-1, keepdims=True)
    var = jnp.mean((h - mu) ** 2, axis=-1, keepdims=True)
    hn = (h - mu) / jnp.sqrt(var + EPS)
    out = jnp.maximum(hn * gamma + beta, 0.0)
    # dropout is identity in eval/inference mode
    return out

if __name__ == "__main__":
    import jax
    _d = setup_inputs()
    print(jax.jit(kernel)(*tuple(_d.values())))

</pallas_src>

<mosaic_0001>
#map = affine_map<(d0, d1) -> (0, 0)>
module attributes {stable_mosaic.version = 14 : i64} {
  func.func @gather_kernel(%arg0: i32, %arg1: i32, %arg2: memref<262144x128xf32, #tpu.memory_space<hbm>>, %arg3: memref<128x128xi32, #tpu.memory_space<hbm>>, %arg4: memref<16384x128xf32, #tpu.memory_space<hbm>>, %arg5: memref<4x128xi32, #tpu.memory_space<vmem>>, %arg6: memref<512x128xf32, #tpu.memory_space<vmem>>, %arg7: memref<!tpu.dma_semaphore, #tpu.memory_space<semaphore_mem>>) attributes {dimension_semantics = [#tpu.dimension_semantics<core_parallel>, #tpu.dimension_semantics<subcore_parallel>], iteration_bounds = array<i64: 2, 16>, scalar_prefetch = 0 : i64, scratch_operands = 3 : i64, tpu.core_type = #tpu.core_type<sc_vector_subcore>, window_params = [{transform_indices = #map}, {transform_indices = #map}, {transform_indices = #map}]} {
    %mul3A = arith.constant 2 : i32
    %mul3A_0 = arith.muli %arg1, %mul3A : i32
    %add3A = arith.addi %mul3A_0, %arg0 : i32
    %mul3A_1 = arith.constant 4 : i32
    %mul3A_2 = arith.muli %add3A, %mul3A_1 : i32
    "tpu.region"() ({
      %run_scoped3A = tpu.sem_alloc : memref<!tpu.dma_semaphore, #tpu.memory_space<semaphore_mem>>
      %dma_start3A_528 = arith.constant 0 : i32
      %dma_start3A_529 = tpu.memref_slice %arg3[%mul3A_2, %dma_start3A_528] : memref<128x128xi32, #tpu.memory_space<hbm>> -> memref<4x128xi32, #tpu.memory_space<hbm>>
      %dma_start3A_530 = arith.constant 0 : i32
      %dma_start3A_531 = tpu.memref_slice %arg3[%mul3A_2, %dma_start3A_530] : memref<128x128xi32, #tpu.memory_space<hbm>> -> memref<4x128xi32, #tpu.memory_space<hbm>>
      tpu.enqueue_dma source(%dma_start3A_531 : memref<4x128xi32, #tpu.memory_space<hbm>>) target(%arg5 : memref<4x128xi32, #tpu.memory_space<vmem>>) target_semaphore(%run_scoped3A : memref<!tpu.dma_semaphore, #tpu.memory_space<semaphore_mem>>)
      %dma_wait3A_532 = arith.constant 0 : i32
      %dma_wait3A_533 = tpu.memref_slice %arg3[%mul3A_2, %dma_wait3A_532] : memref<128x128xi32, #tpu.memory_space<hbm>> -> memref<4x128xi32, #tpu.memory_space<hbm>>
      %dma_wait3A_534 = arith.constant 0 : i32
      %dma_wait3A_535 = tpu.memref_slice %arg3[%mul3A_2, %dma_wait3A_534] : memref<128x128xi32, #tpu.memory_space<hbm>> -> memref<4x128xi32, #tpu.memory_space<hbm>>
      tpu.wait_dma2 semaphore(%run_scoped3A : memref<!tpu.dma_semaphore, #tpu.memory_space<semaphore_mem>>) src(%dma_wait3A_535 : memref<4x128xi32, #tpu.memory_space<hbm>>) dst(%arg5 : memref<4x128xi32, #tpu.memory_space<vmem>>)
      tpu.yield
    }) : () -> ()
    %get3A = arith.constant 0 : i32
    %get3A_3 = arith.index_cast %get3A : i32 to index
    %get3A_4 = arith.constant 0 : index
    %get3A_5 = tpu.vector_load %arg5[%get3A_3, %get3A_4] {strides = array<i32>} : memref<4x128xi32, #tpu.memory_space<vmem>>, vector<1x16xi32>,
    %get3A_6 = vector.shape_cast %get3A_5 : vector<1x16xi32> to vector<16xi32>
    %rem3A = arith.constant 262144 : i32
    %rem3A_7 = vector.broadcast %rem3A : i32 to vector<16xi32>
    %rem3A_8 = arith.remsi %get3A_6, %rem3A_7 : vector<16xi32>
    %swap3A = arith.constant 0 : i32
    %swap3A_9 = arith.index_cast %swap3A : i32 to index
    %swap3A_10 = arith.constant 0 : index
    %swap3A_11 = tpu.vector_load %arg5[%swap3A_9, %swap3A_10] {strides = array<i32>} : memref<4x128xi32, #tpu.memory_space<vmem>>, vector<1x16xi32>,
    %swap3A_12 = vector.shape_cast %swap3A_11 : vector<1x16xi32> to vector<16xi32>
    %swap3A_13 = vector.shape_cast %rem3A_8 : vector<16xi32> to vector<1x16xi32>
    tpu.vector_store %arg5[%swap3A_9, %swap3A_10], %swap3A_13 {strides = array<i32>} : memref<4x128xi32, #tpu.memory_space<vmem>>, vector<1x16xi32>,
    %get3A_14 = arith.constant 0 : i32
    %get3A_15 = arith.index_cast %get3A_14 : i32 to index
    %get3A_16 = arith.constant 16 : index
    %get3A_17 = tpu.vector_load %arg5[%get3A_15, %get3A_16] {strides = array<i32>} : memref<4x128xi32, #tpu.memory_space<vmem>>, vector<1x16xi32>,
    %get3A_18 = vector.shape_cast %get3A_17 : vector<1x16xi32> to vector<16xi32>
    %rem3A_19 = arith.constant 262144 : i32
    %rem3A_20 = vector.broadcast %rem3A_19 : i32 to vector<16xi32>
    %rem3A_21 = arith.remsi %get3A_18, %rem3A_20 : vector<16xi32>
    %swap3A_22 = arith.constant 0 : i32
    %swap3A_23 = arith.index_cast %swap3A_22 : i32 to index
    %swap3A_24 = arith.constant 16 : index
    %swap3A_25 = tpu.vector_load %arg5[%swap3A_23, %swap3A_24] {strides = array<i32>} : memref<4x128xi32, #tpu.memory_space<vmem>>, vector<1x16xi32>,
    %swap3A_26 = vector.shape_cast %swap3A_25 : vector<1x16xi32> to vector<16xi32>
    %swap3A_27 = vector.shape_cast %rem3A_21 : vector<16xi32> to vector<1x16xi32>
    tpu.vector_store %arg5[%swap3A_23, %swap3A_24], %swap3A_27 {strides = array<i32>} : memref<4x128xi32, #tpu.memory_space<vmem>>, vector<1x16xi32>,
    %get3A_28 = arith.constant 0 : i32
    %get3A_29 = arith.index_cast %get3A_28 : i32 to index
    %get3A_30 = arith.constant 32 : index
    %get3A_31 = tpu.vector_load %arg5[%get3A_29, %get3A_30] {strides = array<i32>} : memref<4x128xi32, #tpu.memory_space<vmem>>, vector<1x16xi32>,
    %get3A_32 = vector.shape_cast %get3A_31 : vector<1x16xi32> to vector<16xi32>
    %rem3A_33 = arith.constant 262144 : i32
    %rem3A_34 = vector.broadcast %rem3A_33 : i32 to vector<16xi32>
    %rem3A_35 = arith.remsi %get3A_32, %rem3A_34 : vector<16xi32>
    %swap3A_36 = arith.constant 0 : i32
    %swap3A_37 = arith.index_cast %swap3A_36 : i32 to index
    %swap3A_38 = arith.constant 32 : index
    %swap3A_39 = tpu.vector_load %arg5[%swap3A_37, %swap3A_38] {strides = array<i32>} : memref<4x128xi32, #tpu.memory_space<vmem>>, vector<1x16xi32>,
    %swap3A_40 = vector.shape_cast %swap3A_39 : vector<1x16xi32> to vector<16xi32>
    %swap3A_41 = vector.shape_cast %rem3A_35 : vector<16xi32> to vector<1x16xi32>
    tpu.vector_store %arg5[%swap3A_37, %swap3A_38], %swap3A_41 {strides = array<i32>} : memref<4x128xi32, #tpu.memory_space<vmem>>, vector<1x16xi32>,
    %get3A_42 = arith.constant 0 : i32
    %get3A_43 = arith.index_cast %get3A_42 : i32 to index
    %get3A_44 = arith.constant 48 : index
    %get3A_45 = tpu.vector_load %arg5[%get3A_43, %get3A_44] {strides = array<i32>} : memref<4x128xi32, #tpu.memory_space<vmem>>, vector<1x16xi32>,
    %get3A_46 = vector.shape_cast %get3A_45 : vector<1x16xi32> to vector<16xi32>
    %rem3A_47 = arith.constant 262144 : i32
    %rem3A_48 = vector.broadcast %rem3A_47 : i32 to vector<16xi32>
    %rem3A_49 = arith.remsi %get3A_46, %rem3A_48 : vector<16xi32>
    %swap3A_50 = arith.constant 0 : i32
    %swap3A_51 = arith.index_cast %swap3A_50 : i32 to index
    %swap3A_52 = arith.constant 48 : index
    %swap3A_53 = tpu.vector_load %arg5[%swap3A_51, %swap3A_52] {strides = array<i32>} : memref<4x128xi32, #tpu.memory_space<vmem>>, vector<1x16xi32>,
    %swap3A_54 = vector.shape_cast %swap3A_53 : vector<1x16xi32> to vector<16xi32>
    %swap3A_55 = vector.shape_cast %rem3A_49 : vector<16xi32> to vector<1x16xi32>
    tpu.vector_store %arg5[%swap3A_51, %swap3A_52], %swap3A_55 {strides = array<i32>} : memref<4x128xi32, #tpu.memory_space<vmem>>, vector<1x16xi32>,
    %get3A_56 = arith.constant 0 : i32
    %get3A_57 = arith.index_cast %get3A_56 : i32 to index
    %get3A_58 = arith.constant 64 : index
    %get3A_59 = tpu.vector_load %arg5[%get3A_57, %get3A_58] {strides = array<i32>} : memref<4x128xi32, #tpu.memory_space<vmem>>, vector<1x16xi32>,
    %get3A_60 = vector.shape_cast %get3A_59 : vector<1x16xi32> to vector<16xi32>
    %rem3A_61 = arith.constant 262144 : i32
    %rem3A_62 = vector.broadcast %rem3A_61 : i32 to vector<16xi32>
    %rem3A_63 = arith.remsi %get3A_60, %rem3A_62 : vector<16xi32>
    %swap3A_64 = arith.constant 0 : i32
    %swap3A_65 = arith.index_cast %swap3A_64 : i32 to index
    %swap3A_66 = arith.constant 64 : index
    %swap3A_67 = tpu.vector_load %arg5[%swap3A_65, %swap3A_66] {strides = array<i32>} : memref<4x128xi32, #tpu.memory_space<vmem>>, vector<1x16xi32>,
    %swap3A_68 = vector.shape_cast %swap3A_67 : vector<1x16xi32> to vector<16xi32>
    %swap3A_69 = vector.shape_cast %rem3A_63 : vector<16xi32> to vector<1x16xi32>
    tpu.vector_store %arg5[%swap3A_65, %swap3A_66], %swap3A_69 {strides = array<i32>} : memref<4x128xi32, #tpu.memory_space<vmem>>, vector<1x16xi32>,
    %get3A_70 = arith.constant 0 : i32
    %get3A_71 = arith.index_cast %get3A_70 : i32 to index
    %get3A_72 = arith.constant 80 : index
    %get3A_73 = tpu.vector_load %arg5[%get3A_71, %get3A_72] {strides = array<i32>} : memref<4x128xi32, #tpu.memory_space<vmem>>, vector<1x16xi32>,
    %get3A_74 = vector.shape_cast %get3A_73 : vector<1x16xi32> to vector<16xi32>
    %rem3A_75 = arith.constant 262144 : i32
    %rem3A_76 = vector.broadcast %rem3A_75 : i32 to vector<16xi32>
    %rem3A_77 = arith.remsi %get3A_74, %rem3A_76 : vector<16xi32>
    %swap3A_78 = arith.constant 0 : i32
    %swap3A_79 = arith.index_cast %swap3A_78 : i32 to index
    %swap3A_80 = arith.constant 80 : index
    %swap3A_81 = tpu.vector_load %arg5[%swap3A_79, %swap3A_80] {strides = array<i32>} : memref<4x128xi32, #tpu.memory_space<vmem>>, vector<1x16xi32>,
    %swap3A_82 = vector.shape_cast %swap3A_81 : vector<1x16xi32> to vector<16xi32>
    %swap3A_83 = vector.shape_cast %rem3A_77 : vector<16xi32> to vector<1x16xi32>
    tpu.vector_store %arg5[%swap3A_79, %swap3A_80], %swap3A_83 {strides = array<i32>} : memref<4x128xi32, #tpu.memory_space<vmem>>, vector<1x16xi32>,
    %get3A_84 = arith.constant 0 : i32
    %get3A_85 = arith.index_cast %get3A_84 : i32 to index
    %get3A_86 = arith.constant 96 : index
    %get3A_87 = tpu.vector_load %arg5[%get3A_85, %get3A_86] {strides = array<i32>} : memref<4x128xi32, #tpu.memory_space<vmem>>, vector<1x16xi32>,
    %get3A_88 = vector.shape_cast %get3A_87 : vector<1x16xi32> to vector<16xi32>
    %rem3A_89 = arith.constant 262144 : i32
    %rem3A_90 = vector.broadcast %rem3A_89 : i32 to vector<16xi32>
    %rem3A_91 = arith.remsi %get3A_88, %rem3A_90 : vector<16xi32>
    %swap3A_92 = arith.constant 0 : i32
    %swap3A_93 = arith.index_cast %swap3A_92 : i32 to index
    %swap3A_94 = arith.constant 96 : index
    %swap3A_95 = tpu.vector_load %arg5[%swap3A_93, %swap3A_94] {strides = array<i32>} : memref<4x128xi32, #tpu.memory_space<vmem>>, vector<1x16xi32>,
    %swap3A_96 = vector.shape_cast %swap3A_95 : vector<1x16xi32> to vector<16xi32>
    %swap3A_97 = vector.shape_cast %rem3A_91 : vector<16xi32> to vector<1x16xi32>
    tpu.vector_store %arg5[%swap3A_93, %swap3A_94], %swap3A_97 {strides = array<i32>} : memref<4x128xi32, #tpu.memory_space<vmem>>, vector<1x16xi32>,
    %get3A_98 = arith.constant 0 : i32
    %get3A_99 = arith.index_cast %get3A_98 : i32 to index
    %get3A_100 = arith.constant 112 : index
    %get3A_101 = tpu.vector_load %arg5[%get3A_99, %get3A_100] {strides = array<i32>} : memref<4x128xi32, #tpu.memory_space<vmem>>, vector<1x16xi32>,
    %get3A_102 = vector.shape_cast %get3A_101 : vector<1x16xi32> to vector<16xi32>
    %rem3A_103 = arith.constant 262144 : i32
    %rem3A_104 = vector.broadcast %rem3A_103 : i32 to vector<16xi32>
    %rem3A_105 = arith.remsi %get3A_102, %rem3A_104 : vector<16xi32>
    %swap3A_106 = arith.constant 0 : i32
    %swap3A_107 = arith.index_cast %swap3A_106 : i32 to index
    %swap3A_108 = arith.constant 112 : index
    %swap3A_109 = tpu.vector_load %arg5[%swap3A_107, %swap3A_108] {strides = array<i32>} : memref<4x128xi32, #tpu.memory_space<vmem>>, vector<1x16xi32>,
    %swap3A_110 = vector.shape_cast %swap3A_109 : vector<1x16xi32> to vector<16xi32>
    %swap3A_111 = vector.shape_cast %rem3A_105 : vector<16xi32> to vector<1x16xi32>
    tpu.vector_store %arg5[%swap3A_107, %swap3A_108], %swap3A_111 {strides = array<i32>} : memref<4x128xi32, #tpu.memory_space<vmem>>, vector<1x16xi32>,
    %get3A_112 = arith.constant 1 : i32
    %get3A_113 = arith.index_cast %get3A_112 : i32 to index
    %get3A_114 = arith.constant 0 : index
    %get3A_115 = tpu.vector_load %arg5[%get3A_113, %get3A_114] {strides = array<i32>} : memref<4x128xi32, #tpu.memory_space<vmem>>, vector<1x16xi32>,
    %get3A_116 = vector.shape_cast %get3A_115 : vector<1x16xi32> to vector<16xi32>
    %rem3A_117 = arith.constant 262144 : i32
    %rem3A_118 = vector.broadcast %rem3A_117 : i32 to vector<16xi32>
    %rem3A_119 = arith.remsi %get3A_116, %rem3A_118 : vector<16xi32>
    %swap3A_120 = arith.constant 1 : i32
    %swap3A_121 = arith.index_cast %swap3A_120 : i32 to index
    %swap3A_122 = arith.constant 0 : index
    %swap3A_123 = tpu.vector_load %arg5[%swap3A_121, %swap3A_122] {strides = array<i32>} : memref<4x128xi32, #tpu.memory_space<vmem>>, vector<1x16xi32>,
    %swap3A_124 = vector.shape_cast %swap3A_123 : vector<1x16xi32> to vector<16xi32>
    %swap3A_125 = vector.shape_cast %rem3A_119 : vector<16xi32> to vector<1x16xi32>
    tpu.vector_store %arg5[%swap3A_121, %swap3A_122], %swap3A_125 {strides = array<i32>} : memref<4x128xi32, #tpu.memory_space<vmem>>, vector<1x16xi32>,
    %get3A_126 = arith.constant 1 : i32
    %get3A_127 = arith.index_cast %get3A_126 : i32 to index
    %get3A_128 = arith.constant 16 : index
    %get3A_129 = tpu.vector_load %arg5[%get3A_127, %get3A_128] {strides = array<i32>} : memref<4x128xi32, #tpu.memory_space<vmem>>, vector<1x16xi32>,
    %get3A_130 = vector.shape_cast %get3A_129 : vector<1x16xi32> to vector<16xi32>
    %rem3A_131 = arith.constant 262144 : i32
    %rem3A_132 = vector.broadcast %rem3A_131 : i32 to vector<16xi32>
    %rem3A_133 = arith.remsi %get3A_130, %rem3A_132 : vector<16xi32>
    %swap3A_134 = arith.constant 1 : i32
    %swap3A_135 = arith.index_cast %swap3A_134 : i32 to index
    %swap3A_136 = arith.constant 16 : index
    %swap3A_137 = tpu.vector_load %arg5[%swap3A_135, %swap3A_136] {strides = array<i32>} : memref<4x128xi32, #tpu.memory_space<vmem>>, vector<1x16xi32>,
    %swap3A_138 = vector.shape_cast %swap3A_137 : vector<1x16xi32> to vector<16xi32>
    %swap3A_139 = vector.shape_cast %rem3A_133 : vector<16xi32> to vector<1x16xi32>
    tpu.vector_store %arg5[%swap3A_135, %swap3A_136], %swap3A_139 {strides = array<i32>} : memref<4x128xi32, #tpu.memory_space<vmem>>, vector<1x16xi32>,
    %get3A_140 = arith.constant 1 : i32
    %get3A_141 = arith.index_cast %get3A_140 : i32 to index
    %get3A_142 = arith.constant 32 : index
    %get3A_143 = tpu.vector_load %arg5[%get3A_141, %get3A_142] {strides = array<i32>} : memref<4x128xi32, #tpu.memory_space<vmem>>, vector<1x16xi32>,
    %get3A_144 = vector.shape_cast %get3A_143 : vector<1x16xi32> to vector<16xi32>
    %rem3A_145 = arith.constant 262144 : i32
    %rem3A_146 = vector.broadcast %rem3A_145 : i32 to vector<16xi32>
    %rem3A_147 = arith.remsi %get3A_144, %rem3A_146 : vector<16xi32>
    %swap3A_148 = arith.constant 1 : i32
    %swap3A_149 = arith.index_cast %swap3A_148 : i32 to index
    %swap3A_150 = arith.constant 32 : index
    %swap3A_151 = tpu.vector_load %arg5[%swap3A_149, %swap3A_150] {strides = array<i32>} : memref<4x128xi32, #tpu.memory_space<vmem>>, vector<1x16xi32>,
    %swap3A_152 = vector.shape_cast %swap3A_151 : vector<1x16xi32> to vector<16xi32>
    %swap3A_153 = vector.shape_cast %rem3A_147 : vector<16xi32> to vector<1x16xi32>
    tpu.vector_store %arg5[%swap3A_149, %swap3A_150], %swap3A_153 {strides = array<i32>} : memref<4x128xi32, #tpu.memory_space<vmem>>, vector<1x16xi32>,
    %get3A_154 = arith.constant 1 : i32
    %get3A_155 = arith.index_cast %get3A_154 : i32 to index
    %get3A_156 = arith.constant 48 : index
    %get3A_157 = tpu.vector_load %arg5[%get3A_155, %get3A_156] {strides = array<i32>} : memref<4x128xi32, #tpu.memory_space<vmem>>, vector<1x16xi32>,
    %get3A_158 = vector.shape_cast %get3A_157 : vector<1x16xi32> to vector<16xi32>
    %rem3A_159 = arith.constant 262144 : i32
    %rem3A_160 = vector.broadcast %rem3A_159 : i32 to vector<16xi32>
    %rem3A_161 = arith.remsi %get3A_158, %rem3A_160 : vector<16xi32>
    %swap3A_162 = arith.constant 1 : i32
    %swap3A_163 = arith.index_cast %swap3A_162 : i32 to index
    %swap3A_164 = arith.constant 48 : index
    %swap3A_165 = tpu.vector_load %arg5[%swap3A_163, %swap3A_164] {strides = array<i32>} : memref<4x128xi32, #tpu.memory_space<vmem>>, vector<1x16xi32>,
    %swap3A_166 = vector.shape_cast %swap3A_165 : vector<1x16xi32> to vector<16xi32>
    %swap3A_167 = vector.shape_cast %rem3A_161 : vector<16xi32> to vector<1x16xi32>
    tpu.vector_store %arg5[%swap3A_163, %swap3A_164], %swap3A_167 {strides = array<i32>} : memref<4x128xi32, #tpu.memory_space<vmem>>, vector<1x16xi32>,
    %get3A_168 = arith.constant 1 : i32
    %get3A_169 = arith.index_cast %get3A_168 : i32 to index
    %get3A_170 = arith.constant 64 : index
    %get3A_171 = tpu.vector_load %arg5[%get3A_169, %get3A_170] {strides = array<i32>} : memref<4x128xi32, #tpu.memory_space<vmem>>, vector<1x16xi32>,
    %get3A_172 = vector.shape_cast %get3A_171 : vector<1x16xi32> to vector<16xi32>
    %rem3A_173 = arith.constant 262144 : i32
    %rem3A_174 = vector.broadcast %rem3A_173 : i32 to vector<16xi32>
    %rem3A_175 = arith.remsi %get3A_172, %rem3A_174 : vector<16xi32>
    %swap3A_176 = arith.constant 1 : i32
    %swap3A_177 = arith.index_cast %swap3A_176 : i32 to index
    %swap3A_178 = arith.constant 64 : index
    %swap3A_179 = tpu.vector_load %arg5[%swap3A_177, %swap3A_178] {strides = array<i32>} : memref<4x128xi32, #tpu.memory_space<vmem>>, vector<1x16xi32>,
    %swap3A_180 = vector.shape_cast %swap3A_179 : vector<1x16xi32> to vector<16xi32>
    %swap3A_181 = vector.shape_cast %rem3A_175 : vector<16xi32> to vector<1x16xi32>
    tpu.vector_store %arg5[%swap3A_177, %swap3A_178], %swap3A_181 {strides = array<i32>} : memref<4x128xi32, #tpu.memory_space<vmem>>, vector<1x16xi32>,
    %get3A_182 = arith.constant 1 : i32
    %get3A_183 = arith.index_cast %get3A_182 : i32 to index
    %get3A_184 = arith.constant 80 : index
    %get3A_185 = tpu.vector_load %arg5[%get3A_183, %get3A_184] {strides = array<i32>} : memref<4x128xi32, #tpu.memory_space<vmem>>, vector<1x16xi32>,
    %get3A_186 = vector.shape_cast %get3A_185 : vector<1x16xi32> to vector<16xi32>
    %rem3A_187 = arith.constant 262144 : i32
    %rem3A_188 = vector.broadcast %rem3A_187 : i32 to vector<16xi32>
    %rem3A_189 = arith.remsi %get3A_186, %rem3A_188 : vector<16xi32>
    %swap3A_190 = arith.constant 1 : i32
    %swap3A_191 = arith.index_cast %swap3A_190 : i32 to index
    %swap3A_192 = arith.constant 80 : index
    %swap3A_193 = tpu.vector_load %arg5[%swap3A_191, %swap3A_192] {strides = array<i32>} : memref<4x128xi32, #tpu.memory_space<vmem>>, vector<1x16xi32>,
    %swap3A_194 = vector.shape_cast %swap3A_193 : vector<1x16xi32> to vector<16xi32>
    %swap3A_195 = vector.shape_cast %rem3A_189 : vector<16xi32> to vector<1x16xi32>
    tpu.vector_store %arg5[%swap3A_191, %swap3A_192], %swap3A_195 {strides = array<i32>} : memref<4x128xi32, #tpu.memory_space<vmem>>, vector<1x16xi32>,
    %get3A_196 = arith.constant 1 : i32
    %get3A_197 = arith.index_cast %get3A_196 : i32 to index
    %get3A_198 = arith.constant 96 : index
    %get3A_199 = tpu.vector_load %arg5[%get3A_197, %get3A_198] {strides = array<i32>} : memref<4x128xi32, #tpu.memory_space<vmem>>, vector<1x16xi32>,
    %get3A_200 = vector.shape_cast %get3A_199 : vector<1x16xi32> to vector<16xi32>
    %rem3A_201 = arith.constant 262144 : i32
    %rem3A_202 = vector.broadcast %rem3A_201 : i32 to vector<16xi32>
    %rem3A_203 = arith.remsi %get3A_200, %rem3A_202 : vector<16xi32>
    %swap3A_204 = arith.constant 1 : i32
    %swap3A_205 = arith.index_cast %swap3A_204 : i32 to index
    %swap3A_206 = arith.constant 96 : index
    %swap3A_207 = tpu.vector_load %arg5[%swap3A_205, %swap3A_206] {strides = array<i32>} : memref<4x128xi32, #tpu.memory_space<vmem>>, vector<1x16xi32>,
    %swap3A_208 = vector.shape_cast %swap3A_207 : vector<1x16xi32> to vector<16xi32>
    %swap3A_209 = vector.shape_cast %rem3A_203 : vector<16xi32> to vector<1x16xi32>
    tpu.vector_store %arg5[%swap3A_205, %swap3A_206], %swap3A_209 {strides = array<i32>} : memref<4x128xi32, #tpu.memory_space<vmem>>, vector<1x16xi32>,
    %get3A_210 = arith.constant 1 : i32
    %get3A_211 = arith.index_cast %get3A_210 : i32 to index
    %get3A_212 = arith.constant 112 : index
    %get3A_213 = tpu.vector_load %arg5[%get3A_211, %get3A_212] {strides = array<i32>} : memref<4x128xi32, #tpu.memory_space<vmem>>, vector<1x16xi32>,
    %get3A_214 = vector.shape_cast %get3A_213 : vector<1x16xi32> to vector<16xi32>
    %rem3A_215 = arith.constant 262144 : i32
    %rem3A_216 = vector.broadcast %rem3A_215 : i32 to vector<16xi32>
    %rem3A_217 = arith.remsi %get3A_214, %rem3A_216 : vector<16xi32>
    %swap3A_218 = arith.constant 1 : i32
    %swap3A_219 = arith.index_cast %swap3A_218 : i32 to index
    %swap3A_220 = arith.constant 112 : index
    %swap3A_221 = tpu.vector_load %arg5[%swap3A_219, %swap3A_220] {strides = array<i32>} : memref<4x128xi32, #tpu.memory_space<vmem>>, vector<1x16xi32>,
    %swap3A_222 = vector.shape_cast %swap3A_221 : vector<1x16xi32> to vector<16xi32>
    %swap3A_223 = vector.shape_cast %rem3A_217 : vector<16xi32> to vector<1x16xi32>
    tpu.vector_store %arg5[%swap3A_219, %swap3A_220], %swap3A_223 {strides = array<i32>} : memref<4x128xi32, #tpu.memory_space<vmem>>, vector<1x16xi32>,
    %get3A_224 = arith.constant 2 : i32
    %get3A_225 = arith.index_cast %get3A_224 : i32 to index
    %get3A_226 = arith.constant 0 : index
    %get3A_227 = tpu.vector_load %arg5[%get3A_225, %get3A_226] {strides = array<i32>} : memref<4x128xi32, #tpu.memory_space<vmem>>, vector<1x16xi32>,
    %get3A_228 = vector.shape_cast %get3A_227 : vector<1x16xi32> to vector<16xi32>
    %rem3A_229 = arith.constant 262144 : i32
    %rem3A_230 = vector.broadcast %rem3A_229 : i32 to vector<16xi32>
    %rem3A_231 = arith.remsi %get3A_228, %rem3A_230 : vector<16xi32>
    %swap3A_232 = arith.constant 2 : i32
    %swap3A_233 = arith.index_cast %swap3A_232 : i32 to index
    %swap3A_234 = arith.constant 0 : index
    %swap3A_235 = tpu.vector_load %arg5[%swap3A_233, %swap3A_234] {strides = array<i32>} : memref<4x128xi32, #tpu.memory_space<vmem>>, vector<1x16xi32>,
    %swap3A_236 = vector.shape_cast %swap3A_235 : vector<1x16xi32> to vector<16xi32>
    %swap3A_237 = vector.shape_cast %rem3A_231 : vector<16xi32> to vector<1x16xi32>
    tpu.vector_store %arg5[%swap3A_233, %swap3A_234], %swap3A_237 {strides = array<i32>} : memref<4x128xi32, #tpu.memory_space<vmem>>, vector<1x16xi32>,
    %get3A_238 = arith.constant 2 : i32
    %get3A_239 = arith.index_cast %get3A_238 : i32 to index
    %get3A_240 = arith.constant 16 : index
    %get3A_241 = tpu.vector_load %arg5[%get3A_239, %get3A_240] {strides = array<i32>} : memref<4x128xi32, #tpu.memory_space<vmem>>, vector<1x16xi32>,
    %get3A_242 = vector.shape_cast %get3A_241 : vector<1x16xi32> to vector<16xi32>
    %rem3A_243 = arith.constant 262144 : i32
    %rem3A_244 = vector.broadcast %rem3A_243 : i32 to vector<16xi32>
    %rem3A_245 = arith.remsi %get3A_242, %rem3A_244 : vector<16xi32>
    %swap3A_246 = arith.constant 2 : i32
    %swap3A_247 = arith.index_cast %swap3A_246 : i32 to index
    %swap3A_248 = arith.constant 16 : index
    %swap3A_249 = tpu.vector_load %arg5[%swap3A_247, %swap3A_248] {strides = array<i32>} : memref<4x128xi32, #tpu.memory_space<vmem>>, vector<1x16xi32>,
    %swap3A_250 = vector.shape_cast %swap3A_249 : vector<1x16xi32> to vector<16xi32>
    %swap3A_251 = vector.shape_cast %rem3A_245 : vector<16xi32> to vector<1x16xi32>
    tpu.vector_store %arg5[%swap3A_247, %swap3A_248], %swap3A_251 {strides = array<i32>} : memref<4x128xi32, #tpu.memory_space<vmem>>, vector<1x16xi32>,
    %get3A_252 = arith.constant 2 : i32
    %get3A_253 = arith.index_cast %get3A_252 : i32 to index
    %get3A_254 = arith.constant 32 : index
    %get3A_255 = tpu.vector_load %arg5[%get3A_253, %get3A_254] {strides = array<i32>} : memref<4x128xi32, #tpu.memory_space<vmem>>, vector<1x16xi32>,
    %get3A_256 = vector.shape_cast %get3A_255 : vector<1x16xi32> to vector<16xi32>
    %rem3A_257 = arith.constant 262144 : i32
    %rem3A_258 = vector.broadcast %rem3A_257 : i32 to vector<16xi32>
    %rem3A_259 = arith.remsi %get3A_256, %rem3A_258 : vector<16xi32>
    %swap3A_260 = arith.constant 2 : i32
    %swap3A_261 = arith.index_cast %swap3A_260 : i32 to index
    %swap3A_262 = arith.constant 32 : index
    %swap3A_263 = tpu.vector_load %arg5[%swap3A_261, %swap3A_262] {strides = array<i32>} : memref<4x128xi32, #tpu.memory_space<vmem>>, vector<1x16xi32>,
    %swap3A_264 = vector.shape_cast %swap3A_263 : vector<1x16xi32> to vector<16xi32>
    %swap3A_265 = vector.shape_cast %rem3A_259 : vector<16xi32> to vector<1x16xi32>
    tpu.vector_store %arg5[%swap3A_261, %swap3A_262], %swap3A_265 {strides = array<i32>} : memref<4x128xi32, #tpu.memory_space<vmem>>, vector<1x16xi32>,
    %get3A_266 = arith.constant 2 : i32
    %get3A_267 = arith.index_cast %get3A_266 : i32 to index
    %get3A_268 = arith.constant 48 : index
    %get3A_269 = tpu.vector_load %arg5[%get3A_267, %get3A_268] {strides = array<i32>} : memref<4x128xi32, #tpu.memory_space<vmem>>, vector<1x16xi32>,
    %get3A_270 = vector.shape_cast %get3A_269 : vector<1x16xi32> to vector<16xi32>
    %rem3A_271 = arith.constant 262144 : i32
    %rem3A_272 = vector.broadcast %rem3A_271 : i32 to vector<16xi32>
    %rem3A_273 = arith.remsi %get3A_270, %rem3A_272 : vector<16xi32>
    %swap3A_274 = arith.constant 2 : i32
    %swap3A_275 = arith.index_cast %swap3A_274 : i32 to index
    %swap3A_276 = arith.constant 48 : index
    %swap3A_277 = tpu.vector_load %arg5[%swap3A_275, %swap3A_276] {strides = array<i32>} : memref<4x128xi32, #tpu.memory_space<vmem>>, vector<1x16xi32>,
    %swap3A_278 = vector.shape_cast %swap3A_277 : vector<1x16xi32> to vector<16xi32>
    %swap3A_279 = vector.shape_cast %rem3A_273 : vector<16xi32> to vector<1x16xi32>
    tpu.vector_store %arg5[%swap3A_275, %swap3A_276], %swap3A_279 {strides = array<i32>} : memref<4x128xi32, #tpu.memory_space<vmem>>, vector<1x16xi32>,
    %get3A_280 = arith.constant 2 : i32
    %get3A_281 = arith.index_cast %get3A_280 : i32 to index
    %get3A_282 = arith.constant 64 : index
    %get3A_283 = tpu.vector_load %arg5[%get3A_281, %get3A_282] {strides = array<i32>} : memref<4x128xi32, #tpu.memory_space<vmem>>, vector<1x16xi32>,
    %get3A_284 = vector.shape_cast %get3A_283 : vector<1x16xi32> to vector<16xi32>
    %rem3A_285 = arith.constant 262144 : i32
    %rem3A_286 = vector.broadcast %rem3A_285 : i32 to vector<16xi32>
    %rem3A_287 = arith.remsi %get3A_284, %rem3A_286 : vector<16xi32>
    %swap3A_288 = arith.constant 2 : i32
    %swap3A_289 = arith.index_cast %swap3A_288 : i32 to index
    %swap3A_290 = arith.constant 64 : index
    %swap3A_291 = tpu.vector_load %arg5[%swap3A_289, %swap3A_290] {strides = array<i32>} : memref<4x128xi32, #tpu.memory_space<vmem>>, vector<1x16xi32>,
    %swap3A_292 = vector.shape_cast %swap3A_291 : vector<1x16xi32> to vector<16xi32>
    %swap3A_293 = vector.shape_cast %rem3A_287 : vector<16xi32> to vector<1x16xi32>
    tpu.vector_store %arg5[%swap3A_289, %swap3A_290], %swap3A_293 {strides = array<i32>} : memref<4x128xi32, #tpu.memory_space<vmem>>, vector<1x16xi32>,
    %get3A_294 = arith.constant 2 : i32
    %get3A_295 = arith.index_cast %get3A_294 : i32 to index
    %get3A_296 = arith.constant 80 : index
    %get3A_297 = tpu.vector_load %arg5[%get3A_295, %get3A_296] {strides = array<i32>} : memref<4x128xi32, #tpu.memory_space<vmem>>, vector<1x16xi32>,
    %get3A_298 = vector.shape_cast %get3A_297 : vector<1x16xi32> to vector<16xi32>
    %rem3A_299 = arith.constant 262144 : i32
    %rem3A_300 = vector.broadcast %rem3A_299 : i32 to vector<16xi32>
    %rem3A_301 = arith.remsi %get3A_298, %rem3A_300 : vector<16xi32>
    %swap3A_302 = arith.constant 2 : i32
    %swap3A_303 = arith.index_cast %swap3A_302 : i32 to index
    %swap3A_304 = arith.constant 80 : index
    %swap3A_305 = tpu.vector_load %arg5[%swap3A_303, %swap3A_304] {strides = array<i32>} : memref<4x128xi32, #tpu.memory_space<vmem>>, vector<1x16xi32>,
    %swap3A_306 = vector.shape_cast %swap3A_305 : vector<1x16xi32> to vector<16xi32>
    %swap3A_307 = vector.shape_cast %rem3A_301 : vector<16xi32> to vector<1x16xi32>
    tpu.vector_store %arg5[%swap3A_303, %swap3A_304], %swap3A_307 {strides = array<i32>} : memref<4x128xi32, #tpu.memory_space<vmem>>, vector<1x16xi32>,
    %get3A_308 = arith.constant 2 : i32
    %get3A_309 = arith.index_cast %get3A_308 : i32 to index
    %get3A_310 = arith.constant 96 : index
    %get3A_311 = tpu.vector_load %arg5[%get3A_309, %get3A_310] {strides = array<i32>} : memref<4x128xi32, #tpu.memory_space<vmem>>, vector<1x16xi32>,
    %get3A_312 = vector.shape_cast %get3A_311 : vector<1x16xi32> to vector<16xi32>
    %rem3A_313 = arith.constant 262144 : i32
    %rem3A_314 = vector.broadcast %rem3A_313 : i32 to vector<16xi32>
    %rem3A_315 = arith.remsi %get3A_312, %rem3A_314 : vector<16xi32>
    %swap3A_316 = arith.constant 2 : i32
    %swap3A_317 = arith.index_cast %swap3A_316 : i32 to index
    %swap3A_318 = arith.constant 96 : index
    %swap3A_319 = tpu.vector_load %arg5[%swap3A_317, %swap3A_318] {strides = array<i32>} : memref<4x128xi32, #tpu.memory_space<vmem>>, vector<1x16xi32>,
    %swap3A_320 = vector.shape_cast %swap3A_319 : vector<1x16xi32> to vector<16xi32>
    %swap3A_321 = vector.shape_cast %rem3A_315 : vector<16xi32> to vector<1x16xi32>
    tpu.vector_store %arg5[%swap3A_317, %swap3A_318], %swap3A_321 {strides = array<i32>} : memref<4x128xi32, #tpu.memory_space<vmem>>, vector<1x16xi32>,
    %get3A_322 = arith.constant 2 : i32
    %get3A_323 = arith.index_cast %get3A_322 : i32 to index
    %get3A_324 = arith.constant 112 : index
    %get3A_325 = tpu.vector_load %arg5[%get3A_323, %get3A_324] {strides = array<i32>} : memref<4x128xi32, #tpu.memory_space<vmem>>, vector<1x16xi32>,
    %get3A_326 = vector.shape_cast %get3A_325 : vector<1x16xi32> to vector<16xi32>
    %rem3A_327 = arith.constant 262144 : i32
    %rem3A_328 = vector.broadcast %rem3A_327 : i32 to vector<16xi32>
    %rem3A_329 = arith.remsi %get3A_326, %rem3A_328 : vector<16xi32>
    %swap3A_330 = arith.constant 2 : i32
    %swap3A_331 = arith.index_cast %swap3A_330 : i32 to index
    %swap3A_332 = arith.constant 112 : index
    %swap3A_333 = tpu.vector_load %arg5[%swap3A_331, %swap3A_332] {strides = array<i32>} : memref<4x128xi32, #tpu.memory_space<vmem>>, vector<1x16xi32>,
    %swap3A_334 = vector.shape_cast %swap3A_333 : vector<1x16xi32> to vector<16xi32>
    %swap3A_335 = vector.shape_cast %rem3A_329 : vector<16xi32> to vector<1x16xi32>
    tpu.vector_store %arg5[%swap3A_331, %swap3A_332], %swap3A_335 {strides = array<i32>} : memref<4x128xi32, #tpu.memory_space<vmem>>, vector<1x16xi32>,
    %get3A_336 = arith.constant 3 : i32
    %get3A_337 = arith.index_cast %get3A_336 : i32 to index
    %get3A_338 = arith.constant 0 : index
    %get3A_339 = tpu.vector_load %arg5[%get3A_337, %get3A_338] {strides = array<i32>} : memref<4x128xi32, #tpu.memory_space<vmem>>, vector<1x16xi32>,
    %get3A_340 = vector.shape_cast %get3A_339 : vector<1x16xi32> to vector<16xi32>
    %rem3A_341 = arith.constant 262144 : i32
    %rem3A_342 = vector.broadcast %rem3A_341 : i32 to vector<16xi32>
    %rem3A_343 = arith.remsi %get3A_340, %rem3A_342 : vector<16xi32>
    %swap3A_344 = arith.constant 3 : i32
    %swap3A_345 = arith.index_cast %swap3A_344 : i32 to index
    %swap3A_346 = arith.constant 0 : index
    %swap3A_347 = tpu.vector_load %arg5[%swap3A_345, %swap3A_346] {strides = array<i32>} : memref<4x128xi32, #tpu.memory_space<vmem>>, vector<1x16xi32>,
    %swap3A_348 = vector.shape_cast %swap3A_347 : vector<1x16xi32> to vector<16xi32>
    %swap3A_349 = vector.shape_cast %rem3A_343 : vector<16xi32> to vector<1x16xi32>
    tpu.vector_store %arg5[%swap3A_345, %swap3A_346], %swap3A_349 {strides = array<i32>} : memref<4x128xi32, #tpu.memory_space<vmem>>, vector<1x16xi32>,
    %get3A_350 = arith.constant 3 : i32
    %get3A_351 = arith.index_cast %get3A_350 : i32 to index
    %get3A_352 = arith.constant 16 : index
    %get3A_353 = tpu.vector_load %arg5[%get3A_351, %get3A_352] {strides = array<i32>} : memref<4x128xi32, #tpu.memory_space<vmem>>, vector<1x16xi32>,
    %get3A_354 = vector.shape_cast %get3A_353 : vector<1x16xi32> to vector<16xi32>
    %rem3A_355 = arith.constant 262144 : i32
    %rem3A_356 = vector.broadcast %rem3A_355 : i32 to vector<16xi32>
    %rem3A_357 = arith.remsi %get3A_354, %rem3A_356 : vector<16xi32>
    %swap3A_358 = arith.constant 3 : i32
    %swap3A_359 = arith.index_cast %swap3A_358 : i32 to index
    %swap3A_360 = arith.constant 16 : index
    %swap3A_361 = tpu.vector_load %arg5[%swap3A_359, %swap3A_360] {strides = array<i32>} : memref<4x128xi32, #tpu.memory_space<vmem>>, vector<1x16xi32>,
    %swap3A_362 = vector.shape_cast %swap3A_361 : vector<1x16xi32> to vector<16xi32>
    %swap3A_363 = vector.shape_cast %rem3A_357 : vector<16xi32> to vector<1x16xi32>
    tpu.vector_store %arg5[%swap3A_359, %swap3A_360], %swap3A_363 {strides = array<i32>} : memref<4x128xi32, #tpu.memory_space<vmem>>, vector<1x16xi32>,
    %get3A_364 = arith.constant 3 : i32
    %get3A_365 = arith.index_cast %get3A_364 : i32 to index
    %get3A_366 = arith.constant 32 : index
    %get3A_367 = tpu.vector_load %arg5[%get3A_365, %get3A_366] {strides = array<i32>} : memref<4x128xi32, #tpu.memory_space<vmem>>, vector<1x16xi32>,
    %get3A_368 = vector.shape_cast %get3A_367 : vector<1x16xi32> to vector<16xi32>
    %rem3A_369 = arith.constant 262144 : i32
    %rem3A_370 = vector.broadcast %rem3A_369 : i32 to vector<16xi32>
    %rem3A_371 = arith.remsi %get3A_368, %rem3A_370 : vector<16xi32>
    %swap3A_372 = arith.constant 3 : i32
    %swap3A_373 = arith.index_cast %swap3A_372 : i32 to index
    %swap3A_374 = arith.constant 32 : index
    %swap3A_375 = tpu.vector_load %arg5[%swap3A_373, %swap3A_374] {strides = array<i32>} : memref<4x128xi32, #tpu.memory_space<vmem>>, vector<1x16xi32>,
    %swap3A_376 = vector.shape_cast %swap3A_375 : vector<1x16xi32> to vector<16xi32>
    %swap3A_377 = vector.shape_cast %rem3A_371 : vector<16xi32> to vector<1x16xi32>
    tpu.vector_store %arg5[%swap3A_373, %swap3A_374], %swap3A_377 {strides = array<i32>} : memref<4x128xi32, #tpu.memory_space<vmem>>, vector<1x16xi32>,
    %get3A_378 = arith.constant 3 : i32
    %get3A_379 = arith.index_cast %get3A_378 : i32 to index
    %get3A_380 = arith.constant 48 : index
    %get3A_381 = tpu.vector_load %arg5[%get3A_379, %get3A_380] {strides = array<i32>} : memref<4x128xi32, #tpu.memory_space<vmem>>, vector<1x16xi32>,
    %get3A_382 = vector.shape_cast %get3A_381 : vector<1x16xi32> to vector<16xi32>
    %rem3A_383 = arith.constant 262144 : i32
    %rem3A_384 = vector.broadcast %rem3A_383 : i32 to vector<16xi32>
    %rem3A_385 = arith.remsi %get3A_382, %rem3A_384 : vector<16xi32>
    %swap3A_386 = arith.constant 3 : i32
    %swap3A_387 = arith.index_cast %swap3A_386 : i32 to index
    %swap3A_388 = arith.constant 48 : index
    %swap3A_389 = tpu.vector_load %arg5[%swap3A_387, %swap3A_388] {strides = array<i32>} : memref<4x128xi32, #tpu.memory_space<vmem>>, vector<1x16xi32>,
    %swap3A_390 = vector.shape_cast %swap3A_389 : vector<1x16xi32> to vector<16xi32>
    %swap3A_391 = vector.shape_cast %rem3A_385 : vector<16xi32> to vector<1x16xi32>
    tpu.vector_store %arg5[%swap3A_387, %swap3A_388], %swap3A_391 {strides = array<i32>} : memref<4x128xi32, #tpu.memory_space<vmem>>, vector<1x16xi32>,
    %get3A_392 = arith.constant 3 : i32
    %get3A_393 = arith.index_cast %get3A_392 : i32 to index
    %get3A_394 = arith.constant 64 : index
    %get3A_395 = tpu.vector_load %arg5[%get3A_393, %get3A_394] {strides = array<i32>} : memref<4x128xi32, #tpu.memory_space<vmem>>, vector<1x16xi32>,
    %get3A_396 = vector.shape_cast %get3A_395 : vector<1x16xi32> to vector<16xi32>
    %rem3A_397 = arith.constant 262144 : i32
    %rem3A_398 = vector.broadcast %rem3A_397 : i32 to vector<16xi32>
    %rem3A_399 = arith.remsi %get3A_396, %rem3A_398 : vector<16xi32>
    %swap3A_400 = arith.constant 3 : i32
    %swap3A_401 = arith.index_cast %swap3A_400 : i32 to index
    %swap3A_402 = arith.constant 64 : index
    %swap3A_403 = tpu.vector_load %arg5[%swap3A_401, %swap3A_402] {strides = array<i32>} : memref<4x128xi32, #tpu.memory_space<vmem>>, vector<1x16xi32>,
    %swap3A_404 = vector.shape_cast %swap3A_403 : vector<1x16xi32> to vector<16xi32>
    %swap3A_405 = vector.shape_cast %rem3A_399 : vector<16xi32> to vector<1x16xi32>
    tpu.vector_store %arg5[%swap3A_401, %swap3A_402], %swap3A_405 {strides = array<i32>} : memref<4x128xi32, #tpu.memory_space<vmem>>, vector<1x16xi32>,
    %get3A_406 = arith.constant 3 : i32
    %get3A_407 = arith.index_cast %get3A_406 : i32 to index
    %get3A_408 = arith.constant 80 : index
    %get3A_409 = tpu.vector_load %arg5[%get3A_407, %get3A_408] {strides = array<i32>} : memref<4x128xi32, #tpu.memory_space<vmem>>, vector<1x16xi32>,
    %get3A_410 = vector.shape_cast %get3A_409 : vector<1x16xi32> to vector<16xi32>
    %rem3A_411 = arith.constant 262144 : i32
    %rem3A_412 = vector.broadcast %rem3A_411 : i32 to vector<16xi32>
    %rem3A_413 = arith.remsi %get3A_410, %rem3A_412 : vector<16xi32>
    %swap3A_414 = arith.constant 3 : i32
    %swap3A_415 = arith.index_cast %swap3A_414 : i32 to index
    %swap3A_416 = arith.constant 80 : index
    %swap3A_417 = tpu.vector_load %arg5[%swap3A_415, %swap3A_416] {strides = array<i32>} : memref<4x128xi32, #tpu.memory_space<vmem>>, vector<1x16xi32>,
    %swap3A_418 = vector.shape_cast %swap3A_417 : vector<1x16xi32> to vector<16xi32>
    %swap3A_419 = vector.shape_cast %rem3A_413 : vector<16xi32> to vector<1x16xi32>
    tpu.vector_store %arg5[%swap3A_415, %swap3A_416], %swap3A_419 {strides = array<i32>} : memref<4x128xi32, #tpu.memory_space<vmem>>, vector<1x16xi32>,
    %get3A_420 = arith.constant 3 : i32
    %get3A_421 = arith.index_cast %get3A_420 : i32 to index
    %get3A_422 = arith.constant 96 : index
    %get3A_423 = tpu.vector_load %arg5[%get3A_421, %get3A_422] {strides = array<i32>} : memref<4x128xi32, #tpu.memory_space<vmem>>, vector<1x16xi32>,
    %get3A_424 = vector.shape_cast %get3A_423 : vector<1x16xi32> to vector<16xi32>
    %rem3A_425 = arith.constant 262144 : i32
    %rem3A_426 = vector.broadcast %rem3A_425 : i32 to vector<16xi32>
    %rem3A_427 = arith.remsi %get3A_424, %rem3A_426 : vector<16xi32>
    %swap3A_428 = arith.constant 3 : i32
    %swap3A_429 = arith.index_cast %swap3A_428 : i32 to index
    %swap3A_430 = arith.constant 96 : index
    %swap3A_431 = tpu.vector_load %arg5[%swap3A_429, %swap3A_430] {strides = array<i32>} : memref<4x128xi32, #tpu.memory_space<vmem>>, vector<1x16xi32>,
    %swap3A_432 = vector.shape_cast %swap3A_431 : vector<1x16xi32> to vector<16xi32>
    %swap3A_433 = vector.shape_cast %rem3A_427 : vector<16xi32> to vector<1x16xi32>
    tpu.vector_store %arg5[%swap3A_429, %swap3A_430], %swap3A_433 {strides = array<i32>} : memref<4x128xi32, #tpu.memory_space<vmem>>, vector<1x16xi32>,
    %get3A_434 = arith.constant 3 : i32
    %get3A_435 = arith.index_cast %get3A_434 : i32 to index
    %get3A_436 = arith.constant 112 : index
    %get3A_437 = tpu.vector_load %arg5[%get3A_435, %get3A_436] {strides = array<i32>} : memref<4x128xi32, #tpu.memory_space<vmem>>, vector<1x16xi32>,
    %get3A_438 = vector.shape_cast %get3A_437 : vector<1x16xi32> to vector<16xi32>
    %rem3A_439 = arith.constant 262144 : i32
    %rem3A_440 = vector.broadcast %rem3A_439 : i32 to vector<16xi32>
    %rem3A_441 = arith.remsi %get3A_438, %rem3A_440 : vector<16xi32>
    %swap3A_442 = arith.constant 3 : i32
    %swap3A_443 = arith.index_cast %swap3A_442 : i32 to index
    %swap3A_444 = arith.constant 112 : index
    %swap3A_445 = tpu.vector_load %arg5[%swap3A_443, %swap3A_444] {strides = array<i32>} : memref<4x128xi32, #tpu.memory_space<vmem>>, vector<1x16xi32>,
    %swap3A_446 = vector.shape_cast %swap3A_445 : vector<1x16xi32> to vector<16xi32>
    %swap3A_447 = vector.shape_cast %rem3A_441 : vector<16xi32> to vector<1x16xi32>
    tpu.vector_store %arg5[%swap3A_443, %swap3A_444], %swap3A_447 {strides = array<i32>} : memref<4x128xi32, #tpu.memory_space<vmem>>, vector<1x16xi32>,
    %dma_start3A = arith.constant 0 : i32
    %dma_start3A_448 = arith.constant 0 : i32
    %dma_start3A_449 = arith.constant 0 : i32
    %dma_start3A_450 = tpu.memref_slice %arg6[%dma_start3A_448, %dma_start3A_449] : memref<512x128xf32, #tpu.memory_space<vmem>> -> memref<128x128xf32, #tpu.memory_space<vmem>>
    %dma_start3A_451 = arith.constant 0 : i32
    %dma_start3A_452 = tpu.memref_slice %arg5[%dma_start3A, %dma_start3A_451] : memref<4x128xi32, #tpu.memory_space<vmem>> -> memref<1x128xi32, #tpu.memory_space<vmem>>
    %dma_start3A_453 = tpu.memref_squeeze %dma_start3A_452 : memref<1x128xi32, #tpu.memory_space<vmem>> -> memref<128xi32, #tpu.memory_space<vmem>>
    %dma_start3A_454 = arith.constant 0 : i32
    %dma_start3A_455 = arith.constant 0 : i32
    %dma_start3A_456 = tpu.memref_slice %arg2[%dma_start3A_454, %dma_start3A_455] : memref<262144x128xf32, #tpu.memory_space<hbm>> -> memref<262144x128xf32, #tpu.memory_space<hbm>>
    tpu.enqueue_indirect_dma source(%dma_start3A_456 : memref<262144x128xf32, #tpu.memory_space<hbm>>) target(%dma_start3A_450 : memref<128x128xf32, #tpu.memory_space<vmem>>) offsets(%dma_start3A_453 : memref<128xi32, #tpu.memory_space<vmem>>) semaphore(%arg7 : memref<!tpu.dma_semaphore, #tpu.memory_space<semaphore_mem>>)
    %dma_start3A_457 = arith.constant 1 : i32
    %dma_start3A_458 = arith.constant 128 : i32
    %dma_start3A_459 = arith.constant 0 : i32
    %dma_start3A_460 = tpu.memref_slice %arg6[%dma_start3A_458, %dma_start3A_459] : memref<512x128xf32, #tpu.memory_space<vmem>> -> memref<128x128xf32, #tpu.memory_space<vmem>>
    %dma_start3A_461 = arith.constant 0 : i32
    %dma_start3A_462 = tpu.memref_slice %arg5[%dma_start3A_457, %dma_start3A_461] : memref<4x128xi32, #tpu.memory_space<vmem>> -> memref<1x128xi32, #tpu.memory_space<vmem>>
    %dma_start3A_463 = tpu.memref_squeeze %dma_start3A_462 : memref<1x128xi32, #tpu.memory_space<vmem>> -> memref<128xi32, #tpu.memory_space<vmem>>
    %dma_start3A_464 = arith.constant 0 : i32
    %dma_start3A_465 = arith.constant 0 : i32
    %dma_start3A_466 = tpu.memref_slice %arg2[%dma_start3A_464, %dma_start3A_465] : memref<262144x128xf32, #tpu.memory_space<hbm>> -> memref<262144x128xf32, #tpu.memory_space<hbm>>
    tpu.enqueue_indirect_dma source(%dma_start3A_466 : memref<262144x128xf32, #tpu.memory_space<hbm>>) target(%dma_start3A_460 : memref<128x128xf32, #tpu.memory_space<vmem>>) offsets(%dma_start3A_463 : memref<128xi32, #tpu.memory_space<vmem>>) semaphore(%arg7 : memref<!tpu.dma_semaphore, #tpu.memory_space<semaphore_mem>>)
    %dma_start3A_467 = arith.constant 2 : i32
    %dma_start3A_468 = arith.constant 256 : i32
    %dma_start3A_469 = arith.constant 0 : i32
    %dma_start3A_470 = tpu.memref_slice %arg6[%dma_start3A_468, %dma_start3A_469] : memref<512x128xf32, #tpu.memory_space<vmem>> -> memref<128x128xf32, #tpu.memory_space<vmem>>
    %dma_start3A_471 = arith.constant 0 : i32
    %dma_start3A_472 = tpu.memref_slice %arg5[%dma_start3A_467, %dma_start3A_471] : memref<4x128xi32, #tpu.memory_space<vmem>> -> memref<1x128xi32, #tpu.memory_space<vmem>>
    %dma_start3A_473 = tpu.memref_squeeze %dma_start3A_472 : memref<1x128xi32, #tpu.memory_space<vmem>> -> memref<128xi32, #tpu.memory_space<vmem>>
    %dma_start3A_474 = arith.constant 0 : i32
    %dma_start3A_475 = arith.constant 0 : i32
    %dma_start3A_476 = tpu.memref_slice %arg2[%dma_start3A_474, %dma_start3A_475] : memref<262144x128xf32, #tpu.memory_space<hbm>> -> memref<262144x128xf32, #tpu.memory_space<hbm>>
    tpu.enqueue_indirect_dma source(%dma_start3A_476 : memref<262144x128xf32, #tpu.memory_space<hbm>>) target(%dma_start3A_470 : memref<128x128xf32, #tpu.memory_space<vmem>>) offsets(%dma_start3A_473 : memref<128xi32, #tpu.memory_space<vmem>>) semaphore(%arg7 : memref<!tpu.dma_semaphore, #tpu.memory_space<semaphore_mem>>)
    %dma_start3A_477 = arith.constant 3 : i32
    %dma_start3A_478 = arith.constant 384 : i32
    %dma_start3A_479 = arith.constant 0 : i32
    %dma_start3A_480 = tpu.memref_slice %arg6[%dma_start3A_478, %dma_start3A_479] : memref<512x128xf32, #tpu.memory_space<vmem>> -> memref<128x128xf32, #tpu.memory_space<vmem>>
    %dma_start3A_481 = arith.constant 0 : i32
    %dma_start3A_482 = tpu.memref_slice %arg5[%dma_start3A_477, %dma_start3A_481] : memref<4x128xi32, #tpu.memory_space<vmem>> -> memref<1x128xi32, #tpu.memory_space<vmem>>
    %dma_start3A_483 = tpu.memref_squeeze %dma_start3A_482 : memref<1x128xi32, #tpu.memory_space<vmem>> -> memref<128xi32, #tpu.memory_space<vmem>>
    %dma_start3A_484 = arith.constant 0 : i32
    %dma_start3A_485 = arith.constant 0 : i32
    %dma_start3A_486 = tpu.memref_slice %arg2[%dma_start3A_484, %dma_start3A_485] : memref<262144x128xf32, #tpu.memory_space<hbm>> -> memref<262144x128xf32, #tpu.memory_space<hbm>>
    tpu.enqueue_indirect_dma source(%dma_start3A_486 : memref<262144x128xf32, #tpu.memory_space<hbm>>) target(%dma_start3A_480 : memref<128x128xf32, #tpu.memory_space<vmem>>) offsets(%dma_start3A_483 : memref<128xi32, #tpu.memory_space<vmem>>) semaphore(%arg7 : memref<!tpu.dma_semaphore, #tpu.memory_space<semaphore_mem>>)
    %dma_wait3A = arith.constant 0 : i32
    %dma_wait3A_487 = arith.constant 0 : i32
    %dma_wait3A_488 = arith.constant 0 : i32
    %dma_wait3A_489 = tpu.memref_slice %arg6[%dma_wait3A_487, %dma_wait3A_488] : memref<512x128xf32, #tpu.memory_space<vmem>> -> memref<128x128xf32, #tpu.memory_space<vmem>>
    %dma_wait3A_490 = arith.constant 0 : i32
    %dma_wait3A_491 = tpu.memref_slice %arg5[%dma_wait3A, %dma_wait3A_490] : memref<4x128xi32, #tpu.memory_space<vmem>> -> memref<1x128xi32, #tpu.memory_space<vmem>>
    %dma_wait3A_492 = tpu.memref_squeeze %dma_wait3A_491 : memref<1x128xi32, #tpu.memory_space<vmem>> -> memref<128xi32, #tpu.memory_space<vmem>>
    %dma_wait3A_493 = arith.constant 0 : i32
    %dma_wait3A_494 = arith.constant 0 : i32
    %dma_wait3A_495 = tpu.memref_slice %arg2[%dma_wait3A_493, %dma_wait3A_494] : memref<262144x128xf32, #tpu.memory_space<hbm>> -> memref<262144x128xf32, #tpu.memory_space<hbm>>
    tpu.wait_indirect_dma semaphore(%arg7 : memref<!tpu.dma_semaphore, #tpu.memory_space<semaphore_mem>>) src(%dma_wait3A_495 : memref<262144x128xf32, #tpu.memory_space<hbm>>) dst(%dma_wait3A_489 : memref<128x128xf32, #tpu.memory_space<vmem>>)
    %dma_wait3A_496 = arith.constant 1 : i32
    %dma_wait3A_497 = arith.constant 128 : i32
    %dma_wait3A_498 = arith.constant 0 : i32
    %dma_wait3A_499 = tpu.memref_slice %arg6[%dma_wait3A_497, %dma_wait3A_498] : memref<512x128xf32, #tpu.memory_space<vmem>> -> memref<128x128xf32, #tpu.memory_space<vmem>>
    %dma_wait3A_500 = arith.constant 0 : i32
    %dma_wait3A_501 = tpu.memref_slice %arg5[%dma_wait3A_496, %dma_wait3A_500] : memref<4x128xi32, #tpu.memory_space<vmem>> -> memref<1x128xi32, #tpu.memory_space<vmem>>
    %dma_wait3A_502 = tpu.memref_squeeze %dma_wait3A_501 : memref<1x128xi32, #tpu.memory_space<vmem>> -> memref<128xi32, #tpu.memory_space<vmem>>
    %dma_wait3A_503 = arith.constant 0 : i32
    %dma_wait3A_504 = arith.constant 0 : i32
    %dma_wait3A_505 = tpu.memref_slice %arg2[%dma_wait3A_503, %dma_wait3A_504] : memref<262144x128xf32, #tpu.memory_space<hbm>> -> memref<262144x128xf32, #tpu.memory_space<hbm>>
    tpu.wait_indirect_dma semaphore(%arg7 : memref<!tpu.dma_semaphore, #tpu.memory_space<semaphore_mem>>) src(%dma_wait3A_505 : memref<262144x128xf32, #tpu.memory_space<hbm>>) dst(%dma_wait3A_499 : memref<128x128xf32, #tpu.memory_space<vmem>>)
    %dma_wait3A_506 = arith.constant 2 : i32
    %dma_wait3A_507 = arith.constant 256 : i32
    %dma_wait3A_508 = arith.constant 0 : i32
    %dma_wait3A_509 = tpu.memref_slice %arg6[%dma_wait3A_507, %dma_wait3A_508] : memref<512x128xf32, #tpu.memory_space<vmem>> -> memref<128x128xf32, #tpu.memory_space<vmem>>
    %dma_wait3A_510 = arith.constant 0 : i32
    %dma_wait3A_511 = tpu.memref_slice %arg5[%dma_wait3A_506, %dma_wait3A_510] : memref<4x128xi32, #tpu.memory_space<vmem>> -> memref<1x128xi32, #tpu.memory_space<vmem>>
    %dma_wait3A_512 = tpu.memref_squeeze %dma_wait3A_511 : memref<1x128xi32, #tpu.memory_space<vmem>> -> memref<128xi32, #tpu.memory_space<vmem>>
    %dma_wait3A_513 = arith.constant 0 : i32
    %dma_wait3A_514 = arith.constant 0 : i32
    %dma_wait3A_515 = tpu.memref_slice %arg2[%dma_wait3A_513, %dma_wait3A_514] : memref<262144x128xf32, #tpu.memory_space<hbm>> -> memref<262144x128xf32, #tpu.memory_space<hbm>>
    tpu.wait_indirect_dma semaphore(%arg7 : memref<!tpu.dma_semaphore, #tpu.memory_space<semaphore_mem>>) src(%dma_wait3A_515 : memref<262144x128xf32, #tpu.memory_space<hbm>>) dst(%dma_wait3A_509 : memref<128x128xf32, #tpu.memory_space<vmem>>)
    %dma_wait3A_516 = arith.constant 3 : i32
    %dma_wait3A_517 = arith.constant 384 : i32
    %dma_wait3A_518 = arith.constant 0 : i32
    %dma_wait3A_519 = tpu.memref_slice %arg6[%dma_wait3A_517, %dma_wait3A_518] : memref<512x128xf32, #tpu.memory_space<vmem>> -> memref<128x128xf32, #tpu.memory_space<vmem>>
    %dma_wait3A_520 = arith.constant 0 : i32
    %dma_wait3A_521 = tpu.memref_slice %arg5[%dma_wait3A_516, %dma_wait3A_520] : memref<4x128xi32, #tpu.memory_space<vmem>> -> memref<1x128xi32, #tpu.memory_space<vmem>>
    %dma_wait3A_522 = tpu.memref_squeeze %dma_wait3A_521 : memref<1x128xi32, #tpu.memory_space<vmem>> -> memref<128xi32, #tpu.memory_space<vmem>>
    %dma_wait3A_523 = arith.constant 0 : i32
    %dma_wait3A_524 = arith.constant 0 : i32
    %dma_wait3A_525 = tpu.memref_slice %arg2[%dma_wait3A_523, %dma_wait3A_524] : memref<262144x128xf32, #tpu.memory_space<hbm>> -> memref<262144x128xf32, #tpu.memory_space<hbm>>
    tpu.wait_indirect_dma semaphore(%arg7 : memref<!tpu.dma_semaphore, #tpu.memory_space<semaphore_mem>>) src(%dma_wait3A_525 : memref<262144x128xf32, #tpu.memory_space<hbm>>) dst(%dma_wait3A_519 : memref<128x128xf32, #tpu.memory_space<vmem>>)
    %mul3A_526 = arith.constant 512 : i32
    %mul3A_527 = arith.muli %add3A, %mul3A_526 : i32
    "tpu.region"() ({
      %run_scoped3A = tpu.sem_alloc : memref<!tpu.dma_semaphore, #tpu.memory_space<semaphore_mem>>
      %dma_start3A_528 = arith.constant 0 : i32
      %dma_start3A_529 = tpu.memref_slice %arg4[%mul3A_527, %dma_start3A_528] : memref<16384x128xf32, #tpu.memory_space<hbm>> -> memref<512x128xf32, #tpu.memory_space<hbm>>
      %dma_start3A_530 = arith.constant 0 : i32
      %dma_start3A_531 = tpu.memref_slice %arg4[%mul3A_527, %dma_start3A_530] : memref<16384x128xf32, #tpu.memory_space<hbm>> -> memref<512x128xf32, #tpu.memory_space<hbm>>
      tpu.enqueue_dma source(%arg6 : memref<512x128xf32, #tpu.memory_space<vmem>>) target(%dma_start3A_531 : memref<512x128xf32, #tpu.memory_space<hbm>>) target_semaphore(%run_scoped3A : memref<!tpu.dma_semaphore, #tpu.memory_space<semaphore_mem>>)
      %dma_wait3A_532 = arith.constant 0 : i32
      %dma_wait3A_533 = tpu.memref_slice %arg4[%mul3A_527, %dma_wait3A_532] : memref<16384x128xf32, #tpu.memory_space<hbm>> -> memref<512x128xf32, #tpu.memory_space<hbm>>
      %dma_wait3A_534 = arith.constant 0 : i32
      %dma_wait3A_535 = tpu.memref_slice %arg4[%mul3A_527, %dma_wait3A_534] : memref<16384x128xf32, #tpu.memory_space<hbm>> -> memref<512x128xf32, #tpu.memory_space<hbm>>
      tpu.wait_dma2 semaphore(%run_scoped3A : memref<!tpu.dma_semaphore, #tpu.memory_space<semaphore_mem>>) src(%arg6 : memref<512x128xf32, #tpu.memory_space<vmem>>) dst(%dma_wait3A_535 : memref<512x128xf32, #tpu.memory_space<hbm>>)
      tpu.yield
    }) : () -> ()
    return
  }
}

module attributes {stable_mosaic.version = 14 : i64} {
  func.func @_mlp_body(%arg0: i32, %arg1: memref<4096x128xf32, #tpu.memory_space<vmem>>, %arg2: memref<4096x1xi32, #tpu.memory_space<vmem>>, %arg3: memref<128x64xf32, #tpu.memory_space<vmem>>, %arg4: memref<1x64xf32, #tpu.memory_space<vmem>>, %arg5: memref<1x64xf32, #tpu.memory_space<vmem>>, %arg6: memref<1x64xf32, #tpu.memory_space<vmem>>, %arg7: memref<64x4096xf32, #tpu.memory_space<vmem>>) attributes {dimension_semantics = [#tpu.dimension_semantics<arbitrary>], iteration_bounds = array<i64: 4>, scalar_prefetch = 0 : i64, scratch_operands = 0 : i64, tpu.core_type = #tpu.core_type<tc>, window_params = [{transform_indices = @transform_0, window_bounds = array<i64: 4096, 128>}, {transform_indices = @transform_1, window_bounds = array<i64: 4096, 1>}, {pipeline_mode = #tpu.pipeline_mode<synchronous>, transform_indices = @transform_2, window_bounds = array<i64: 128, 64>}, {pipeline_mode = #tpu.pipeline_mode<synchronous>, transform_indices = @transform_3, window_bounds = array<i64: 1, 64>}, {pipeline_mode = #tpu.pipeline_mode<synchronous>, transform_indices = @transform_4, window_bounds = array<i64: 1, 64>}, {pipeline_mode = #tpu.pipeline_mode<synchronous>, transform_indices = @transform_5, window_bounds = array<i64: 1, 64>}, {transform_indices = @transform_6, window_bounds = array<i64: 64, 4096>}]} {
    %get3A = arith.constant 0 : index
    %get3A_0 = arith.constant 0 : index
    %get3A_1 = vector.load %arg1[%get3A, %get3A_0] : memref<4096x128xf32, #tpu.memory_space<vmem>>, vector<4096x128xf32>
    %get3A_2 = arith.constant 0 : index
    %get3A_3 = arith.constant 0 : index
    %get3A_4 = vector.load %arg2[%get3A_2, %get3A_3] : memref<4096x1xi32, #tpu.memory_space<vmem>>, vector<4096x1xi32>
    %jit3A = arith.constant 262144 : i32
    %div3A = vector.broadcast %jit3A : i32 to vector<4096x1xi32>
    %div3A_5 = arith.divsi %get3A_4, %div3A : vector<4096x1xi32>
    %sign3A = arith.constant 0 : i32
    %sign3A_6 = vector.broadcast %sign3A : i32 to vector<4096x1xi32>
    %sign3A_7 = arith.cmpi sgt, %get3A_4, %sign3A_6 : vector<4096x1xi32>
    %sign3A_8 = arith.extui %sign3A_7 : vector<4096x1xi1> to vector<4096x1xi32>
    %sign3A_9 = arith.constant 0 : i32
    %sign3A_10 = vector.broadcast %sign3A_9 : i32 to vector<4096x1xi32>
    %sign3A_11 = arith.cmpi slt, %get3A_4, %sign3A_10 : vector<4096x1xi32>
    %sign3A_12 = arith.extui %sign3A_11 : vector<4096x1xi1> to vector<4096x1xi32>
    %sign3A_13 = arith.subi %sign3A_8, %sign3A_12 : vector<4096x1xi32>
    %sign3A_14 = arith.constant 0 : i32
    %sign3A_15 = arith.cmpi sgt, %jit3A, %sign3A_14 : i32
    %sign3A_16 = arith.extui %sign3A_15 : i1 to i32
    %sign3A_17 = arith.constant 0 : i32
    %sign3A_18 = arith.cmpi slt, %jit3A, %sign3A_17 : i32
    %sign3A_19 = arith.extui %sign3A_18 : i1 to i32
    %sign3A_20 = arith.subi %sign3A_16, %sign3A_19 : i32
    %ne3A = vector.broadcast %sign3A_20 : i32 to vector<4096x1xi32>
    %ne3A_21 = arith.cmpi ne, %sign3A_13, %ne3A : vector<4096x1xi32>
    %rem3A = vector.broadcast %jit3A : i32 to vector<4096x1xi32>
    %rem3A_22 = arith.remsi %get3A_4, %rem3A : vector<4096x1xi32>
    %ne3A_23 = arith.constant 0 : i32
    %ne3A_24 = vector.broadcast %ne3A_23 : i32 to vector<4096x1xi32>
    %ne3A_25 = arith.cmpi ne, %rem3A_22, %ne3A_24 : vector<4096x1xi32>
    %and3A = arith.andi %ne3A_21, %ne3A_25 : vector<4096x1xi1>
    %sub3A = arith.constant 1 : i32
    %sub3A_26 = vector.broadcast %sub3A : i32 to vector<4096x1xi32>
    %sub3A_27 = arith.subi %div3A_5, %sub3A_26 : vector<4096x1xi32>
    %select_n3A = arith.select %and3A, %sub3A_27, %div3A_5 : vector<4096x1xi1>, vector<4096x1xi32>
    %iota3A = tpu.iota {dimensions = array<i32: 1>} : vector<4096x128xi32>
    %jit3A_28 = arith.constant 32 : i32
    %div3A_29 = vector.broadcast %jit3A_28 : i32 to vector<4096x128xi32>
    %div3A_30 = arith.divsi %iota3A, %div3A_29 : vector<4096x128xi32>
    %sign3A_31 = arith.constant 0 : i32
    %sign3A_32 = vector.broadcast %sign3A_31 : i32 to vector<4096x128xi32>
    %sign3A_33 = arith.cmpi sgt, %iota3A, %sign3A_32 : vector<4096x128xi32>
    %sign3A_34 = arith.extui %sign3A_33 : vector<4096x128xi1> to vector<4096x128xi32>
    %sign3A_35 = arith.constant 0 : i32
    %sign3A_36 = vector.broadcast %sign3A_35 : i32 to vector<4096x128xi32>
    %sign3A_37 = arith.cmpi slt, %iota3A, %sign3A_36 : vector<4096x128xi32>
    %sign3A_38 = arith.extui %sign3A_37 : vector<4096x128xi1> to vector<4096x128xi32>
    %sign3A_39 = arith.subi %sign3A_34, %sign3A_38 : vector<4096x128xi32>
    %sign3A_40 = arith.constant 0 : i32
    %sign3A_41 = arith.cmpi sgt, %jit3A_28, %sign3A_40 : i32
    %sign3A_42 = arith.extui %sign3A_41 : i1 to i32
    %sign3A_43 = arith.constant 0 : i32
    %sign3A_44 = arith.cmpi slt, %jit3A_28, %sign3A_43 : i32
    %sign3A_45 = arith.extui %sign3A_44 : i1 to i32
    %sign3A_46 = arith.subi %sign3A_42, %sign3A_45 : i32
    %ne3A_47 = vector.broadcast %sign3A_46 : i32 to vector<4096x128xi32>
    %ne3A_48 = arith.cmpi ne, %sign3A_39, %ne3A_47 : vector<4096x128xi32>
    %rem3A_49 = vector.broadcast %jit3A_28 : i32 to vector<4096x128xi32>
    %rem3A_50 = arith.remsi %iota3A, %rem3A_49 : vector<4096x128xi32>
    %ne3A_51 = arith.constant 0 : i32
    %ne3A_52 = vector.broadcast %ne3A_51 : i32 to vector<4096x128xi32>
    %ne3A_53 = arith.cmpi ne, %rem3A_50, %ne3A_52 : vector<4096x128xi32>
    %and3A_54 = arith.andi %ne3A_48, %ne3A_53 : vector<4096x128xi1>
    %sub3A_55 = arith.constant 1 : i32
    %sub3A_56 = vector.broadcast %sub3A_55 : i32 to vector<4096x128xi32>
    %sub3A_57 = arith.subi %div3A_30, %sub3A_56 : vector<4096x128xi32>
    %select_n3A_58 = arith.select %and3A_54, %sub3A_57, %div3A_30 : vector<4096x128xi1>, vector<4096x128xi32>
    %eq3A = vector.broadcast %select_n3A : vector<4096x1xi32> to vector<4096x128xi32>
    %eq3A_59 = arith.cmpi eq, %select_n3A_58, %eq3A : vector<4096x128xi32>
    %jit3A_60 = arith.constant 0.000000e+00 : f32
    %broadcast_in_dim3A = vector.broadcast %jit3A_60 : f32 to vector<4096x128xf32>
    %select_n3A_61 = arith.select %eq3A_59, %get3A_1, %broadcast_in_dim3A : vector<4096x128xi1>, vector<4096x128xf32>
    %get3A_62 = arith.constant 0 : index
    %get3A_63 = arith.constant 0 : index
    %get3A_64 = vector.load %arg3[%get3A_62, %get3A_63] : memref<128x64xf32, #tpu.memory_space<vmem>>, vector<128x64xf32>
    %dot_general3A = arith.constant dense<0.000000e+00> : vector<4096x64xf32>
    %dot_general3A_65 = tpu.matmul %select_n3A_61, %get3A_64, %dot_general3A {dimension_numbers = #tpu.dot_dimension_numbers<[1], [0], [0], [1], [0, 0, 1, 1], [], []>, transpose_lhs_hint = false} : vector<4096x128xf32>, vector<128x64xf32>, vector<4096x64xf32> -> vector<4096x64xf32>
    %get3A_66 = arith.constant 0 : index
    %get3A_67 = arith.constant 0 : index
    %get3A_68 = vector.load %arg4[%get3A_66, %get3A_67] : memref<1x64xf32, #tpu.memory_space<vmem>>, vector<1x64xf32>
    %add3A = vector.broadcast %get3A_68 : vector<1x64xf32> to vector<4096x64xf32>
    %add3A_69 = arith.addf %dot_general3A_65, %add3A : vector<4096x64xf32>
    %reduce_sum3A = arith.constant dense<0.000000e+00> : vector<4096xf32>
    %reduce_sum3A_70 = vector.multi_reduction <add>, %add3A_69, %reduce_sum3A [1] : vector<4096x64xf32> to vector<4096xf32>
    %broadcast_in_dim3A_71 = vector.shape_cast %reduce_sum3A_70 : vector<4096xf32> to vector<4096x1xf32>
    %div3A_72 = arith.constant 6.400000e+01 : f32
    %div3A_73 = vector.broadcast %div3A_72 : f32 to vector<4096x1xf32>
    %div3A_74 = arith.divf %broadcast_in_dim3A_71, %div3A_73 : vector<4096x1xf32>
    %sub3A_75 = vector.broadcast %div3A_74 : vector<4096x1xf32> to vector<4096x64xf32>
    %sub3A_76 = arith.subf %add3A_69, %sub3A_75 : vector<4096x64xf32>
    %integer_pow3A = arith.mulf %sub3A_76, %sub3A_76 : vector<4096x64xf32>
    %reduce_sum3A_77 = arith.constant dense<0.000000e+00> : vector<4096xf32>
    %reduce_sum3A_78 = vector.multi_reduction <add>, %integer_pow3A, %reduce_sum3A_77 [1] : vector<4096x64xf32> to vector<4096xf32>
    %broadcast_in_dim3A_79 = vector.shape_cast %reduce_sum3A_78 : vector<4096xf32> to vector<4096x1xf32>
    %div3A_80 = arith.constant 6.400000e+01 : f32
    %div3A_81 = vector.broadcast %div3A_80 : f32 to vector<4096x1xf32>
    %div3A_82 = arith.divf %broadcast_in_dim3A_79, %div3A_81 : vector<4096x1xf32>
    %sub3A_83 = vector.broadcast %div3A_74 : vector<4096x1xf32> to vector<4096x64xf32>
    %sub3A_84 = arith.subf %add3A_69, %sub3A_83 : vector<4096x64xf32>
    %add3A_85 = arith.constant 9.99999974E-6 : f32
    %add3A_86 = vector.broadcast %add3A_85 : f32 to vector<4096x1xf32>
    %add3A_87 = arith.addf %div3A_82, %add3A_86 : vector<4096x1xf32>
    %rsqrt3A = math.rsqrt %add3A_87 : vector<4096x1xf32>
    %mul3A = vector.broadcast %rsqrt3A : vector<4096x1xf32> to vector<4096x64xf32>
    %mul3A_88 = arith.mulf %sub3A_84, %mul3A : vector<4096x64xf32>
    %get3A_89 = arith.constant 0 : index
    %get3A_90 = arith.constant 0 : index
    %get3A_91 = vector.load %arg5[%get3A_89, %get3A_90] : memref<1x64xf32, #tpu.memory_space<vmem>>, vector<1x64xf32>
    %mul3A_92 = vector.broadcast %get3A_91 : vector<1x64xf32> to vector<4096x64xf32>
    %mul3A_93 = arith.mulf %mul3A_88, %mul3A_92 : vector<4096x64xf32>
    %get3A_94 = arith.constant 0 : index
    %get3A_95 = arith.constant 0 : index
    %get3A_96 = vector.load %arg6[%get3A_94, %get3A_95] : memref<1x64xf32, #tpu.memory_space<vmem>>, vector<1x64xf32>
    %add3A_97 = vector.broadcast %get3A_96 : vector<1x64xf32> to vector<4096x64xf32>
    %add3A_98 = arith.addf %mul3A_93, %add3A_97 : vector<4096x64xf32>
    %max3A = arith.constant 0.000000e+00 : f32
    %max3A_99 = vector.broadcast %max3A : f32 to vector<4096x64xf32>
    %max3A_100 = arith.maximumf %add3A_98, %max3A_99 : vector<4096x64xf32>
    %slice3A = vector.extract_strided_slice %max3A_100 {offsets = [0, 0], sizes = [128, 64], strides = [1, 1]} : vector<4096x64xf32> to vector<128x64xf32>
    %transpose3A = tpu.transpose %slice3A, [1, 0] : vector<128x64xf32> -> vector<64x128xf32>
    %swap3A = arith.constant 0 : index
    %swap3A_101 = arith.constant 0 : index
    %swap3A_102 = vector.load %arg7[%swap3A, %swap3A_101] : memref<64x4096xf32, #tpu.memory_space<vmem>>, vector<64x128xf32>
    tpu.vector_store %arg7[%swap3A, %swap3A_101], %transpose3A {strides = array<i32>} : memref<64x4096xf32, #tpu.memory_space<vmem>>, vector<64x128xf32>,
    %slice3A_103 = vector.extract_strided_slice %max3A_100 {offsets = [128, 0], sizes = [128, 64], strides = [1, 1]} : vector<4096x64xf32> to vector<128x64xf32>
    %transpose3A_104 = tpu.transpose %slice3A_103, [1, 0] : vector<128x64xf32> -> vector<64x128xf32>
    %swap3A_105 = arith.constant 0 : index
    %swap3A_106 = arith.constant 128 : index
    %swap3A_107 = vector.load %arg7[%swap3A_105, %swap3A_106] : memref<64x4096xf32, #tpu.memory_space<vmem>>, vector<64x128xf32>
    tpu.vector_store %arg7[%swap3A_105, %swap3A_106], %transpose3A_104 {strides = array<i32>} : memref<64x4096xf32, #tpu.memory_space<vmem>>, vector<64x128xf32>,
    %slice3A_108 = vector.extract_strided_slice %max3A_100 {offsets = [256, 0], sizes = [128, 64], strides = [1, 1]} : vector<4096x64xf32> to vector<128x64xf32>
    %transpose3A_109 = tpu.transpose %slice3A_108, [1, 0] : vector<128x64xf32> -> vector<64x128xf32>
    %swap3A_110 = arith.constant 0 : index
    %swap3A_111 = arith.constant 256 : index
    %swap3A_112 = vector.load %arg7[%swap3A_110, %swap3A_111] : memref<64x4096xf32, #tpu.memory_space<vmem>>, vector<64x128xf32>
    tpu.vector_store %arg7[%swap3A_110, %swap3A_111], %transpose3A_109 {strides = array<i32>} : memref<64x4096xf32, #tpu.memory_space<vmem>>, vector<64x128xf32>,
    %slice3A_113 = vector.extract_strided_slice %max3A_100 {offsets = [384, 0], sizes = [128, 64], strides = [1, 1]} : vector<4096x64xf32> to vector<128x64xf32>
    %transpose3A_114 = tpu.transpose %slice3A_113, [1, 0] : vector<128x64xf32> -> vector<64x128xf32>
    %swap3A_115 = arith.constant 0 : index
    %swap3A_116 = arith.constant 384 : index
    %swap3A_117 = vector.load %arg7[%swap3A_115, %swap3A_116] : memref<64x4096xf32, #tpu.memory_space<vmem>>, vector<64x128xf32>
    tpu.vector_store %arg7[%swap3A_115, %swap3A_116], %transpose3A_114 {strides = array<i32>} : memref<64x4096xf32, #tpu.memory_space<vmem>>, vector<64x128xf32>,
    %slice3A_118 = vector.extract_strided_slice %max3A_100 {offsets = [512, 0], sizes = [128, 64], strides = [1, 1]} : vector<4096x64xf32> to vector<128x64xf32>
    %transpose3A_119 = tpu.transpose %slice3A_118, [1, 0] : vector<128x64xf32> -> vector<64x128xf32>
    %swap3A_120 = arith.constant 0 : index
    %swap3A_121 = arith.constant 512 : index
    %swap3A_122 = vector.load %arg7[%swap3A_120, %swap3A_121] : memref<64x4096xf32, #tpu.memory_space<vmem>>, vector<64x128xf32>
    tpu.vector_store %arg7[%swap3A_120, %swap3A_121], %transpose3A_119 {strides = array<i32>} : memref<64x4096xf32, #tpu.memory_space<vmem>>, vector<64x128xf32>,
    %slice3A_123 = vector.extract_strided_slice %max3A_100 {offsets = [640, 0], sizes = [128, 64], strides = [1, 1]} : vector<4096x64xf32> to vector<128x64xf32>
    %transpose3A_124 = tpu.transpose %slice3A_123, [1, 0] : vector<128x64xf32> -> vector<64x128xf32>
    %swap3A_125 = arith.constant 0 : index
    %swap3A_126 = arith.constant 640 : index
    %swap3A_127 = vector.load %arg7[%swap3A_125, %swap3A_126] : memref<64x4096xf32, #tpu.memory_space<vmem>>, vector<64x128xf32>
    tpu.vector_store %arg7[%swap3A_125, %swap3A_126], %transpose3A_124 {strides = array<i32>} : memref<64x4096xf32, #tpu.memory_space<vmem>>, vector<64x128xf32>,
    %slice3A_128 = vector.extract_strided_slice %max3A_100 {offsets = [768, 0], sizes = [128, 64], strides = [1, 1]} : vector<4096x64xf32> to vector<128x64xf32>
    %transpose3A_129 = tpu.transpose %slice3A_128, [1, 0] : vector<128x64xf32> -> vector<64x128xf32>
    %swap3A_130 = arith.constant 0 : index
    %swap3A_131 = arith.constant 768 : index
    %swap3A_132 = vector.load %arg7[%swap3A_130, %swap3A_131] : memref<64x4096xf32, #tpu.memory_space<vmem>>, vector<64x128xf32>
    tpu.vector_store %arg7[%swap3A_130, %swap3A_131], %transpose3A_129 {strides = array<i32>} : memref<64x4096xf32, #tpu.memory_space<vmem>>, vector<64x128xf32>,
    %slice3A_133 = vector.extract_strided_slice %max3A_100 {offsets = [896, 0], sizes = [128, 64], strides = [1, 1]} : vector<4096x64xf32> to vector<128x64xf32>
    %transpose3A_134 = tpu.transpose %slice3A_133, [1, 0] : vector<128x64xf32> -> vector<64x128xf32>
    %swap3A_135 = arith.constant 0 : index
    %swap3A_136 = arith.constant 896 : index
    %swap3A_137 = vector.load %arg7[%swap3A_135, %swap3A_136] : memref<64x4096xf32, #tpu.memory_space<vmem>>, vector<64x128xf32>
    tpu.vector_store %arg7[%swap3A_135, %swap3A_136], %transpose3A_134 {strides = array<i32>} : memref<64x4096xf32, #tpu.memory_space<vmem>>, vector<64x128xf32>,
    %slice3A_138 = vector.extract_strided_slice %max3A_100 {offsets = [1024, 0], sizes = [128, 64], strides = [1, 1]} : vector<4096x64xf32> to vector<128x64xf32>
    %transpose3A_139 = tpu.transpose %slice3A_138, [1, 0] : vector<128x64xf32> -> vector<64x128xf32>
    %swap3A_140 = arith.constant 0 : index
    %swap3A_141 = arith.constant 1024 : index
    %swap3A_142 = vector.load %arg7[%swap3A_140, %swap3A_141] : memref<64x4096xf32, #tpu.memory_space<vmem>>, vector<64x128xf32>
    tpu.vector_store %arg7[%swap3A_140, %swap3A_141], %transpose3A_139 {strides = array<i32>} : memref<64x4096xf32, #tpu.memory_space<vmem>>, vector<64x128xf32>,
    %slice3A_143 = vector.extract_strided_slice %max3A_100 {offsets = [1152, 0], sizes = [128, 64], strides = [1, 1]} : vector<4096x64xf32> to vector<128x64xf32>
    %transpose3A_144 = tpu.transpose %slice3A_143, [1, 0] : vector<128x64xf32> -> vector<64x128xf32>
    %swap3A_145 = arith.constant 0 : index
    %swap3A_146 = arith.constant 1152 : index
    %swap3A_147 = vector.load %arg7[%swap3A_145, %swap3A_146] : memref<64x4096xf32, #tpu.memory_space<vmem>>, vector<64x128xf32>
    tpu.vector_store %arg7[%swap3A_145, %swap3A_146], %transpose3A_144 {strides = array<i32>} : memref<64x4096xf32, #tpu.memory_space<vmem>>, vector<64x128xf32>,
    %slice3A_148 = vector.extract_strided_slice %max3A_100 {offsets = [1280, 0], sizes = [128, 64], strides = [1, 1]} : vector<4096x64xf32> to vector<128x64xf32>
    %transpose3A_149 = tpu.transpose %slice3A_148, [1, 0] : vector<128x64xf32> -> vector<64x128xf32>
    %swap3A_150 = arith.constant 0 : index
    %swap3A_151 = arith.constant 1280 : index
    %swap3A_152 = vector.load %arg7[%swap3A_150, %swap3A_151] : memref<64x4096xf32, #tpu.memory_space<vmem>>, vector<64x128xf32>
    tpu.vector_store %arg7[%swap3A_150, %swap3A_151], %transpose3A_149 {strides = array<i32>} : memref<64x4096xf32, #tpu.memory_space<vmem>>, vector<64x128xf32>,
    %slice3A_153 = vector.extract_strided_slice %max3A_100 {offsets = [1408, 0], sizes = [128, 64], strides = [1, 1]} : vector<4096x64xf32> to vector<128x64xf32>
    %transpose3A_154 = tpu.transpose %slice3A_153, [1, 0] : vector<128x64xf32> -> vector<64x128xf32>
    %swap3A_155 = arith.constant 0 : index
    %swap3A_156 = arith.constant 1408 : index
    %swap3A_157 = vector.load %arg7[%swap3A_155, %swap3A_156] : memref<64x4096xf32, #tpu.memory_space<vmem>>, vector<64x128xf32>
    tpu.vector_store %arg7[%swap3A_155, %swap3A_156], %transpose3A_154 {strides = array<i32>} : memref<64x4096xf32, #tpu.memory_space<vmem>>, vector<64x128xf32>,
    %slice3A_158 = vector.extract_strided_slice %max3A_100 {offsets = [1536, 0], sizes = [128, 64], strides = [1, 1]} : vector<4096x64xf32> to vector<128x64xf32>
    %transpose3A_159 = tpu.transpose %slice3A_158, [1, 0] : vector<128x64xf32> -> vector<64x128xf32>
    %swap3A_160 = arith.constant 0 : index
    %swap3A_161 = arith.constant 1536 : index
    %swap3A_162 = vector.load %arg7[%swap3A_160, %swap3A_161] : memref<64x4096xf32, #tpu.memory_space<vmem>>, vector<64x128xf32>
    tpu.vector_store %arg7[%swap3A_160, %swap3A_161], %transpose3A_159 {strides = array<i32>} : memref<64x4096xf32, #tpu.memory_space<vmem>>, vector<64x128xf32>,
    %slice3A_163 = vector.extract_strided_slice %max3A_100 {offsets = [1664, 0], sizes = [128, 64], strides = [1, 1]} : vector<4096x64xf32> to vector<128x64xf32>
    %transpose3A_164 = tpu.transpose %slice3A_163, [1, 0] : vector<128x64xf32> -> vector<64x128xf32>
    %swap3A_165 = arith.constant 0 : index
    %swap3A_166 = arith.constant 1664 : index
    %swap3A_167 = vector.load %arg7[%swap3A_165, %swap3A_166] : memref<64x4096xf32, #tpu.memory_space<vmem>>, vector<64x128xf32>
    tpu.vector_store %arg7[%swap3A_165, %swap3A_166], %transpose3A_164 {strides = array<i32>} : memref<64x4096xf32, #tpu.memory_space<vmem>>, vector<64x128xf32>,
    %slice3A_168 = vector.extract_strided_slice %max3A_100 {offsets = [1792, 0], sizes = [128, 64], strides = [1, 1]} : vector<4096x64xf32> to vector<128x64xf32>
    %transpose3A_169 = tpu.transpose %slice3A_168, [1, 0] : vector<128x64xf32> -> vector<64x128xf32>
    %swap3A_170 = arith.constant 0 : index
    %swap3A_171 = arith.constant 1792 : index
    %swap3A_172 = vector.load %arg7[%swap3A_170, %swap3A_171] : memref<64x4096xf32, #tpu.memory_space<vmem>>, vector<64x128xf32>
    tpu.vector_store %arg7[%swap3A_170, %swap3A_171], %transpose3A_169 {strides = array<i32>} : memref<64x4096xf32, #tpu.memory_space<vmem>>, vector<64x128xf32>,
    %slice3A_173 = vector.extract_strided_slice %max3A_100 {offsets = [1920, 0], sizes = [128, 64], strides = [1, 1]} : vector<4096x64xf32> to vector<128x64xf32>
    %transpose3A_174 = tpu.transpose %slice3A_173, [1, 0] : vector<128x64xf32> -> vector<64x128xf32>
    %swap3A_175 = arith.constant 0 : index
    %swap3A_176 = arith.constant 1920 : index
    %swap3A_177 = vector.load %arg7[%swap3A_175, %swap3A_176] : memref<64x4096xf32, #tpu.memory_space<vmem>>, vector<64x128xf32>
    tpu.vector_store %arg7[%swap3A_175, %swap3A_176], %transpose3A_174 {strides = array<i32>} : memref<64x4096xf32, #tpu.memory_space<vmem>>, vector<64x128xf32>,
    %slice3A_178 = vector.extract_strided_slice %max3A_100 {offsets = [2048, 0], sizes = [128, 64], strides = [1, 1]} : vector<4096x64xf32> to vector<128x64xf32>
    %transpose3A_179 = tpu.transpose %slice3A_178, [1, 0] : vector<128x64xf32> -> vector<64x128xf32>
    %swap3A_180 = arith.constant 0 : index
    %swap3A_181 = arith.constant 2048 : index
    %swap3A_182 = vector.load %arg7[%swap3A_180, %swap3A_181] : memref<64x4096xf32, #tpu.memory_space<vmem>>, vector<64x128xf32>
    tpu.vector_store %arg7[%swap3A_180, %swap3A_181], %transpose3A_179 {strides = array<i32>} : memref<64x4096xf32, #tpu.memory_space<vmem>>, vector<64x128xf32>,
    %slice3A_183 = vector.extract_strided_slice %max3A_100 {offsets = [2176, 0], sizes = [128, 64], strides = [1, 1]} : vector<4096x64xf32> to vector<128x64xf32>
    %transpose3A_184 = tpu.transpose %slice3A_183, [1, 0] : vector<128x64xf32> -> vector<64x128xf32>
    %swap3A_185 = arith.constant 0 : index
    %swap3A_186 = arith.constant 2176 : index
    %swap3A_187 = vector.load %arg7[%swap3A_185, %swap3A_186] : memref<64x4096xf32, #tpu.memory_space<vmem>>, vector<64x128xf32>
    tpu.vector_store %arg7[%swap3A_185, %swap3A_186], %transpose3A_184 {strides = array<i32>} : memref<64x4096xf32, #tpu.memory_space<vmem>>, vector<64x128xf32>,
    %slice3A_188 = vector.extract_strided_slice %max3A_100 {offsets = [2304, 0], sizes = [128, 64], strides = [1, 1]} : vector<4096x64xf32> to vector<128x64xf32>
    %transpose3A_189 = tpu.transpose %slice3A_188, [1, 0] : vector<128x64xf32> -> vector<64x128xf32>
    %swap3A_190 = arith.constant 0 : index
    %swap3A_191 = arith.constant 2304 : index
    %swap3A_192 = vector.load %arg7[%swap3A_190, %swap3A_191] : memref<64x4096xf32, #tpu.memory_space<vmem>>, vector<64x128xf32>
    tpu.vector_store %arg7[%swap3A_190, %swap3A_191], %transpose3A_189 {strides = array<i32>} : memref<64x4096xf32, #tpu.memory_space<vmem>>, vector<64x128xf32>,
    %slice3A_193 = vector.extract_strided_slice %max3A_100 {offsets = [2432, 0], sizes = [128, 64], strides = [1, 1]} : vector<4096x64xf32> to vector<128x64xf32>
    %transpose3A_194 = tpu.transpose %slice3A_193, [1, 0] : vector<128x64xf32> -> vector<64x128xf32>
    %swap3A_195 = arith.constant 0 : index
    %swap3A_196 = arith.constant 2432 : index
    %swap3A_197 = vector.load %arg7[%swap3A_195, %swap3A_196] : memref<64x4096xf32, #tpu.memory_space<vmem>>, vector<64x128xf32>
    tpu.vector_store %arg7[%swap3A_195, %swap3A_196], %transpose3A_194 {strides = array<i32>} : memref<64x4096xf32, #tpu.memory_space<vmem>>, vector<64x128xf32>,
    %slice3A_198 = vector.extract_strided_slice %max3A_100 {offsets = [2560, 0], sizes = [128, 64], strides = [1, 1]} : vector<4096x64xf32> to vector<128x64xf32>
    %transpose3A_199 = tpu.transpose %slice3A_198, [1, 0] : vector<128x64xf32> -> vector<64x128xf32>
    %swap3A_200 = arith.constant 0 : index
    %swap3A_201 = arith.constant 2560 : index
    %swap3A_202 = vector.load %arg7[%swap3A_200, %swap3A_201] : memref<64x4096xf32, #tpu.memory_space<vmem>>, vector<64x128xf32>
    tpu.vector_store %arg7[%swap3A_200, %swap3A_201], %transpose3A_199 {strides = array<i32>} : memref<64x4096xf32, #tpu.memory_space<vmem>>, vector<64x128xf32>,
    %slice3A_203 = vector.extract_strided_slice %max3A_100 {offsets = [2688, 0], sizes = [128, 64], strides = [1, 1]} : vector<4096x64xf32> to vector<128x64xf32>
    %transpose3A_204 = tpu.transpose %slice3A_203, [1, 0] : vector<128x64xf32> -> vector<64x128xf32>
    %swap3A_205 = arith.constant 0 : index
    %swap3A_206 = arith.constant 2688 : index
    %swap3A_207 = vector.load %arg7[%swap3A_205, %swap3A_206] : memref<64x4096xf32, #tpu.memory_space<vmem>>, vector<64x128xf32>
    tpu.vector_store %arg7[%swap3A_205, %swap3A_206], %transpose3A_204 {strides = array<i32>} : memref<64x4096xf32, #tpu.memory_space<vmem>>, vector<64x128xf32>,
    %slice3A_208 = vector.extract_strided_slice %max3A_100 {offsets = [2816, 0], sizes = [128, 64], strides = [1, 1]} : vector<4096x64xf32> to vector<128x64xf32>
    %transpose3A_209 = tpu.transpose %slice3A_208, [1, 0] : vector<128x64xf32> -> vector<64x128xf32>
    %swap3A_210 = arith.constant 0 : index
    %swap3A_211 = arith.constant 2816 : index
    %swap3A_212 = vector.load %arg7[%swap3A_210, %swap3A_211] : memref<64x4096xf32, #tpu.memory_space<vmem>>, vector<64x128xf32>
    tpu.vector_store %arg7[%swap3A_210, %swap3A_211], %transpose3A_209 {strides = array<i32>} : memref<64x4096xf32, #tpu.memory_space<vmem>>, vector<64x128xf32>,
    %slice3A_213 = vector.extract_strided_slice %max3A_100 {offsets = [2944, 0], sizes = [128, 64], strides = [1, 1]} : vector<4096x64xf32> to vector<128x64xf32>
    %transpose3A_214 = tpu.transpose %slice3A_213, [1, 0] : vector<128x64xf32> -> vector<64x128xf32>
    %swap3A_215 = arith.constant 0 : index
    %swap3A_216 = arith.constant 2944 : index
    %swap3A_217 = vector.load %arg7[%swap3A_215, %swap3A_216] : memref<64x4096xf32, #tpu.memory_space<vmem>>, vector<64x128xf32>
    tpu.vector_store %arg7[%swap3A_215, %swap3A_216], %transpose3A_214 {strides = array<i32>} : memref<64x4096xf32, #tpu.memory_space<vmem>>, vector<64x128xf32>,
    %slice3A_218 = vector.extract_strided_slice %max3A_100 {offsets = [3072, 0], sizes = [128, 64], strides = [1, 1]} : vector<4096x64xf32> to vector<128x64xf32>
    %transpose3A_219 = tpu.transpose %slice3A_218, [1, 0] : vector<128x64xf32> -> vector<64x128xf32>
    %swap3A_220 = arith.constant 0 : index
    %swap3A_221 = arith.constant 3072 : index
    %swap3A_222 = vector.load %arg7[%swap3A_220, %swap3A_221] : memref<64x4096xf32, #tpu.memory_space<vmem>>, vector<64x128xf32>
    tpu.vector_store %arg7[%swap3A_220, %swap3A_221], %transpose3A_219 {strides = array<i32>} : memref<64x4096xf32, #tpu.memory_space<vmem>>, vector<64x128xf32>,
    %slice3A_223 = vector.extract_strided_slice %max3A_100 {offsets = [3200, 0], sizes = [128, 64], strides = [1, 1]} : vector<4096x64xf32> to vector<128x64xf32>
    %transpose3A_224 = tpu.transpose %slice3A_223, [1, 0] : vector<128x64xf32> -> vector<64x128xf32>
    %swap3A_225 = arith.constant 0 : index
    %swap3A_226 = arith.constant 3200 : index
    %swap3A_227 = vector.load %arg7[%swap3A_225, %swap3A_226] : memref<64x4096xf32, #tpu.memory_space<vmem>>, vector<64x128xf32>
    tpu.vector_store %arg7[%swap3A_225, %swap3A_226], %transpose3A_224 {strides = array<i32>} : memref<64x4096xf32, #tpu.memory_space<vmem>>, vector<64x128xf32>,
    %slice3A_228 = vector.extract_strided_slice %max3A_100 {offsets = [3328, 0], sizes = [128, 64], strides = [1, 1]} : vector<4096x64xf32> to vector<128x64xf32>
    %transpose3A_229 = tpu.transpose %slice3A_228, [1, 0] : vector<128x64xf32> -> vector<64x128xf32>
    %swap3A_230 = arith.constant 0 : index
    %swap3A_231 = arith.constant 3328 : index
    %swap3A_232 = vector.load %arg7[%swap3A_230, %swap3A_231] : memref<64x4096xf32, #tpu.memory_space<vmem>>, vector<64x128xf32>
    tpu.vector_store %arg7[%swap3A_230, %swap3A_231], %transpose3A_229 {strides = array<i32>} : memref<64x4096xf32, #tpu.memory_space<vmem>>, vector<64x128xf32>,
    %slice3A_233 = vector.extract_strided_slice %max3A_100 {offsets = [3456, 0], sizes = [128, 64], strides = [1, 1]} : vector<4096x64xf32> to vector<128x64xf32>
    %transpose3A_234 = tpu.transpose %slice3A_233, [1, 0] : vector<128x64xf32> -> vector<64x128xf32>
    %swap3A_235 = arith.constant 0 : index
    %swap3A_236 = arith.constant 3456 : index
    %swap3A_237 = vector.load %arg7[%swap3A_235, %swap3A_236] : memref<64x4096xf32, #tpu.memory_space<vmem>>, vector<64x128xf32>
    tpu.vector_store %arg7[%swap3A_235, %swap3A_236], %transpose3A_234 {strides = array<i32>} : memref<64x4096xf32, #tpu.memory_space<vmem>>, vector<64x128xf32>,
    %slice3A_238 = vector.extract_strided_slice %max3A_100 {offsets = [3584, 0], sizes = [128, 64], strides = [1, 1]} : vector<4096x64xf32> to vector<128x64xf32>
    %transpose3A_239 = tpu.transpose %slice3A_238, [1, 0] : vector<128x64xf32> -> vector<64x128xf32>
    %swap3A_240 = arith.constant 0 : index
    %swap3A_241 = arith.constant 3584 : index
    %swap3A_242 = vector.load %arg7[%swap3A_240, %swap3A_241] : memref<64x4096xf32, #tpu.memory_space<vmem>>, vector<64x128xf32>
    tpu.vector_store %arg7[%swap3A_240, %swap3A_241], %transpose3A_239 {strides = array<i32>} : memref<64x4096xf32, #tpu.memory_space<vmem>>, vector<64x128xf32>,
    %slice3A_243 = vector.extract_strided_slice %max3A_100 {offsets = [3712, 0], sizes = [128, 64], strides = [1, 1]} : vector<4096x64xf32> to vector<128x64xf32>
    %transpose3A_244 = tpu.transpose %slice3A_243, [1, 0] : vector<128x64xf32> -> vector<64x128xf32>
    %swap3A_245 = arith.constant 0 : index
    %swap3A_246 = arith.constant 3712 : index
    %swap3A_247 = vector.load %arg7[%swap3A_245, %swap3A_246] : memref<64x4096xf32, #tpu.memory_space<vmem>>, vector<64x128xf32>
    tpu.vector_store %arg7[%swap3A_245, %swap3A_246], %transpose3A_244 {strides = array<i32>} : memref<64x4096xf32, #tpu.memory_space<vmem>>, vector<64x128xf32>,
    %slice3A_248 = vector.extract_strided_slice %max3A_100 {offsets = [3840, 0], sizes = [128, 64], strides = [1, 1]} : vector<4096x64xf32> to vector<128x64xf32>
    %transpose3A_249 = tpu.transpose %slice3A_248, [1, 0] : vector<128x64xf32> -> vector<64x128xf32>
    %swap3A_250 = arith.constant 0 : index
    %swap3A_251 = arith.constant 3840 : index
    %swap3A_252 = vector.load %arg7[%swap3A_250, %swap3A_251] : memref<64x4096xf32, #tpu.memory_space<vmem>>, vector<64x128xf32>
    tpu.vector_store %arg7[%swap3A_250, %swap3A_251], %transpose3A_249 {strides = array<i32>} : memref<64x4096xf32, #tpu.memory_space<vmem>>, vector<64x128xf32>,
    %slice3A_253 = vector.extract_strided_slice %max3A_100 {offsets = [3968, 0], sizes = [128, 64], strides = [1, 1]} : vector<4096x64xf32> to vector<128x64xf32>
    %transpose3A_254 = tpu.transpose %slice3A_253, [1, 0] : vector<128x64xf32> -> vector<64x128xf32>
    %swap3A_255 = arith.constant 0 : index
    %swap3A_256 = arith.constant 3968 : index
    %swap3A_257 = vector.load %arg7[%swap3A_255, %swap3A_256] : memref<64x4096xf32, #tpu.memory_space<vmem>>, vector<64x128xf32>
    tpu.vector_store %arg7[%swap3A_255, %swap3A_256], %transpose3A_254 {strides = array<i32>} : memref<64x4096xf32, #tpu.memory_space<vmem>>, vector<64x128xf32>,
    return
  }
  func.func @transform_0(%arg0: i32) -> (i32, i32) {
    %c0_i32 = arith.constant 0 : i32
    %c0_i32_0 = arith.constant 0 : i32
    return %arg0, %c0_i32 : i32, i32
  }
  func.func @transform_1(%arg0: i32) -> (i32, i32) {
    %c0_i32 = arith.constant 0 : i32
    %c0_i32_0 = arith.constant 0 : i32
    return %arg0, %c0_i32 : i32, i32
  }
  func.func @transform_2(%arg0: i32) -> (i32, i32) {
    %c0_i32 = arith.constant 0 : i32
    %c0_i32_0 = arith.constant 0 : i32
    %c0_i32_1 = arith.constant 0 : i32
    return %c0_i32, %c0_i32_0 : i32, i32
  }
  func.func @transform_3(%arg0: i32) -> (i32, i32) {
    %c0_i32 = arith.constant 0 : i32
    %c0_i32_0 = arith.constant 0 : i32
    %c0_i32_1 = arith.constant 0 : i32
    return %c0_i32, %c0_i32_0 : i32, i32
  }
  func.func @transform_4(%arg0: i32) -> (i32, i32) {
    %c0_i32 = arith.constant 0 : i32
    %c0_i32_0 = arith.constant 0 : i32
    %c0_i32_1 = arith.constant 0 : i32
    return %c0_i32, %c0_i32_0 : i32, i32
  }
  func.func @transform_5(%arg0: i32) -> (i32, i32) {
    %c0_i32 = arith.constant 0 : i32
    %c0_i32_0 = arith.constant 0 : i32
    %c0_i32_1 = arith.constant 0 : i32
    return %c0_i32, %c0_i32_0 : i32, i32
  }
  func.func @transform_6(%arg0: i32) -> (i32, i32) {
    %c0_i32 = arith.constant 0 : i32
    %c0_i32_0 = arith.constant 0 : i32
    return %c0_i32, %arg0 : i32, i32
  }
}

module attributes {stable_mosaic.version = 14 : i64} {
  func.func @_tp_body(%arg0: i32, %arg1: memref<32x16384xf32, #tpu.memory_space<vmem>>, %arg2: memref<32x16384xf32, #tpu.memory_space<vmem>>, %arg3: memref<32x16384xf32, #tpu.memory_space<vmem>>, %arg4: memref<32x16384xf32, #tpu.memory_space<vmem>>, %arg5: memref<16384x128xf32, #tpu.memory_space<vmem>>) attributes {dimension_semantics = [#tpu.dimension_semantics<arbitrary>], iteration_bounds = array<i64: 16>, scalar_prefetch = 0 : i64, scratch_operands = 0 : i64, tpu.core_type = #tpu.core_type<tc>, window_params = [{transform_indices = @transform_0, window_bounds = array<i64: 32, 16384>}, {transform_indices = @transform_1, window_bounds = array<i64: 32, 16384>}, {transform_indices = @transform_2, window_bounds = array<i64: 32, 16384>}, {transform_indices = @transform_3, window_bounds = array<i64: 32, 16384>}, {transform_indices = @transform_4, window_bounds = array<i64: 16384, 128>}]} {
    %get3A = arith.constant 0 : index
    %get3A_0 = arith.constant 0 : index
    %get3A_1 = vector.load %arg1[%get3A, %get3A_0] : memref<32x16384xf32, #tpu.memory_space<vmem>>, vector<32x16384xf32>
    %get3A_2 = arith.constant 0 : index
    %get3A_3 = arith.constant 0 : index
    %get3A_4 = vector.load %arg2[%get3A_2, %get3A_3] : memref<32x16384xf32, #tpu.memory_space<vmem>>, vector<32x16384xf32>
    %get3A_5 = arith.constant 0 : index
    %get3A_6 = arith.constant 0 : index
    %get3A_7 = vector.load %arg3[%get3A_5, %get3A_6] : memref<32x16384xf32, #tpu.memory_space<vmem>>, vector<32x16384xf32>
    %get3A_8 = arith.constant 0 : index
    %get3A_9 = arith.constant 0 : index
    %get3A_10 = vector.load %arg4[%get3A_8, %get3A_9] : memref<32x16384xf32, #tpu.memory_space<vmem>>, vector<32x16384xf32>
    %concatenate3A = tpu.concatenate %get3A_1, %get3A_4, %get3A_7, %get3A_10 in 0 : vector<32x16384xf32>, vector<32x16384xf32>, vector<32x16384xf32>, vector<32x16384xf32> -> vector<128x16384xf32>
    %slice3A = vector.extract_strided_slice %concatenate3A {offsets = [0, 0], sizes = [128, 128], strides = [1, 1]} : vector<128x16384xf32> to vector<128x128xf32>
    %transpose3A = tpu.transpose %slice3A, [1, 0] : vector<128x128xf32> -> vector<128x128xf32>
    %swap3A = arith.constant 0 : index
    %swap3A_11 = arith.constant 0 : index
    %swap3A_12 = vector.load %arg5[%swap3A, %swap3A_11] : memref<16384x128xf32, #tpu.memory_space<vmem>>, vector<128x128xf32>
    tpu.vector_store %arg5[%swap3A, %swap3A_11], %transpose3A {strides = array<i32>} : memref<16384x128xf32, #tpu.memory_space<vmem>>, vector<128x128xf32>,
    %slice3A_13 = vector.extract_strided_slice %concatenate3A {offsets = [0, 128], sizes = [128, 128], strides = [1, 1]} : vector<128x16384xf32> to vector<128x128xf32>
    %transpose3A_14 = tpu.transpose %slice3A_13, [1, 0] : vector<128x128xf32> -> vector<128x128xf32>
    %swap3A_15 = arith.constant 128 : index
    %swap3A_16 = arith.constant 0 : index
    %swap3A_17 = vector.load %arg5[%swap3A_15, %swap3A_16] : memref<16384x128xf32, #tpu.memory_space<vmem>>, vector<128x128xf32>
    tpu.vector_store %arg5[%swap3A_15, %swap3A_16], %transpose3A_14 {strides = array<i32>} : memref<16384x128xf32, #tpu.memory_space<vmem>>, vector<128x128xf32>,
    %slice3A_18 = vector.extract_strided_slice %concatenate3A {offsets = [0, 256], sizes = [128, 128], strides = [1, 1]} : vector<128x16384xf32> to vector<128x128xf32>
    %transpose3A_19 = tpu.transpose %slice3A_18, [1, 0] : vector<128x128xf32> -> vector<128x128xf32>
    %swap3A_20 = arith.constant 256 : index
    %swap3A_21 = arith.constant 0 : index
    %swap3A_22 = vector.load %arg5[%swap3A_20, %swap3A_21] : memref<16384x128xf32, #tpu.memory_space<vmem>>, vector<128x128xf32>
    tpu.vector_store %arg5[%swap3A_20, %swap3A_21], %transpose3A_19 {strides = array<i32>} : memref<16384x128xf32, #tpu.memory_space<vmem>>, vector<128x128xf32>,
    %slice3A_23 = vector.extract_strided_slice %concatenate3A {offsets = [0, 384], sizes = [128, 128], strides = [1, 1]} : vector<128x16384xf32> to vector<128x128xf32>
    %transpose3A_24 = tpu.transpose %slice3A_23, [1, 0] : vector<128x128xf32> -> vector<128x128xf32>
    %swap3A_25 = arith.constant 384 : index
    %swap3A_26 = arith.constant 0 : index
    %swap3A_27 = vector.load %arg5[%swap3A_25, %swap3A_26] : memref<16384x128xf32, #tpu.memory_space<vmem>>, vector<128x128xf32>
    tpu.vector_store %arg5[%swap3A_25, %swap3A_26], %transpose3A_24 {strides = array<i32>} : memref<16384x128xf32, #tpu.memory_space<vmem>>, vector<128x128xf32>,
    %slice3A_28 = vector.extract_strided_slice %concatenate3A {offsets = [0, 512], sizes = [128, 128], strides = [1, 1]} : vector<128x16384xf32> to vector<128x128xf32>
    %transpose3A_29 = tpu.transpose %slice3A_28, [1, 0] : vector<128x128xf32> -> vector<128x128xf32>
    %swap3A_30 = arith.constant 512 : index
    %swap3A_31 = arith.constant 0 : index
    %swap3A_32 = vector.load %arg5[%swap3A_30, %swap3A_31] : memref<16384x128xf32, #tpu.memory_space<vmem>>, vector<128x128xf32>
    tpu.vector_store %arg5[%swap3A_30, %swap3A_31], %transpose3A_29 {strides = array<i32>} : memref<16384x128xf32, #tpu.memory_space<vmem>>, vector<128x128xf32>,
    %slice3A_33 = vector.extract_strided_slice %concatenate3A {offsets = [0, 640], sizes = [128, 128], strides = [1, 1]} : vector<128x16384xf32> to vector<128x128xf32>
    %transpose3A_34 = tpu.transpose %slice3A_33, [1, 0] : vector<128x128xf32> -> vector<128x128xf32>
    %swap3A_35 = arith.constant 640 : index
    %swap3A_36 = arith.constant 0 : index
    %swap3A_37 = vector.load %arg5[%swap3A_35, %swap3A_36] : memref<16384x128xf32, #tpu.memory_space<vmem>>, vector<128x128xf32>
    tpu.vector_store %arg5[%swap3A_35, %swap3A_36], %transpose3A_34 {strides = array<i32>} : memref<16384x128xf32, #tpu.memory_space<vmem>>, vector<128x128xf32>,
    %slice3A_38 = vector.extract_strided_slice %concatenate3A {offsets = [0, 768], sizes = [128, 128], strides = [1, 1]} : vector<128x16384xf32> to vector<128x128xf32>
    %transpose3A_39 = tpu.transpose %slice3A_38, [1, 0] : vector<128x128xf32> -> vector<128x128xf32>
    %swap3A_40 = arith.constant 768 : index
    %swap3A_41 = arith.constant 0 : index
    %swap3A_42 = vector.load %arg5[%swap3A_40, %swap3A_41] : memref<16384x128xf32, #tpu.memory_space<vmem>>, vector<128x128xf32>
    tpu.vector_store %arg5[%swap3A_40, %swap3A_41], %transpose3A_39 {strides = array<i32>} : memref<16384x128xf32, #tpu.memory_space<vmem>>, vector<128x128xf32>,
    %slice3A_43 = vector.extract_strided_slice %concatenate3A {offsets = [0, 896], sizes = [128, 128], strides = [1, 1]} : vector<128x16384xf32> to vector<128x128xf32>
    %transpose3A_44 = tpu.transpose %slice3A_43, [1, 0] : vector<128x128xf32> -> vector<128x128xf32>
    %swap3A_45 = arith.constant 896 : index
    %swap3A_46 = arith.constant 0 : index
    %swap3A_47 = vector.load %arg5[%swap3A_45, %swap3A_46] : memref<16384x128xf32, #tpu.memory_space<vmem>>, vector<128x128xf32>
    tpu.vector_store %arg5[%swap3A_45, %swap3A_46], %transpose3A_44 {strides = array<i32>} : memref<16384x128xf32, #tpu.memory_space<vmem>>, vector<128x128xf32>,
    %slice3A_48 = vector.extract_strided_slice %concatenate3A {offsets = [0, 1024], sizes = [128, 128], strides = [1, 1]} : vector<128x16384xf32> to vector<128x128xf32>
    %transpose3A_49 = tpu.transpose %slice3A_48, [1, 0] : vector<128x128xf32> -> vector<128x128xf32>
    %swap3A_50 = arith.constant 1024 : index
    %swap3A_51 = arith.constant 0 : index
    %swap3A_52 = vector.load %arg5[%swap3A_50, %swap3A_51] : memref<16384x128xf32, #tpu.memory_space<vmem>>, vector<128x128xf32>
    tpu.vector_store %arg5[%swap3A_50, %swap3A_51], %transpose3A_49 {strides = array<i32>} : memref<16384x128xf32, #tpu.memory_space<vmem>>, vector<128x128xf32>,
    %slice3A_53 = vector.extract_strided_slice %concatenate3A {offsets = [0, 1152], sizes = [128, 128], strides = [1, 1]} : vector<128x16384xf32> to vector<128x128xf32>
    %transpose3A_54 = tpu.transpose %slice3A_53, [1, 0] : vector<128x128xf32> -> vector<128x128xf32>
    %swap3A_55 = arith.constant 1152 : index
    %swap3A_56 = arith.constant 0 : index
    %swap3A_57 = vector.load %arg5[%swap3A_55, %swap3A_56] : memref<16384x128xf32, #tpu.memory_space<vmem>>, vector<128x128xf32>
    tpu.vector_store %arg5[%swap3A_55, %swap3A_56], %transpose3A_54 {strides = array<i32>} : memref<16384x128xf32, #tpu.memory_space<vmem>>, vector<128x128xf32>,
    %slice3A_58 = vector.extract_strided_slice %concatenate3A {offsets = [0, 1280], sizes = [128, 128], strides = [1, 1]} : vector<128x16384xf32> to vector<128x128xf32>
    %transpose3A_59 = tpu.transpose %slice3A_58, [1, 0] : vector<128x128xf32> -> vector<128x128xf32>
    %swap3A_60 = arith.constant 1280 : index
    %swap3A_61 = arith.constant 0 : index
    %swap3A_62 = vector.load %arg5[%swap3A_60, %swap3A_61] : memref<16384x128xf32, #tpu.memory_space<vmem>>, vector<128x128xf32>
    tpu.vector_store %arg5[%swap3A_60, %swap3A_61], %transpose3A_59 {strides = array<i32>} : memref<16384x128xf32, #tpu.memory_space<vmem>>, vector<128x128xf32>,
    %slice3A_63 = vector.extract_strided_slice %concatenate3A {offsets = [0, 1408], sizes = [128, 128], strides = [1, 1]} : vector<128x16384xf32> to vector<128x128xf32>
    %transpose3A_64 = tpu.transpose %slice3A_63, [1, 0] : vector<128x128xf32> -> vector<128x128xf32>
    %swap3A_65 = arith.constant 1408 : index
    %swap3A_66 = arith.constant 0 : index
    %swap3A_67 = vector.load %arg5[%swap3A_65, %swap3A_66] : memref<16384x128xf32, #tpu.memory_space<vmem>>, vector<128x128xf32>
    tpu.vector_store %arg5[%swap3A_65, %swap3A_66], %transpose3A_64 {strides = array<i32>} : memref<16384x128xf32, #tpu.memory_space<vmem>>, vector<128x128xf32>,
    %slice3A_68 = vector.extract_strided_slice %concatenate3A {offsets = [0, 1536], sizes = [128, 128], strides = [1, 1]} : vector<128x16384xf32> to vector<128x128xf32>
    %transpose3A_69 = tpu.transpose %slice3A_68, [1, 0] : vector<128x128xf32> -> vector<128x128xf32>
    %swap3A_70 = arith.constant 1536 : index
    %swap3A_71 = arith.constant 0 : index
    %swap3A_72 = vector.load %arg5[%swap3A_70, %swap3A_71] : memref<16384x128xf32, #tpu.memory_space<vmem>>, vector<128x128xf32>
    tpu.vector_store %arg5[%swap3A_70, %swap3A_71], %transpose3A_69 {strides = array<i32>} : memref<16384x128xf32, #tpu.memory_space<vmem>>, vector<128x128xf32>,
    %slice3A_73 = vector.extract_strided_slice %concatenate3A {offsets = [0, 1664], sizes = [128, 128], strides = [1, 1]} : vector<128x16384xf32> to vector<128x128xf32>
    %transpose3A_74 = tpu.transpose %slice3A_73, [1, 0] : vector<128x128xf32> -> vector<128x128xf32>
    %swap3A_75 = arith.constant 1664 : index
    %swap3A_76 = arith.constant 0 : index
    %swap3A_77 = vector.load %arg5[%swap3A_75, %swap3A_76] : memref<16384x128xf32, #tpu.memory_space<vmem>>, vector<128x128xf32>
    tpu.vector_store %arg5[%swap3A_75, %swap3A_76], %transpose3A_74 {strides = array<i32>} : memref<16384x128xf32, #tpu.memory_space<vmem>>, vector<128x128xf32>,
    %slice3A_78 = vector.extract_strided_slice %concatenate3A {offsets = [0, 1792], sizes = [128, 128], strides = [1, 1]} : vector<128x16384xf32> to vector<128x128xf32>
    %transpose3A_79 = tpu.transpose %slice3A_78, [1, 0] : vector<128x128xf32> -> vector<128x128xf32>
    %swap3A_80 = arith.constant 1792 : index
    %swap3A_81 = arith.constant 0 : index
    %swap3A_82 = vector.load %arg5[%swap3A_80, %swap3A_81] : memref<16384x128xf32, #tpu.memory_space<vmem>>, vector<128x128xf32>
    tpu.vector_store %arg5[%swap3A_80, %swap3A_81], %transpose3A_79 {strides = array<i32>} : memref<16384x128xf32, #tpu.memory_space<vmem>>, vector<128x128xf32>,
    %slice3A_83 = vector.extract_strided_slice %concatenate3A {offsets = [0, 1920], sizes = [128, 128], strides = [1, 1]} : vector<128x16384xf32> to vector<128x128xf32>
    %transpose3A_84 = tpu.transpose %slice3A_83, [1, 0] : vector<128x128xf32> -> vector<128x128xf32>
    %swap3A_85 = arith.constant 1920 : index
    %swap3A_86 = arith.constant 0 : index
    %swap3A_87 = vector.load %arg5[%swap3A_85, %swap3A_86] : memref<16384x128xf32, #tpu.memory_space<vmem>>, vector<128x128xf32>
    tpu.vector_store %arg5[%swap3A_85, %swap3A_86], %transpose3A_84 {strides = array<i32>} : memref<16384x128xf32, #tpu.memory_space<vmem>>, vector<128x128xf32>,
    %slice3A_88 = vector.extract_strided_slice %concatenate3A {offsets = [0, 2048], sizes = [128, 128], strides = [1, 1]} : vector<128x16384xf32> to vector<128x128xf32>
    %transpose3A_89 = tpu.transpose %slice3A_88, [1, 0] : vector<128x128xf32> -> vector<128x128xf32>
    %swap3A_90 = arith.constant 2048 : index
    %swap3A_91 = arith.constant 0 : index
    %swap3A_92 = vector.load %arg5[%swap3A_90, %swap3A_91] : memref<16384x128xf32, #tpu.memory_space<vmem>>, vector<128x128xf32>
    tpu.vector_store %arg5[%swap3A_90, %swap3A_91], %transpose3A_89 {strides = array<i32>} : memref<16384x128xf32, #tpu.memory_space<vmem>>, vector<128x128xf32>,
    %slice3A_93 = vector.extract_strided_slice %concatenate3A {offsets = [0, 2176], sizes = [128, 128], strides = [1, 1]} : vector<128x16384xf32> to vector<128x128xf32>
    %transpose3A_94 = tpu.transpose %slice3A_93, [1, 0] : vector<128x128xf32> -> vector<128x128xf32>
    %swap3A_95 = arith.constant 2176 : index
    %swap3A_96 = arith.constant 0 : index
    %swap3A_97 = vector.load %arg5[%swap3A_95, %swap3A_96] : memref<16384x128xf32, #tpu.memory_space<vmem>>, vector<128x128xf32>
    tpu.vector_store %arg5[%swap3A_95, %swap3A_96], %transpose3A_94 {strides = array<i32>} : memref<16384x128xf32, #tpu.memory_space<vmem>>, vector<128x128xf32>,
    %slice3A_98 = vector.extract_strided_slice %concatenate3A {offsets = [0, 2304], sizes = [128, 128], strides = [1, 1]} : vector<128x16384xf32> to vector<128x128xf32>
    %transpose3A_99 = tpu.transpose %slice3A_98, [1, 0] : vector<128x128xf32> -> vector<128x128xf32>
    %swap3A_100 = arith.constant 2304 : index
    %swap3A_101 = arith.constant 0 : index
    %swap3A_102 = vector.load %arg5[%swap3A_100, %swap3A_101] : memref<16384x128xf32, #tpu.memory_space<vmem>>, vector<128x128xf32>
    tpu.vector_store %arg5[%swap3A_100, %swap3A_101], %transpose3A_99 {strides = array<i32>} : memref<16384x128xf32, #tpu.memory_space<vmem>>, vector<128x128xf32>,
    %slice3A_103 = vector.extract_strided_slice %concatenate3A {offsets = [0, 2432], sizes = [128, 128], strides = [1, 1]} : vector<128x16384xf32> to vector<128x128xf32>
    %transpose3A_104 = tpu.transpose %slice3A_103, [1, 0] : vector<128x128xf32> -> vector<128x128xf32>
    %swap3A_105 = arith.constant 2432 : index
    %swap3A_106 = arith.constant 0 : index
    %swap3A_107 = vector.load %arg5[%swap3A_105, %swap3A_106] : memref<16384x128xf32, #tpu.memory_space<vmem>>, vector<128x128xf32>
    tpu.vector_store %arg5[%swap3A_105, %swap3A_106], %transpose3A_104 {strides = array<i32>} : memref<16384x128xf32, #tpu.memory_space<vmem>>, vector<128x128xf32>,
    %slice3A_108 = vector.extract_strided_slice %concatenate3A {offsets = [0, 2560], sizes = [128, 128], strides = [1, 1]} : vector<128x16384xf32> to vector<128x128xf32>
    %transpose3A_109 = tpu.transpose %slice3A_108, [1, 0] : vector<128x128xf32> -> vector<128x128xf32>
    %swap3A_110 = arith.constant 2560 : index
    %swap3A_111 = arith.constant 0 : index
    %swap3A_112 = vector.load %arg5[%swap3A_110, %swap3A_111] : memref<16384x128xf32, #tpu.memory_space<vmem>>, vector<128x128xf32>
    tpu.vector_store %arg5[%swap3A_110, %swap3A_111], %transpose3A_109 {strides = array<i32>} : memref<16384x128xf32, #tpu.memory_space<vmem>>, vector<128x128xf32>,
    %slice3A_113 = vector.extract_strided_slice %concatenate3A {offsets = [0, 2688], sizes = [128, 128], strides = [1, 1]} : vector<128x16384xf32> to vector<128x128xf32>
    %transpose3A_114 = tpu.transpose %slice3A_113, [1, 0] : vector<128x128xf32> -> vector<128x128xf32>
    %swap3A_115 = arith.constant 2688 : index
    %swap3A_116 = arith.constant 0 : index
    %swap3A_117 = vector.load %arg5[%swap3A_115, %swap3A_116] : memref<16384x128xf32, #tpu.memory_space<vmem>>, vector<128x128xf32>
    tpu.vector_store %arg5[%swap3A_115, %swap3A_116], %transpose3A_114 {strides = array<i32>} : memref<16384x128xf32, #tpu.memory_space<vmem>>, vector<128x128xf32>,
    %slice3A_118 = vector.extract_strided_slice %concatenate3A {offsets = [0, 2816], sizes = [128, 128], strides = [1, 1]} : vector<128x16384xf32> to vector<128x128xf32>
    %transpose3A_119 = tpu.transpose %slice3A_118, [1, 0] : vector<128x128xf32> -> vector<128x128xf32>
    %swap3A_120 = arith.constant 2816 : index
    %swap3A_121 = arith.constant 0 : index
    %swap3A_122 = vector.load %arg5[%swap3A_120, %swap3A_121] : memref<16384x128xf32, #tpu.memory_space<vmem>>, vector<128x128xf32>
    tpu.vector_store %arg5[%swap3A_120, %swap3A_121], %transpose3A_119 {strides = array<i32>} : memref<16384x128xf32, #tpu.memory_space<vmem>>, vector<128x128xf32>,
    %slice3A_123 = vector.extract_strided_slice %concatenate3A {offsets = [0, 2944], sizes = [128, 128], strides = [1, 1]} : vector<128x16384xf32> to vector<128x128xf32>
    %transpose3A_124 = tpu.transpose %slice3A_123, [1, 0] : vector<128x128xf32> -> vector<128x128xf32>
    %swap3A_125 = arith.constant 2944 : index
    %swap3A_126 = arith.constant 0 : index
    %swap3A_127 = vector.load %arg5[%swap3A_125, %swap3A_126] : memref<16384x128xf32, #tpu.memory_space<vmem>>, vector<128x128xf32>
    tpu.vector_store %arg5[%swap3A_125, %swap3A_126], %transpose3A_124 {strides = array<i32>} : memref<16384x128xf32, #tpu.memory_space<vmem>>, vector<128x128xf32>,
    %slice3A_128 = vector.extract_strided_slice %concatenate3A {offsets = [0, 3072], sizes = [128, 128], strides = [1, 1]} : vector<128x16384xf32> to vector<128x128xf32>
    %transpose3A_129 = tpu.transpose %slice3A_128, [1, 0] : vector<128x128xf32> -> vector<128x128xf32>
    %swap3A_130 = arith.constant 3072 : index
    %swap3A_131 = arith.constant 0 : index
    %swap3A_132 = vector.load %arg5[%swap3A_130, %swap3A_131] : memref<16384x128xf32, #tpu.memory_space<vmem>>, vector<128x128xf32>
    tpu.vector_store %arg5[%swap3A_130, %swap3A_131], %transpose3A_129 {strides = array<i32>} : memref<16384x128xf32, #tpu.memory_space<vmem>>, vector<128x128xf32>,
    %slice3A_133 = vector.extract_strided_slice %concatenate3A {offsets = [0, 3200], sizes = [128, 128], strides = [1, 1]} : vector<128x16384xf32> to vector<128x128xf32>
    %transpose3A_134 = tpu.transpose %slice3A_133, [1, 0] : vector<128x128xf32> -> vector<128x128xf32>
    %swap3A_135 = arith.constant 3200 : index
    %swap3A_136 = arith.constant 0 : index
    %swap3A_137 = vector.load %arg5[%swap3A_135, %swap3A_136] : memref<16384x128xf32, #tpu.memory_space<vmem>>, vector<128x128xf32>
    tpu.vector_store %arg5[%swap3A_135, %swap3A_136], %transpose3A_134 {strides = array<i32>} : memref<16384x128xf32, #tpu.memory_space<vmem>>, vector<128x128xf32>,
    %slice3A_138 = vector.extract_strided_slice %concatenate3A {offsets = [0, 3328], sizes = [128, 128], strides = [1, 1]} : vector<128x16384xf32> to vector<128x128xf32>
    %transpose3A_139 = tpu.transpose %slice3A_138, [1, 0] : vector<128x128xf32> -> vector<128x128xf32>
    %swap3A_140 = arith.constant 3328 : index
    %swap3A_141 = arith.constant 0 : index
    %swap3A_142 = vector.load %arg5[%swap3A_140, %swap3A_141] : memref<16384x128xf32, #tpu.memory_space<vmem>>, vector<128x128xf32>
    tpu.vector_store %arg5[%swap3A_140, %swap3A_141], %transpose3A_139 {strides = array<i32>} : memref<16384x128xf32, #tpu.memory_space<vmem>>, vector<128x128xf32>,
    %slice3A_143 = vector.extract_strided_slice %concatenate3A {offsets = [0, 3456], sizes = [128, 128], strides = [1, 1]} : vector<128x16384xf32> to vector<128x128xf32>
    %transpose3A_144 = tpu.transpose %slice3A_143, [1, 0] : vector<128x128xf32> -> vector<128x128xf32>
    %swap3A_145 = arith.constant 3456 : index
    %swap3A_146 = arith.constant 0 : index
    %swap3A_147 = vector.load %arg5[%swap3A_145, %swap3A_146] : memref<16384x128xf32, #tpu.memory_space<vmem>>, vector<128x128xf32>
    tpu.vector_store %arg5[%swap3A_145, %swap3A_146], %transpose3A_144 {strides = array<i32>} : memref<16384x128xf32, #tpu.memory_space<vmem>>, vector<128x128xf32>,
    %slice3A_148 = vector.extract_strided_slice %concatenate3A {offsets = [0, 3584], sizes = [128, 128], strides = [1, 1]} : vector<128x16384xf32> to vector<128x128xf32>
    %transpose3A_149 = tpu.transpose %slice3A_148, [1, 0] : vector<128x128xf32> -> vector<128x128xf32>
    %swap3A_150 = arith.constant 3584 : index
    %swap3A_151 = arith.constant 0 : index
    %swap3A_152 = vector.load %arg5[%swap3A_150, %swap3A_151] : memref<16384x128xf32, #tpu.memory_space<vmem>>, vector<128x128xf32>
    tpu.vector_store %arg5[%swap3A_150, %swap3A_151], %transpose3A_149 {strides = array<i32>} : memref<16384x128xf32, #tpu.memory_space<vmem>>, vector<128x128xf32>,
    %slice3A_153 = vector.extract_strided_slice %concatenate3A {offsets = [0, 3712], sizes = [128, 128], strides = [1, 1]} : vector<128x16384xf32> to vector<128x128xf32>
    %transpose3A_154 = tpu.transpose %slice3A_153, [1, 0] : vector<128x128xf32> -> vector<128x128xf32>
    %swap3A_155 = arith.constant 3712 : index
    %swap3A_156 = arith.constant 0 : index
    %swap3A_157 = vector.load %arg5[%swap3A_155, %swap3A_156] : memref<16384x128xf32, #tpu.memory_space<vmem>>, vector<128x128xf32>
    tpu.vector_store %arg5[%swap3A_155, %swap3A_156], %transpose3A_154 {strides = array<i32>} : memref<16384x128xf32, #tpu.memory_space<vmem>>, vector<128x128xf32>,
    %slice3A_158 = vector.extract_strided_slice %concatenate3A {offsets = [0, 3840], sizes = [128, 128], strides = [1, 1]} : vector<128x16384xf32> to vector<128x128xf32>
    %transpose3A_159 = tpu.transpose %slice3A_158, [1, 0] : vector<128x128xf32> -> vector<128x128xf32>
    %swap3A_160 = arith.constant 3840 : index
    %swap3A_161 = arith.constant 0 : index
    %swap3A_162 = vector.load %arg5[%swap3A_160, %swap3A_161] : memref<16384x128xf32, #tpu.memory_space<vmem>>, vector<128x128xf32>
    tpu.vector_store %arg5[%swap3A_160, %swap3A_161], %transpose3A_159 {strides = array<i32>} : memref<16384x128xf32, #tpu.memory_space<vmem>>, vector<128x128xf32>,
    %slice3A_163 = vector.extract_strided_slice %concatenate3A {offsets = [0, 3968], sizes = [128, 128], strides = [1, 1]} : vector<128x16384xf32> to vector<128x128xf32>
    %transpose3A_164 = tpu.transpose %slice3A_163, [1, 0] : vector<128x128xf32> -> vector<128x128xf32>
    %swap3A_165 = arith.constant 3968 : index
    %swap3A_166 = arith.constant 0 : index
    %swap3A_167 = vector.load %arg5[%swap3A_165, %swap3A_166] : memref<16384x128xf32, #tpu.memory_space<vmem>>, vector<128x128xf32>
    tpu.vector_store %arg5[%swap3A_165, %swap3A_166], %transpose3A_164 {strides = array<i32>} : memref<16384x128xf32, #tpu.memory_space<vmem>>, vector<128x128xf32>,
    %slice3A_168 = vector.extract_strided_slice %concatenate3A {offsets = [0, 4096], sizes = [128, 128], strides = [1, 1]} : vector<128x16384xf32> to vector<128x128xf32>
    %transpose3A_169 = tpu.transpose %slice3A_168, [1, 0] : vector<128x128xf32> -> vector<128x128xf32>
    %swap3A_170 = arith.constant 4096 : index
    %swap3A_171 = arith.constant 0 : index
    %swap3A_172 = vector.load %arg5[%swap3A_170, %swap3A_171] : memref<16384x128xf32, #tpu.memory_space<vmem>>, vector<128x128xf32>
    tpu.vector_store %arg5[%swap3A_170, %swap3A_171], %transpose3A_169 {strides = array<i32>} : memref<16384x128xf32, #tpu.memory_space<vmem>>, vector<128x128xf32>,
    %slice3A_173 = vector.extract_strided_slice %concatenate3A {offsets = [0, 4224], sizes = [128, 128], strides = [1, 1]} : vector<128x16384xf32> to vector<128x128xf32>
    %transpose3A_174 = tpu.transpose %slice3A_173, [1, 0] : vector<128x128xf32> -> vector<128x128xf32>
    %swap3A_175 = arith.constant 4224 : index
    %swap3A_176 = arith.constant 0 : index
    %swap3A_177 = vector.load %arg5[%swap3A_175, %swap3A_176] : memref<16384x128xf32, #tpu.memory_space<vmem>>, vector<128x128xf32>
    tpu.vector_store %arg5[%swap3A_175, %swap3A_176], %transpose3A_174 {strides = array<i32>} : memref<16384x128xf32, #tpu.memory_space<vmem>>, vector<128x128xf32>,
    %slice3A_178 = vector.extract_strided_slice %concatenate3A {offsets = [0, 4352], sizes = [128, 128], strides = [1, 1]} : vector<128x16384xf32> to vector<128x128xf32>
    %transpose3A_179 = tpu.transpose %slice3A_178, [1, 0] : vector<128x128xf32> -> vector<128x128xf32>
    %swap3A_180 = arith.constant 4352 : index
    %swap3A_181 = arith.constant 0 : index
    %swap3A_182 = vector.load %arg5[%swap3A_180, %swap3A_181] : memref<16384x128xf32, #tpu.memory_space<vmem>>, vector<128x128xf32>
    tpu.vector_store %arg5[%swap3A_180, %swap3A_181], %transpose3A_179 {strides = array<i32>} : memref<16384x128xf32, #tpu.memory_space<vmem>>, vector<128x128xf32>,
    %slice3A_183 = vector.extract_strided_slice %concatenate3A {offsets = [0, 4480], sizes = [128, 128], strides = [1, 1]} : vector<128x16384xf32> to vector<128x128xf32>
    %transpose3A_184 = tpu.transpose %slice3A_183, [1, 0] : vector<128x128xf32> -> vector<128x128xf32>
    %swap3A_185 = arith.constant 4480 : index
    %swap3A_186 = arith.constant 0 : index
    %swap3A_187 = vector.load %arg5[%swap3A_185, %swap3A_186] : memref<16384x128xf32, #tpu.memory_space<vmem>>, vector<128x128xf32>
    tpu.vector_store %arg5[%swap3A_185, %swap3A_186], %transpose3A_184 {strides = array<i32>} : memref<16384x128xf32, #tpu.memory_space<vmem>>, vector<128x128xf32>,
    %slice3A_188 = vector.extract_strided_slice %concatenate3A {offsets = [0, 4608], sizes = [128, 128], strides = [1, 1]} : vector<128x16384xf32> to vector<128x128xf32>
    %transpose3A_189 = tpu.transpose %slice3A_188, [1, 0] : vector<128x128xf32> -> vector<128x128xf32>
    %swap3A_190 = arith.constant 4608 : index
    %swap3A_191 = arith.constant 0 : index
    %swap3A_192 = vector.load %arg5[%swap3A_190, %swap3A_191] : memref<16384x128xf32, #tpu.memory_space<vmem>>, vector<128x128xf32>
    tpu.vector_store %arg5[%swap3A_190, %swap3A_191], %transpose3A_189 {strides = array<i32>} : memref<16384x128xf32, #tpu.memory_space<vmem>>, vector<128x128xf32>,
    %slice3A_193 = vector.extract_strided_slice %concatenate3A {offsets = [0, 4736], sizes = [128, 128], strides = [1, 1]} : vector<128x16384xf32> to vector<128x128xf32>
    %transpose3A_194 = tpu.transpose %slice3A_193, [1, 0] : vector<128x128xf32> -> vector<128x128xf32>
    %swap3A_195 = arith.constant 4736 : index
    %swap3A_196 = arith.constant 0 : index
    %swap3A_197 = vector.load %arg5[%swap3A_195, %swap3A_196] : memref<16384x128xf32, #tpu.memory_space<vmem>>, vector<128x128xf32>
    tpu.vector_store %arg5[%swap3A_195, %swap3A_196], %transpose3A_194 {strides = array<i32>} : memref<16384x128xf32, #tpu.memory_space<vmem>>, vector<128x128xf32>,
    %slice3A_198 = vector.extract_strided_slice %concatenate3A {offsets = [0, 4864], sizes = [128, 128], strides = [1, 1]} : vector<128x16384xf32> to vector<128x128xf32>
    %transpose3A_199 = tpu.transpose %slice3A_198, [1, 0] : vector<128x128xf32> -> vector<128x128xf32>
    %swap3A_200 = arith.constant 4864 : index
    %swap3A_201 = arith.constant 0 : index
    %swap3A_202 = vector.load %arg5[%swap3A_200, %swap3A_201] : memref<16384x128xf32, #tpu.memory_space<vmem>>, vector<128x128xf32>
    tpu.vector_store %arg5[%swap3A_200, %swap3A_201], %transpose3A_199 {strides = array<i32>} : memref<16384x128xf32, #tpu.memory_space<vmem>>, vector<128x128xf32>,
    %slice3A_203 = vector.extract_strided_slice %concatenate3A {offsets = [0, 4992], sizes = [128, 128], strides = [1, 1]} : vector<128x16384xf32> to vector<128x128xf32>
    %transpose3A_204 = tpu.transpose %slice3A_203, [1, 0] : vector<128x128xf32> -> vector<128x128xf32>
    %swap3A_205 = arith.constant 4992 : index
    %swap3A_206 = arith.constant 0 : index
    %swap3A_207 = vector.load %arg5[%swap3A_205, %swap3A_206] : memref<16384x128xf32, #tpu.memory_space<vmem>>, vector<128x128xf32>
    tpu.vector_store %arg5[%swap3A_205, %swap3A_206], %transpose3A_204 {strides = array<i32>} : memref<16384x128xf32, #tpu.memory_space<vmem>>, vector<128x128xf32>,
    %slice3A_208 = vector.extract_strided_slice %concatenate3A {offsets = [0, 5120], sizes = [128, 128], strides = [1, 1]} : vector<128x16384xf32> to vector<128x128xf32>
    %transpose3A_209 = tpu.transpose %slice3A_208, [1, 0] : vector<128x128xf32> -> vector<128x128xf32>
    %swap3A_210 = arith.constant 5120 : index
    %swap3A_211 = arith.constant 0 : index
    %swap3A_212 = vector.load %arg5[%swap3A_210, %swap3A_211] : memref<16384x128xf32, #tpu.memory_space<vmem>>, vector<128x128xf32>
    tpu.vector_store %arg5[%swap3A_210, %swap3A_211], %transpose3A_209 {strides = array<i32>} : memref<16384x128xf32, #tpu.memory_space<vmem>>, vector<128x128xf32>,
    %slice3A_213 = vector.extract_strided_slice %concatenate3A {offsets = [0, 5248], sizes = [128, 128], strides = [1, 1]} : vector<128x16384xf32> to vector<128x128xf32>
    %transpose3A_214 = tpu.transpose %slice3A_213, [1, 0] : vector<128x128xf32> -> vector<128x128xf32>
    %swap3A_215 = arith.constant 5248 : index
    %swap3A_216 = arith.constant 0 : index
    %swap3A_217 = vector.load %arg5[%swap3A_215, %swap3A_216] : memref<16384x128xf32, #tpu.memory_space<vmem>>, vector<128x128xf32>
    tpu.vector_store %arg5[%swap3A_215, %swap3A_216], %transpose3A_214 {strides = array<i32>} : memref<16384x128xf32, #tpu.memory_space<vmem>>, vector<128x128xf32>,
    %slice3A_218 = vector.extract_strided_slice %concatenate3A {offsets = [0, 5376], sizes = [128, 128], strides = [1, 1]} : vector<128x16384xf32> to vector<128x128xf32>
    %transpose3A_219 = tpu.transpose %slice3A_218, [1, 0] : vector<128x128xf32> -> vector<128x128xf32>
    %swap3A_220 = arith.constant 5376 : index
    %swap3A_221 = arith.constant 0 : index
    %swap3A_222 = vector.load %arg5[%swap3A_220, %swap3A_221] : memref<16384x128xf32, #tpu.memory_space<vmem>>, vector<128x128xf32>
    tpu.vector_store %arg5[%swap3A_220, %swap3A_221], %transpose3A_219 {strides = array<i32>} : memref<16384x128xf32, #tpu.memory_space<vmem>>, vector<128x128xf32>,
    %slice3A_223 = vector.extract_strided_slice %concatenate3A {offsets = [0, 5504], sizes = [128, 128], strides = [1, 1]} : vector<128x16384xf32> to vector<128x128xf32>
    %transpose3A_224 = tpu.transpose %slice3A_223, [1, 0] : vector<128x128xf32> -> vector<128x128xf32>
    %swap3A_225 = arith.constant 5504 : index
    %swap3A_226 = arith.constant 0 : index
    %swap3A_227 = vector.load %arg5[%swap3A_225, %swap3A_226] : memref<16384x128xf32, #tpu.memory_space<vmem>>, vector<128x128xf32>
    tpu.vector_store %arg5[%swap3A_225, %swap3A_226], %transpose3A_224 {strides = array<i32>} : memref<16384x128xf32, #tpu.memory_space<vmem>>, vector<128x128xf32>,
    %slice3A_228 = vector.extract_strided_slice %concatenate3A {offsets = [0, 5632], sizes = [128, 128], strides = [1, 1]} : vector<128x16384xf32> to vector<128x128xf32>
    %transpose3A_229 = tpu.transpose %slice3A_228, [1, 0] : vector<128x128xf32> -> vector<128x128xf32>
    %swap3A_230 = arith.constant 5632 : index
    %swap3A_231 = arith.constant 0 : index
    %swap3A_232 = vector.load %arg5[%swap3A_230, %swap3A_231] : memref<16384x128xf32, #tpu.memory_space<vmem>>, vector<128x128xf32>
    tpu.vector_store %arg5[%swap3A_230, %swap3A_231], %transpose3A_229 {strides = array<i32>} : memref<16384x128xf32, #tpu.memory_space<vmem>>, vector<128x128xf32>,
    %slice3A_233 = vector.extract_strided_slice %concatenate3A {offsets = [0, 5760], sizes = [128, 128], strides = [1, 1]} : vector<128x16384xf32> to vector<128x128xf32>
    %transpose3A_234 = tpu.transpose %slice3A_233, [1, 0] : vector<128x128xf32> -> vector<128x128xf32>
    %swap3A_235 = arith.constant 5760 : index
    %swap3A_236 = arith.constant 0 : index
    %swap3A_237 = vector.load %arg5[%swap3A_235, %swap3A_236] : memref<16384x128xf32, #tpu.memory_space<vmem>>, vector<128x128xf32>
    tpu.vector_store %arg5[%swap3A_235, %swap3A_236], %transpose3A_234 {strides = array<i32>} : memref<16384x128xf32, #tpu.memory_space<vmem>>, vector<128x128xf32>,
    %slice3A_238 = vector.extract_strided_slice %concatenate3A {offsets = [0, 5888], sizes = [128, 128], strides = [1, 1]} : vector<128x16384xf32> to vector<128x128xf32>
    %transpose3A_239 = tpu.transpose %slice3A_238, [1, 0] : vector<128x128xf32> -> vector<128x128xf32>
    %swap3A_240 = arith.constant 5888 : index
    %swap3A_241 = arith.constant 0 : index
    %swap3A_242 = vector.load %arg5[%swap3A_240, %swap3A_241] : memref<16384x128xf32, #tpu.memory_space<vmem>>, vector<128x128xf32>
    tpu.vector_store %arg5[%swap3A_240, %swap3A_241], %transpose3A_239 {strides = array<i32>} : memref<16384x128xf32, #tpu.memory_space<vmem>>, vector<128x128xf32>,
    %slice3A_243 = vector.extract_strided_slice %concatenate3A {offsets = [0, 6016], sizes = [128, 128], strides = [1, 1]} : vector<128x16384xf32> to vector<128x128xf32>
    %transpose3A_244 = tpu.transpose %slice3A_243, [1, 0] : vector<128x128xf32> -> vector<128x128xf32>
    %swap3A_245 = arith.constant 6016 : index
    %swap3A_246 = arith.constant 0 : index
    %swap3A_247 = vector.load %arg5[%swap3A_245, %swap3A_246] : memref<16384x128xf32, #tpu.memory_space<vmem>>, vector<128x128xf32>
    tpu.vector_store %arg5[%swap3A_245, %swap3A_246], %transpose3A_244 {strides = array<i32>} : memref<16384x128xf32, #tpu.memory_space<vmem>>, vector<128x128xf32>,
    %slice3A_248 = vector.extract_strided_slice %concatenate3A {offsets = [0, 6144], sizes = [128, 128], strides = [1, 1]} : vector<128x16384xf32> to vector<128x128xf32>
    %transpose3A_249 = tpu.transpose %slice3A_248, [1, 0] : vector<128x128xf32> -> vector<128x128xf32>
    %swap3A_250 = arith.constant 6144 : index
    %swap3A_251 = arith.constant 0 : index
    %swap3A_252 = vector.load %arg5[%swap3A_250, %swap3A_251] : memref<16384x128xf32, #tpu.memory_space<vmem>>, vector<128x128xf32>
    tpu.vector_store %arg5[%swap3A_250, %swap3A_251], %transpose3A_249 {strides = array<i32>} : memref<16384x128xf32, #tpu.memory_space<vmem>>, vector<128x128xf32>,
    %slice3A_253 = vector.extract_strided_slice %concatenate3A {offsets = [0, 6272], sizes = [128, 128], strides = [1, 1]} : vector<128x16384xf32> to vector<128x128xf32>
    %transpose3A_254 = tpu.transpose %slice3A_253, [1, 0] : vector<128x128xf32> -> vector<128x128xf32>
    %swap3A_255 = arith.constant 6272 : index
    %swap3A_256 = arith.constant 0 : index
    %swap3A_257 = vector.load %arg5[%swap3A_255, %swap3A_256] : memref<16384x128xf32, #tpu.memory_space<vmem>>, vector<128x128xf32>
    tpu.vector_store %arg5[%swap3A_255, %swap3A_256], %transpose3A_254 {strides = array<i32>} : memref<16384x128xf32, #tpu.memory_space<vmem>>, vector<128x128xf32>,
    %slice3A_258 = vector.extract_strided_slice %concatenate3A {offsets = [0, 6400], sizes = [128, 128], strides = [1, 1]} : vector<128x16384xf32> to vector<128x128xf32>
    %transpose3A_259 = tpu.transpose %slice3A_258, [1, 0] : vector<128x128xf32> -> vector<128x128xf32>
    %swap3A_260 = arith.constant 6400 : index
    %swap3A_261 = arith.constant 0 : index
    %swap3A_262 = vector.load %arg5[%swap3A_260, %swap3A_261] : memref<16384x128xf32, #tpu.memory_space<vmem>>, vector<128x128xf32>
    tpu.vector_store %arg5[%swap3A_260, %swap3A_261], %transpose3A_259 {strides = array<i32>} : memref<16384x128xf32, #tpu.memory_space<vmem>>, vector<128x128xf32>,
    %slice3A_263 = vector.extract_strided_slice %concatenate3A {offsets = [0, 6528], sizes = [128, 128], strides = [1, 1]} : vector<128x16384xf32> to vector<128x128xf32>
    %transpose3A_264 = tpu.transpose %slice3A_263, [1, 0] : vector<128x128xf32> -> vector<128x128xf32>
    %swap3A_265 = arith.constant 6528 : index
    %swap3A_266 = arith.constant 0 : index
    %swap3A_267 = vector.load %arg5[%swap3A_265, %swap3A_266] : memref<16384x128xf32, #tpu.memory_space<vmem>>, vector<128x128xf32>
    tpu.vector_store %arg5[%swap3A_265, %swap3A_266], %transpose3A_264 {strides = array<i32>} : memref<16384x128xf32, #tpu.memory_space<vmem>>, vector<128x128xf32>,
    %slice3A_268 = vector.extract_strided_slice %concatenate3A {offsets = [0, 6656], sizes = [128, 128], strides = [1, 1]} : vector<128x16384xf32> to vector<128x128xf32>
    %transpose3A_269 = tpu.transpose %slice3A_268, [1, 0] : vector<128x128xf32> -> vector<128x128xf32>
    %swap3A_270 = arith.constant 6656 : index
    %swap3A_271 = arith.constant 0 : index
    %swap3A_272 = vector.load %arg5[%swap3A_270, %swap3A_271] : memref<16384x128xf32, #tpu.memory_space<vmem>>, vector<128x128xf32>
    tpu.vector_store %arg5[%swap3A_270, %swap3A_271], %transpose3A_269 {strides = array<i32>} : memref<16384x128xf32, #tpu.memory_space<vmem>>, vector<128x128xf32>,
    %slice3A_273 = vector.extract_strided_slice %concatenate3A {offsets = [0, 6784], sizes = [128, 128], strides = [1, 1]} : vector<128x16384xf32> to vector<128x128xf32>
    %transpose3A_274 = tpu.transpose %slice3A_273, [1, 0] : vector<128x128xf32> -> vector<128x128xf32>
    %swap3A_275 = arith.constant 6784 : index
    %swap3A_276 = arith.constant 0 : index
    %swap3A_277 = vector.load %arg5[%swap3A_275, %swap3A_276] : memref<16384x128xf32, #tpu.memory_space<vmem>>, vector<128x128xf32>
    tpu.vector_store %arg5[%swap3A_275, %swap3A_276], %transpose3A_274 {strides = array<i32>} : memref<16384x128xf32, #tpu.memory_space<vmem>>, vector<128x128xf32>,
    %slice3A_278 = vector.extract_strided_slice %concatenate3A {offsets = [0, 6912], sizes = [128, 128], strides = [1, 1]} : vector<128x16384xf32> to vector<128x128xf32>
    %transpose3A_279 = tpu.transpose %slice3A_278, [1, 0] : vector<128x128xf32> -> vector<128x128xf32>
    %swap3A_280 = arith.constant 6912 : index
    %swap3A_281 = arith.constant 0 : index
    %swap3A_282 = vector.load %arg5[%swap3A_280, %swap3A_281] : memref<16384x128xf32, #tpu.memory_space<vmem>>, vector<128x128xf32>
    tpu.vector_store %arg5[%swap3A_280, %swap3A_281], %transpose3A_279 {strides = array<i32>} : memref<16384x128xf32, #tpu.memory_space<vmem>>, vector<128x128xf32>,
    %slice3A_283 = vector.extract_strided_slice %concatenate3A {offsets = [0, 7040], sizes = [128, 128], strides = [1, 1]} : vector<128x16384xf32> to vector<128x128xf32>
    %transpose3A_284 = tpu.transpose %slice3A_283, [1, 0] : vector<128x128xf32> -> vector<128x128xf32>
    %swap3A_285 = arith.constant 7040 : index
    %swap3A_286 = arith.constant 0 : index
    %swap3A_287 = vector.load %arg5[%swap3A_285, %swap3A_286] : memref<16384x128xf32, #tpu.memory_space<vmem>>, vector<128x128xf32>
    tpu.vector_store %arg5[%swap3A_285, %swap3A_286], %transpose3A_284 {strides = array<i32>} : memref<16384x128xf32, #tpu.memory_space<vmem>>, vector<128x128xf32>,
    %slice3A_288 = vector.extract_strided_slice %concatenate3A {offsets = [0, 7168], sizes = [128, 128], strides = [1, 1]} : vector<128x16384xf32> to vector<128x128xf32>
    %transpose3A_289 = tpu.transpose %slice3A_288, [1, 0] : vector<128x128xf32> -> vector<128x128xf32>
    %swap3A_290 = arith.constant 7168 : index
    %swap3A_291 = arith.constant 0 : index
    %swap3A_292 = vector.load %arg5[%swap3A_290, %swap3A_291] : memref<16384x128xf32, #tpu.memory_space<vmem>>, vector<128x128xf32>
    tpu.vector_store %arg5[%swap3A_290, %swap3A_291], %transpose3A_289 {strides = array<i32>} : memref<16384x128xf32, #tpu.memory_space<vmem>>, vector<128x128xf32>,
    %slice3A_293 = vector.extract_strided_slice %concatenate3A {offsets = [0, 7296], sizes = [128, 128], strides = [1, 1]} : vector<128x16384xf32> to vector<128x128xf32>
    %transpose3A_294 = tpu.transpose %slice3A_293, [1, 0] : vector<128x128xf32> -> vector<128x128xf32>
    %swap3A_295 = arith.constant 7296 : index
    %swap3A_296 = arith.constant 0 : index
    %swap3A_297 = vector.load %arg5[%swap3A_295, %swap3A_296] : memref<16384x128xf32, #tpu.memory_space<vmem>>, vector<128x128xf32>
    tpu.vector_store %arg5[%swap3A_295, %swap3A_296], %transpose3A_294 {strides = array<i32>} : memref<16384x128xf32, #tpu.memory_space<vmem>>, vector<128x128xf32>,
    %slice3A_298 = vector.extract_strided_slice %concatenate3A {offsets = [0, 7424], sizes = [128, 128], strides = [1, 1]} : vector<128x16384xf32> to vector<128x128xf32>
    %transpose3A_299 = tpu.transpose %slice3A_298, [1, 0] : vector<128x128xf32> -> vector<128x128xf32>
    %swap3A_300 = arith.constant 7424 : index
    %swap3A_301 = arith.constant 0 : index
    %swap3A_302 = vector.load %arg5[%swap3A_300, %swap3A_301] : memref<16384x128xf32, #tpu.memory_space<vmem>>, vector<128x128xf32>
    tpu.vector_store %arg5[%swap3A_300, %swap3A_301], %transpose3A_299 {strides = array<i32>} : memref<16384x128xf32, #tpu.memory_space<vmem>>, vector<128x128xf32>,
    %slice3A_303 = vector.extract_strided_slice %concatenate3A {offsets = [0, 7552], sizes = [128, 128], strides = [1, 1]} : vector<128x16384xf32> to vector<128x128xf32>
    %transpose3A_304 = tpu.transpose %slice3A_303, [1, 0] : vector<128x128xf32> -> vector<128x128xf32>
    %swap3A_305 = arith.constant 7552 : index
    %swap3A_306 = arith.constant 0 : index
    %swap3A_307 = vector.load %arg5[%swap3A_305, %swap3A_306] : memref<16384x128xf32, #tpu.memory_space<vmem>>, vector<128x128xf32>
    tpu.vector_store %arg5[%swap3A_305, %swap3A_306], %transpose3A_304 {strides = array<i32>} : memref<16384x128xf32, #tpu.memory_space<vmem>>, vector<128x128xf32>,
    %slice3A_308 = vector.extract_strided_slice %concatenate3A {offsets = [0, 7680], sizes = [128, 128], strides = [1, 1]} : vector<128x16384xf32> to vector<128x128xf32>
    %transpose3A_309 = tpu.transpose %slice3A_308, [1, 0] : vector<128x128xf32> -> vector<128x128xf32>
    %swap3A_310 = arith.constant 7680 : index
    %swap3A_311 = arith.constant 0 : index
    %swap3A_312 = vector.load %arg5[%swap3A_310, %swap3A_311] : memref<16384x128xf32, #tpu.memory_space<vmem>>, vector<128x128xf32>
    tpu.vector_store %arg5[%swap3A_310, %swap3A_311], %transpose3A_309 {strides = array<i32>} : memref<16384x128xf32, #tpu.memory_space<vmem>>, vector<128x128xf32>,
    %slice3A_313 = vector.extract_strided_slice %concatenate3A {offsets = [0, 7808], sizes = [128, 128], strides = [1, 1]} : vector<128x16384xf32> to vector<128x128xf32>
    %transpose3A_314 = tpu.transpose %slice3A_313, [1, 0] : vector<128x128xf32> -> vector<128x128xf32>
    %swap3A_315 = arith.constant 7808 : index
    %swap3A_316 = arith.constant 0 : index
    %swap3A_317 = vector.load %arg5[%swap3A_315, %swap3A_316] : memref<16384x128xf32, #tpu.memory_space<vmem>>, vector<128x128xf32>
    tpu.vector_store %arg5[%swap3A_315, %swap3A_316], %transpose3A_314 {strides = array<i32>} : memref<16384x128xf32, #tpu.memory_space<vmem>>, vector<128x128xf32>,
    %slice3A_318 = vector.extract_strided_slice %concatenate3A {offsets = [0, 7936], sizes = [128, 128], strides = [1, 1]} : vector<128x16384xf32> to vector<128x128xf32>
    %transpose3A_319 = tpu.transpose %slice3A_318, [1, 0] : vector<128x128xf32> -> vector<128x128xf32>
    %swap3A_320 = arith.constant 7936 : index
    %swap3A_321 = arith.constant 0 : index
    %swap3A_322 = vector.load %arg5[%swap3A_320, %swap3A_321] : memref<16384x128xf32, #tpu.memory_space<vmem>>, vector<128x128xf32>
    tpu.vector_store %arg5[%swap3A_320, %swap3A_321], %transpose3A_319 {strides = array<i32>} : memref<16384x128xf32, #tpu.memory_space<vmem>>, vector<128x128xf32>,
    %slice3A_323 = vector.extract_strided_slice %concatenate3A {offsets = [0, 8064], sizes = [128, 128], strides = [1, 1]} : vector<128x16384xf32> to vector<128x128xf32>
    %transpose3A_324 = tpu.transpose %slice3A_323, [1, 0] : vector<128x128xf32> -> vector<128x128xf32>
    %swap3A_325 = arith.constant 8064 : index
    %swap3A_326 = arith.constant 0 : index
    %swap3A_327 = vector.load %arg5[%swap3A_325, %swap3A_326] : memref<16384x128xf32, #tpu.memory_space<vmem>>, vector<128x128xf32>
    tpu.vector_store %arg5[%swap3A_325, %swap3A_326], %transpose3A_324 {strides = array<i32>} : memref<16384x128xf32, #tpu.memory_space<vmem>>, vector<128x128xf32>,
    %slice3A_328 = vector.extract_strided_slice %concatenate3A {offsets = [0, 8192], sizes = [128, 128], strides = [1, 1]} : vector<128x16384xf32> to vector<128x128xf32>
    %transpose3A_329 = tpu.transpose %slice3A_328, [1, 0] : vector<128x128xf32> -> vector<128x128xf32>
    %swap3A_330 = arith.constant 8192 : index
    %swap3A_331 = arith.constant 0 : index
    %swap3A_332 = vector.load %arg5[%swap3A_330, %swap3A_331] : memref<16384x128xf32, #tpu.memory_space<vmem>>, vector<128x128xf32>
    tpu.vector_store %arg5[%swap3A_330, %swap3A_331], %transpose3A_329 {strides = array<i32>} : memref<16384x128xf32, #tpu.memory_space<vmem>>, vector<128x128xf32>,
    %slice3A_333 = vector.extract_strided_slice %concatenate3A {offsets = [0, 8320], sizes = [128, 128], strides = [1, 1]} : vector<128x16384xf32> to vector<128x128xf32>
    %transpose3A_334 = tpu.transpose %slice3A_333, [1, 0] : vector<128x128xf32> -> vector<128x128xf32>
    %swap3A_335 = arith.constant 8320 : index
    %swap3A_336 = arith.constant 0 : index
    %swap3A_337 = vector.load %arg5[%swap3A_335, %swap3A_336] : memref<16384x128xf32, #tpu.memory_space<vmem>>, vector<128x128xf32>
    tpu.vector_store %arg5[%swap3A_335, %swap3A_336], %transpose3A_334 {strides = array<i32>} : memref<16384x128xf32, #tpu.memory_space<vmem>>, vector<128x128xf32>,
    %slice3A_338 = vector.extract_strided_slice %concatenate3A {offsets = [0, 8448], sizes = [128, 128], strides = [1, 1]} : vector<128x16384xf32> to vector<128x128xf32>
    %transpose3A_339 = tpu.transpose %slice3A_338, [1, 0] : vector<128x128xf32> -> vector<128x128xf32>
    %swap3A_340 = arith.constant 8448 : index
    %swap3A_341 = arith.constant 0 : index
    %swap3A_342 = vector.load %arg5[%swap3A_340, %swap3A_341] : memref<16384x128xf32, #tpu.memory_space<vmem>>, vector<128x128xf32>
    tpu.vector_store %arg5[%swap3A_340, %swap3A_341], %transpose3A_339 {strides = array<i32>} : memref<16384x128xf32, #tpu.memory_space<vmem>>, vector<128x128xf32>,
    %slice3A_343 = vector.extract_strided_slice %concatenate3A {offsets = [0, 8576], sizes = [128, 128], strides = [1, 1]} : vector<128x16384xf32> to vector<128x128xf32>
    %transpose3A_344 = tpu.transpose %slice3A_343, [1, 0] : vector<128x128xf32> -> vector<128x128xf32>
    %swap3A_345 = arith.constant 8576 : index
    %swap3A_346 = arith.constant 0 : index
    %swap3A_347 = vector.load %arg5[%swap3A_345, %swap3A_346] : memref<16384x128xf32, #tpu.memory_space<vmem>>, vector<128x128xf32>
    tpu.vector_store %arg5[%swap3A_345, %swap3A_346], %transpose3A_344 {strides = array<i32>} : memref<16384x128xf32, #tpu.memory_space<vmem>>, vector<128x128xf32>,
    %slice3A_348 = vector.extract_strided_slice %concatenate3A {offsets = [0, 8704], sizes = [128, 128], strides = [1, 1]} : vector<128x16384xf32> to vector<128x128xf32>
    %transpose3A_349 = tpu.transpose %slice3A_348, [1, 0] : vector<128x128xf32> -> vector<128x128xf32>
    %swap3A_350 = arith.constant 8704 : index
    %swap3A_351 = arith.constant 0 : index
    %swap3A_352 = vector.load %arg5[%swap3A_350, %swap3A_351] : memref<16384x128xf32, #tpu.memory_space<vmem>>, vector<128x128xf32>
    tpu.vector_store %arg5[%swap3A_350, %swap3A_351], %transpose3A_349 {strides = array<i32>} : memref<16384x128xf32, #tpu.memory_space<vmem>>, vector<128x128xf32>,
    %slice3A_353 = vector.extract_strided_slice %concatenate3A {offsets = [0, 8832], sizes = [128, 128], strides = [1, 1]} : vector<128x16384xf32> to vector<128x128xf32>
    %transpose3A_354 = tpu.transpose %slice3A_353, [1, 0] : vector<128x128xf32> -> vector<128x128xf32>
    %swap3A_355 = arith.constant 8832 : index
    %swap3A_356 = arith.constant 0 : index
    %swap3A_357 = vector.load %arg5[%swap3A_355, %swap3A_356] : memref<16384x128xf32, #tpu.memory_space<vmem>>, vector<128x128xf32>
    tpu.vector_store %arg5[%swap3A_355, %swap3A_356], %transpose3A_354 {strides = array<i32>} : memref<16384x128xf32, #tpu.memory_space<vmem>>, vector<128x128xf32>,
    %slice3A_358 = vector.extract_strided_slice %concatenate3A {offsets = [0, 8960], sizes = [128, 128], strides = [1, 1]} : vector<128x16384xf32> to vector<128x128xf32>
    %transpose3A_359 = tpu.transpose %slice3A_358, [1, 0] : vector<128x128xf32> -> vector<128x128xf32>
    %swap3A_360 = arith.constant 8960 : index
    %swap3A_361 = arith.constant 0 : index
    %swap3A_362 = vector.load %arg5[%swap3A_360, %swap3A_361] : memref<16384x128xf32, #tpu.memory_space<vmem>>, vector<128x128xf32>
    tpu.vector_store %arg5[%swap3A_360, %swap3A_361], %transpose3A_359 {strides = array<i32>} : memref<16384x128xf32, #tpu.memory_space<vmem>>, vector<128x128xf32>,
    %slice3A_363 = vector.extract_strided_slice %concatenate3A {offsets = [0, 9088], sizes = [128, 128], strides = [1, 1]} : vector<128x16384xf32> to vector<128x128xf32>
    %transpose3A_364 = tpu.transpose %slice3A_363, [1, 0] : vector<128x128xf32> -> vector<128x128xf32>
    %swap3A_365 = arith.constant 9088 : index
    %swap3A_366 = arith.constant 0 : index
    %swap3A_367 = vector.load %arg5[%swap3A_365, %swap3A_366] : memref<16384x128xf32, #tpu.memory_space<vmem>>, vector<128x128xf32>
    tpu.vector_store %arg5[%swap3A_365, %swap3A_366], %transpose3A_364 {strides = array<i32>} : memref<16384x128xf32, #tpu.memory_space<vmem>>, vector<128x128xf32>,
    %slice3A_368 = vector.extract_strided_slice %concatenate3A {offsets = [0, 9216], sizes = [128, 128], strides = [1, 1]} : vector<128x16384xf32> to vector<128x128xf32>
    %transpose3A_369 = tpu.transpose %slice3A_368, [1, 0] : vector<128x128xf32> -> vector<128x128xf32>
    %swap3A_370 = arith.constant 9216 : index
    %swap3A_371 = arith.constant 0 : index
    %swap3A_372 = vector.load %arg5[%swap3A_370, %swap3A_371] : memref<16384x128xf32, #tpu.memory_space<vmem>>, vector<128x128xf32>
    tpu.vector_store %arg5[%swap3A_370, %swap3A_371], %transpose3A_369 {strides = array<i32>} : memref<16384x128xf32, #tpu.memory_space<vmem>>, vector<128x128xf32>,
    %slice3A_373 = vector.extract_strided_slice %concatenate3A {offsets = [0, 9344], sizes = [128, 128], strides = [1, 1]} : vector<128x16384xf32> to vector<128x128xf32>
    %transpose3A_374 = tpu.transpose %slice3A_373, [1, 0] : vector<128x128xf32> -> vector<128x128xf32>
    %swap3A_375 = arith.constant 9344 : index
    %swap3A_376 = arith.constant 0 : index
    %swap3A_377 = vector.load %arg5[%swap3A_375, %swap3A_376] : memref<16384x128xf32, #tpu.memory_space<vmem>>, vector<128x128xf32>
    tpu.vector_store %arg5[%swap3A_375, %swap3A_376], %transpose3A_374 {strides = array<i32>} : memref<16384x128xf32, #tpu.memory_space<vmem>>, vector<128x128xf32>,
    %slice3A_378 = vector.extract_strided_slice %concatenate3A {offsets = [0, 9472], sizes = [128, 128], strides = [1, 1]} : vector<128x16384xf32> to vector<128x128xf32>
    %transpose3A_379 = tpu.transpose %slice3A_378, [1, 0] : vector<128x128xf32> -> vector<128x128xf32>
    %swap3A_380 = arith.constant 9472 : index
    %swap3A_381 = arith.constant 0 : index
    %swap3A_382 = vector.load %arg5[%swap3A_380, %swap3A_381] : memref<16384x128xf32, #tpu.memory_space<vmem>>, vector<128x128xf32>
    tpu.vector_store %arg5[%swap3A_380, %swap3A_381], %transpose3A_379 {strides = array<i32>} : memref<16384x128xf32, #tpu.memory_space<vmem>>, vector<128x128xf32>,
    %slice3A_383 = vector.extract_strided_slice %concatenate3A {offsets = [0, 9600], sizes = [128, 128], strides = [1, 1]} : vector<128x16384xf32> to vector<128x128xf32>
    %transpose3A_384 = tpu.transpose %slice3A_383, [1, 0] : vector<128x128xf32> -> vector<128x128xf32>
    %swap3A_385 = arith.constant 9600 : index
    %swap3A_386 = arith.constant 0 : index
    %swap3A_387 = vector.load %arg5[%swap3A_385, %swap3A_386] : memref<16384x128xf32, #tpu.memory_space<vmem>>, vector<128x128xf32>
    tpu.vector_store %arg5[%swap3A_385, %swap3A_386], %transpose3A_384 {strides = array<i32>} : memref<16384x128xf32, #tpu.memory_space<vmem>>, vector<128x128xf32>,
    %slice3A_388 = vector.extract_strided_slice %concatenate3A {offsets = [0, 9728], sizes = [128, 128], strides = [1, 1]} : vector<128x16384xf32> to vector<128x128xf32>
    %transpose3A_389 = tpu.transpose %slice3A_388, [1, 0] : vector<128x128xf32> -> vector<128x128xf32>
    %swap3A_390 = arith.constant 9728 : index
    %swap3A_391 = arith.constant 0 : index
    %swap3A_392 = vector.load %arg5[%swap3A_390, %swap3A_391] : memref<16384x128xf32, #tpu.memory_space<vmem>>, vector<128x128xf32>
    tpu.vector_store %arg5[%swap3A_390, %swap3A_391], %transpose3A_389 {strides = array<i32>} : memref<16384x128xf32, #tpu.memory_space<vmem>>, vector<128x128xf32>,
    %slice3A_393 = vector.extract_strided_slice %concatenate3A {offsets = [0, 9856], sizes = [128, 128], strides = [1, 1]} : vector<128x16384xf32> to vector<128x128xf32>
    %transpose3A_394 = tpu.transpose %slice3A_393, [1, 0] : vector<128x128xf32> -> vector<128x128xf32>
    %swap3A_395 = arith.constant 9856 : index
    %swap3A_396 = arith.constant 0 : index
    %swap3A_397 = vector.load %arg5[%swap3A_395, %swap3A_396] : memref<16384x128xf32, #tpu.memory_space<vmem>>, vector<128x128xf32>
    tpu.vector_store %arg5[%swap3A_395, %swap3A_396], %transpose3A_394 {strides = array<i32>} : memref<16384x128xf32, #tpu.memory_space<vmem>>, vector<128x128xf32>,
    %slice3A_398 = vector.extract_strided_slice %concatenate3A {offsets = [0, 9984], sizes = [128, 128], strides = [1, 1]} : vector<128x16384xf32> to vector<128x128xf32>
    %transpose3A_399 = tpu.transpose %slice3A_398, [1, 0] : vector<128x128xf32> -> vector<128x128xf32>
    %swap3A_400 = arith.constant 9984 : index
    %swap3A_401 = arith.constant 0 : index
    %swap3A_402 = vector.load %arg5[%swap3A_400, %swap3A_401] : memref<16384x128xf32, #tpu.memory_space<vmem>>, vector<128x128xf32>
    tpu.vector_store %arg5[%swap3A_400, %swap3A_401], %transpose3A_399 {strides = array<i32>} : memref<16384x128xf32, #tpu.memory_space<vmem>>, vector<128x128xf32>,
    %slice3A_403 = vector.extract_strided_slice %concatenate3A {offsets = [0, 10112], sizes = [128, 128], strides = [1, 1]} : vector<128x16384xf32> to vector<128x128xf32>
    %transpose3A_404 = tpu.transpose %slice3A_403, [1, 0] : vector<128x128xf32> -> vector<128x128xf32>
    %swap3A_405 = arith.constant 10112 : index
    %swap3A_406 = arith.constant 0 : index
    %swap3A_407 = vector.load %arg5[%swap3A_405, %swap3A_406] : memref<16384x128xf32, #tpu.memory_space<vmem>>, vector<128x128xf32>
    tpu.vector_store %arg5[%swap3A_405, %swap3A_406], %transpose3A_404 {strides = array<i32>} : memref<16384x128xf32, #tpu.memory_space<vmem>>, vector<128x128xf32>,
    %slice3A_408 = vector.extract_strided_slice %concatenate3A {offsets = [0, 10240], sizes = [128, 128], strides = [1, 1]} : vector<128x16384xf32> to vector<128x128xf32>
    %transpose3A_409 = tpu.transpose %slice3A_408, [1, 0] : vector<128x128xf32> -> vector<128x128xf32>
    %swap3A_410 = arith.constant 10240 : index
    %swap3A_411 = arith.constant 0 : index
    %swap3A_412 = vector.load %arg5[%swap3A_410, %swap3A_411] : memref<16384x128xf32, #tpu.memory_space<vmem>>, vector<128x128xf32>
    tpu.vector_store %arg5[%swap3A_410, %swap3A_411], %transpose3A_409 {strides = array<i32>} : memref<16384x128xf32, #tpu.memory_space<vmem>>, vector<128x128xf32>,
    %slice3A_413 = vector.extract_strided_slice %concatenate3A {offsets = [0, 10368], sizes = [128, 128], strides = [1, 1]} : vector<128x16384xf32> to vector<128x128xf32>
    %transpose3A_414 = tpu.transpose %slice3A_413, [1, 0] : vector<128x128xf32> -> vector<128x128xf32>
    %swap3A_415 = arith.constant 10368 : index
    %swap3A_416 = arith.constant 0 : index
    %swap3A_417 = vector.load %arg5[%swap3A_415, %swap3A_416] : memref<16384x128xf32, #tpu.memory_space<vmem>>, vector<128x128xf32>
    tpu.vector_store %arg5[%swap3A_415, %swap3A_416], %transpose3A_414 {strides = array<i32>} : memref<16384x128xf32, #tpu.memory_space<vmem>>, vector<128x128xf32>,
    %slice3A_418 = vector.extract_strided_slice %concatenate3A {offsets = [0, 10496], sizes = [128, 128], strides = [1, 1]} : vector<128x16384xf32> to vector<128x128xf32>
    %transpose3A_419 = tpu.transpose %slice3A_418, [1, 0] : vector<128x128xf32> -> vector<128x128xf32>
    %swap3A_420 = arith.constant 10496 : index
    %swap3A_421 = arith.constant 0 : index
    %swap3A_422 = vector.load %arg5[%swap3A_420, %swap3A_421] : memref<16384x128xf32, #tpu.memory_space<vmem>>, vector<128x128xf32>
    tpu.vector_store %arg5[%swap3A_420, %swap3A_421], %transpose3A_419 {strides = array<i32>} : memref<16384x128xf32, #tpu.memory_space<vmem>>, vector<128x128xf32>,
    %slice3A_423 = vector.extract_strided_slice %concatenate3A {offsets = [0, 10624], sizes = [128, 128], strides = [1, 1]} : vector<128x16384xf32> to vector<128x128xf32>
    %transpose3A_424 = tpu.transpose %slice3A_423, [1, 0] : vector<128x128xf32> -> vector<128x128xf32>
    %swap3A_425 = arith.constant 10624 : index
    %swap3A_426 = arith.constant 0 : index
    %swap3A_427 = vector.load %arg5[%swap3A_425, %swap3A_426] : memref<16384x128xf32, #tpu.memory_space<vmem>>, vector<128x128xf32>
    tpu.vector_store %arg5[%swap3A_425, %swap3A_426], %transpose3A_424 {strides = array<i32>} : memref<16384x128xf32, #tpu.memory_space<vmem>>, vector<128x128xf32>,
    %slice3A_428 = vector.extract_strided_slice %concatenate3A {offsets = [0, 10752], sizes = [128, 128], strides = [1, 1]} : vector<128x16384xf32> to vector<128x128xf32>
    %transpose3A_429 = tpu.transpose %slice3A_428, [1, 0] : vector<128x128xf32> -> vector<128x128xf32>
    %swap3A_430 = arith.constant 10752 : index
    %swap3A_431 = arith.constant 0 : index
    %swap3A_432 = vector.load %arg5[%swap3A_430, %swap3A_431] : memref<16384x128xf32, #tpu.memory_space<vmem>>, vector<128x128xf32>
    tpu.vector_store %arg5[%swap3A_430, %swap3A_431], %transpose3A_429 {strides = array<i32>} : memref<16384x128xf32, #tpu.memory_space<vmem>>, vector<128x128xf32>,
    %slice3A_433 = vector.extract_strided_slice %concatenate3A {offsets = [0, 10880], sizes = [128, 128], strides = [1, 1]} : vector<128x16384xf32> to vector<128x128xf32>
    %transpose3A_434 = tpu.transpose %slice3A_433, [1, 0] : vector<128x128xf32> -> vector<128x128xf32>
    %swap3A_435 = arith.constant 10880 : index
    %swap3A_436 = arith.constant 0 : index
    %swap3A_437 = vector.load %arg5[%swap3A_435, %swap3A_436] : memref<16384x128xf32, #tpu.memory_space<vmem>>, vector<128x128xf32>
    tpu.vector_store %arg5[%swap3A_435, %swap3A_436], %transpose3A_434 {strides = array<i32>} : memref<16384x128xf32, #tpu.memory_space<vmem>>, vector<128x128xf32>,
    %slice3A_438 = vector.extract_strided_slice %concatenate3A {offsets = [0, 11008], sizes = [128, 128], strides = [1, 1]} : vector<128x16384xf32> to vector<128x128xf32>
    %transpose3A_439 = tpu.transpose %slice3A_438, [1, 0] : vector<128x128xf32> -> vector<128x128xf32>
    %swap3A_440 = arith.constant 11008 : index
    %swap3A_441 = arith.constant 0 : index
    %swap3A_442 = vector.load %arg5[%swap3A_440, %swap3A_441] : memref<16384x128xf32, #tpu.memory_space<vmem>>, vector<128x128xf32>
    tpu.vector_store %arg5[%swap3A_440, %swap3A_441], %transpose3A_439 {strides = array<i32>} : memref<16384x128xf32, #tpu.memory_space<vmem>>, vector<128x128xf32>,
    %slice3A_443 = vector.extract_strided_slice %concatenate3A {offsets = [0, 11136], sizes = [128, 128], strides = [1, 1]} : vector<128x16384xf32> to vector<128x128xf32>
    %transpose3A_444 = tpu.transpose %slice3A_443, [1, 0] : vector<128x128xf32> -> vector<128x128xf32>
    %swap3A_445 = arith.constant 11136 : index
    %swap3A_446 = arith.constant 0 : index
    %swap3A_447 = vector.load %arg5[%swap3A_445, %swap3A_446] : memref<16384x128xf32, #tpu.memory_space<vmem>>, vector<128x128xf32>
    tpu.vector_store %arg5[%swap3A_445, %swap3A_446], %transpose3A_444 {strides = array<i32>} : memref<16384x128xf32, #tpu.memory_space<vmem>>, vector<128x128xf32>,
    %slice3A_448 = vector.extract_strided_slice %concatenate3A {offsets = [0, 11264], sizes = [128, 128], strides = [1, 1]} : vector<128x16384xf32> to vector<128x128xf32>
    %transpose3A_449 = tpu.transpose %slice3A_448, [1, 0] : vector<128x128xf32> -> vector<128x128xf32>
    %swap3A_450 = arith.constant 11264 : index
    %swap3A_451 = arith.constant 0 : index
    %swap3A_452 = vector.load %arg5[%swap3A_450, %swap3A_451] : memref<16384x128xf32, #tpu.memory_space<vmem>>, vector<128x128xf32>
    tpu.vector_store %arg5[%swap3A_450, %swap3A_451], %transpose3A_449 {strides = array<i32>} : memref<16384x128xf32, #tpu.memory_space<vmem>>, vector<128x128xf32>,
    %slice3A_453 = vector.extract_strided_slice %concatenate3A {offsets = [0, 11392], sizes = [128, 128], strides = [1, 1]} : vector<128x16384xf32> to vector<128x128xf32>
    %transpose3A_454 = tpu.transpose %slice3A_453, [1, 0] : vector<128x128xf32> -> vector<128x128xf32>
    %swap3A_455 = arith.constant 11392 : index
    %swap3A_456 = arith.constant 0 : index
    %swap3A_457 = vector.load %arg5[%swap3A_455, %swap3A_456] : memref<16384x128xf32, #tpu.memory_space<vmem>>, vector<128x128xf32>
    tpu.vector_store %arg5[%swap3A_455, %swap3A_456], %transpose3A_454 {strides = array<i32>} : memref<16384x128xf32, #tpu.memory_space<vmem>>, vector<128x128xf32>,
    %slice3A_458 = vector.extract_strided_slice %concatenate3A {offsets = [0, 11520], sizes = [128, 128], strides = [1, 1]} : vector<128x16384xf32> to vector<128x128xf32>
    %transpose3A_459 = tpu.transpose %slice3A_458, [1, 0] : vector<128x128xf32> -> vector<128x128xf32>
    %swap3A_460 = arith.constant 11520 : index
    %swap3A_461 = arith.constant 0 : index
    %swap3A_462 = vector.load %arg5[%swap3A_460, %swap3A_461] : memref<16384x128xf32, #tpu.memory_space<vmem>>, vector<128x128xf32>
    tpu.vector_store %arg5[%swap3A_460, %swap3A_461], %transpose3A_459 {strides = array<i32>} : memref<16384x128xf32, #tpu.memory_space<vmem>>, vector<128x128xf32>,
    %slice3A_463 = vector.extract_strided_slice %concatenate3A {offsets = [0, 11648], sizes = [128, 128], strides = [1, 1]} : vector<128x16384xf32> to vector<128x128xf32>
    %transpose3A_464 = tpu.transpose %slice3A_463, [1, 0] : vector<128x128xf32> -> vector<128x128xf32>
    %swap3A_465 = arith.constant 11648 : index
    %swap3A_466 = arith.constant 0 : index
    %swap3A_467 = vector.load %arg5[%swap3A_465, %swap3A_466] : memref<16384x128xf32, #tpu.memory_space<vmem>>, vector<128x128xf32>
    tpu.vector_store %arg5[%swap3A_465, %swap3A_466], %transpose3A_464 {strides = array<i32>} : memref<16384x128xf32, #tpu.memory_space<vmem>>, vector<128x128xf32>,
    %slice3A_468 = vector.extract_strided_slice %concatenate3A {offsets = [0, 11776], sizes = [128, 128], strides = [1, 1]} : vector<128x16384xf32> to vector<128x128xf32>
    %transpose3A_469 = tpu.transpose %slice3A_468, [1, 0] : vector<128x128xf32> -> vector<128x128xf32>
    %swap3A_470 = arith.constant 11776 : index
    %swap3A_471 = arith.constant 0 : index
    %swap3A_472 = vector.load %arg5[%swap3A_470, %swap3A_471] : memref<16384x128xf32, #tpu.memory_space<vmem>>, vector<128x128xf32>
    tpu.vector_store %arg5[%swap3A_470, %swap3A_471], %transpose3A_469 {strides = array<i32>} : memref<16384x128xf32, #tpu.memory_space<vmem>>, vector<128x128xf32>,
    %slice3A_473 = vector.extract_strided_slice %concatenate3A {offsets = [0, 11904], sizes = [128, 128], strides = [1, 1]} : vector<128x16384xf32> to vector<128x128xf32>
    %transpose3A_474 = tpu.transpose %slice3A_473, [1, 0] : vector<128x128xf32> -> vector<128x128xf32>
    %swap3A_475 = arith.constant 11904 : index
    %swap3A_476 = arith.constant 0 : index
    %swap3A_477 = vector.load %arg5[%swap3A_475, %swap3A_476] : memref<16384x128xf32, #tpu.memory_space<vmem>>, vector<128x128xf32>
    tpu.vector_store %arg5[%swap3A_475, %swap3A_476], %transpose3A_474 {strides = array<i32>} : memref<16384x128xf32, #tpu.memory_space<vmem>>, vector<128x128xf32>,
    %slice3A_478 = vector.extract_strided_slice %concatenate3A {offsets = [0, 12032], sizes = [128, 128], strides = [1, 1]} : vector<128x16384xf32> to vector<128x128xf32>
    %transpose3A_479 = tpu.transpose %slice3A_478, [1, 0] : vector<128x128xf32> -> vector<128x128xf32>
    %swap3A_480 = arith.constant 12032 : index
    %swap3A_481 = arith.constant 0 : index
    %swap3A_482 = vector.load %arg5[%swap3A_480, %swap3A_481] : memref<16384x128xf32, #tpu.memory_space<vmem>>, vector<128x128xf32>
    tpu.vector_store %arg5[%swap3A_480, %swap3A_481], %transpose3A_479 {strides = array<i32>} : memref<16384x128xf32, #tpu.memory_space<vmem>>, vector<128x128xf32>,
    %slice3A_483 = vector.extract_strided_slice %concatenate3A {offsets = [0, 12160], sizes = [128, 128], strides = [1, 1]} : vector<128x16384xf32> to vector<128x128xf32>
    %transpose3A_484 = tpu.transpose %slice3A_483, [1, 0] : vector<128x128xf32> -> vector<128x128xf32>
    %swap3A_485 = arith.constant 12160 : index
    %swap3A_486 = arith.constant 0 : index
    %swap3A_487 = vector.load %arg5[%swap3A_485, %swap3A_486] : memref<16384x128xf32, #tpu.memory_space<vmem>>, vector<128x128xf32>
    tpu.vector_store %arg5[%swap3A_485, %swap3A_486], %transpose3A_484 {strides = array<i32>} : memref<16384x128xf32, #tpu.memory_space<vmem>>, vector<128x128xf32>,
    %slice3A_488 = vector.extract_strided_slice %concatenate3A {offsets = [0, 12288], sizes = [128, 128], strides = [1, 1]} : vector<128x16384xf32> to vector<128x128xf32>
    %transpose3A_489 = tpu.transpose %slice3A_488, [1, 0] : vector<128x128xf32> -> vector<128x128xf32>
    %swap3A_490 = arith.constant 12288 : index
    %swap3A_491 = arith.constant 0 : index
    %swap3A_492 = vector.load %arg5[%swap3A_490, %swap3A_491] : memref<16384x128xf32, #tpu.memory_space<vmem>>, vector<128x128xf32>
    tpu.vector_store %arg5[%swap3A_490, %swap3A_491], %transpose3A_489 {strides = array<i32>} : memref<16384x128xf32, #tpu.memory_space<vmem>>, vector<128x128xf32>,
    %slice3A_493 = vector.extract_strided_slice %concatenate3A {offsets = [0, 12416], sizes = [128, 128], strides = [1, 1]} : vector<128x16384xf32> to vector<128x128xf32>
    %transpose3A_494 = tpu.transpose %slice3A_493, [1, 0] : vector<128x128xf32> -> vector<128x128xf32>
    %swap3A_495 = arith.constant 12416 : index
    %swap3A_496 = arith.constant 0 : index
    %swap3A_497 = vector.load %arg5[%swap3A_495, %swap3A_496] : memref<16384x128xf32, #tpu.memory_space<vmem>>, vector<128x128xf32>
    tpu.vector_store %arg5[%swap3A_495, %swap3A_496], %transpose3A_494 {strides = array<i32>} : memref<16384x128xf32, #tpu.memory_space<vmem>>, vector<128x128xf32>,
    %slice3A_498 = vector.extract_strided_slice %concatenate3A {offsets = [0, 12544], sizes = [128, 128], strides = [1, 1]} : vector<128x16384xf32> to vector<128x128xf32>
    %transpose3A_499 = tpu.transpose %slice3A_498, [1, 0] : vector<128x128xf32> -> vector<128x128xf32>
    %swap3A_500 = arith.constant 12544 : index
    %swap3A_501 = arith.constant 0 : index
    %swap3A_502 = vector.load %arg5[%swap3A_500, %swap3A_501] : memref<16384x128xf32, #tpu.memory_space<vmem>>, vector<128x128xf32>
    tpu.vector_store %arg5[%swap3A_500, %swap3A_501], %transpose3A_499 {strides = array<i32>} : memref<16384x128xf32, #tpu.memory_space<vmem>>, vector<128x128xf32>,
    %slice3A_503 = vector.extract_strided_slice %concatenate3A {offsets = [0, 12672], sizes = [128, 128], strides = [1, 1]} : vector<128x16384xf32> to vector<128x128xf32>
    %transpose3A_504 = tpu.transpose %slice3A_503, [1, 0] : vector<128x128xf32> -> vector<128x128xf32>
    %swap3A_505 = arith.constant 12672 : index
    %swap3A_506 = arith.constant 0 : index
    %swap3A_507 = vector.load %arg5[%swap3A_505, %swap3A_506] : memref<16384x128xf32, #tpu.memory_space<vmem>>, vector<128x128xf32>
    tpu.vector_store %arg5[%swap3A_505, %swap3A_506], %transpose3A_504 {strides = array<i32>} : memref<16384x128xf32, #tpu.memory_space<vmem>>, vector<128x128xf32>,
    %slice3A_508 = vector.extract_strided_slice %concatenate3A {offsets = [0, 12800], sizes = [128, 128], strides = [1, 1]} : vector<128x16384xf32> to vector<128x128xf32>
    %transpose3A_509 = tpu.transpose %slice3A_508, [1, 0] : vector<128x128xf32> -> vector<128x128xf32>
    %swap3A_510 = arith.constant 12800 : index
    %swap3A_511 = arith.constant 0 : index
    %swap3A_512 = vector.load %arg5[%swap3A_510, %swap3A_511] : memref<16384x128xf32, #tpu.memory_space<vmem>>, vector<128x128xf32>
    tpu.vector_store %arg5[%swap3A_510, %swap3A_511], %transpose3A_509 {strides = array<i32>} : memref<16384x128xf32, #tpu.memory_space<vmem>>, vector<128x128xf32>,
    %slice3A_513 = vector.extract_strided_slice %concatenate3A {offsets = [0, 12928], sizes = [128, 128], strides = [1, 1]} : vector<128x16384xf32> to vector<128x128xf32>
    %transpose3A_514 = tpu.transpose %slice3A_513, [1, 0] : vector<128x128xf32> -> vector<128x128xf32>
    %swap3A_515 = arith.constant 12928 : index
    %swap3A_516 = arith.constant 0 : index
    %swap3A_517 = vector.load %arg5[%swap3A_515, %swap3A_516] : memref<16384x128xf32, #tpu.memory_space<vmem>>, vector<128x128xf32>
    tpu.vector_store %arg5[%swap3A_515, %swap3A_516], %transpose3A_514 {strides = array<i32>} : memref<16384x128xf32, #tpu.memory_space<vmem>>, vector<128x128xf32>,
    %slice3A_518 = vector.extract_strided_slice %concatenate3A {offsets = [0, 13056], sizes = [128, 128], strides = [1, 1]} : vector<128x16384xf32> to vector<128x128xf32>
    %transpose3A_519 = tpu.transpose %slice3A_518, [1, 0] : vector<128x128xf32> -> vector<128x128xf32>
    %swap3A_520 = arith.constant 13056 : index
    %swap3A_521 = arith.constant 0 : index
    %swap3A_522 = vector.load %arg5[%swap3A_520, %swap3A_521] : memref<16384x128xf32, #tpu.memory_space<vmem>>, vector<128x128xf32>
    tpu.vector_store %arg5[%swap3A_520, %swap3A_521], %transpose3A_519 {strides = array<i32>} : memref<16384x128xf32, #tpu.memory_space<vmem>>, vector<128x128xf32>,
    %slice3A_523 = vector.extract_strided_slice %concatenate3A {offsets = [0, 13184], sizes = [128, 128], strides = [1, 1]} : vector<128x16384xf32> to vector<128x128xf32>
    %transpose3A_524 = tpu.transpose %slice3A_523, [1, 0] : vector<128x128xf32> -> vector<128x128xf32>
    %swap3A_525 = arith.constant 13184 : index
    %swap3A_526 = arith.constant 0 : index
    %swap3A_527 = vector.load %arg5[%swap3A_525, %swap3A_526] : memref<16384x128xf32, #tpu.memory_space<vmem>>, vector<128x128xf32>
    tpu.vector_store %arg5[%swap3A_525, %swap3A_526], %transpose3A_524 {strides = array<i32>} : memref<16384x128xf32, #tpu.memory_space<vmem>>, vector<128x128xf32>,
    %slice3A_528 = vector.extract_strided_slice %concatenate3A {offsets = [0, 13312], sizes = [128, 128], strides = [1, 1]} : vector<128x16384xf32> to vector<128x128xf32>
    %transpose3A_529 = tpu.transpose %slice3A_528, [1, 0] : vector<128x128xf32> -> vector<128x128xf32>
    %swap3A_530 = arith.constant 13312 : index
    %swap3A_531 = arith.constant 0 : index
    %swap3A_532 = vector.load %arg5[%swap3A_530, %swap3A_531] : memref<16384x128xf32, #tpu.memory_space<vmem>>, vector<128x128xf32>
    tpu.vector_store %arg5[%swap3A_530, %swap3A_531], %transpose3A_529 {strides = array<i32>} : memref<16384x128xf32, #tpu.memory_space<vmem>>, vector<128x128xf32>,
    %slice3A_533 = vector.extract_strided_slice %concatenate3A {offsets = [0, 13440], sizes = [128, 128], strides = [1, 1]} : vector<128x16384xf32> to vector<128x128xf32>
    %transpose3A_534 = tpu.transpose %slice3A_533, [1, 0] : vector<128x128xf32> -> vector<128x128xf32>
    %swap3A_535 = arith.constant 13440 : index
    %swap3A_536 = arith.constant 0 : index
    %swap3A_537 = vector.load %arg5[%swap3A_535, %swap3A_536] : memref<16384x128xf32, #tpu.memory_space<vmem>>, vector<128x128xf32>
    tpu.vector_store %arg5[%swap3A_535, %swap3A_536], %transpose3A_534 {strides = array<i32>} : memref<16384x128xf32, #tpu.memory_space<vmem>>, vector<128x128xf32>,
    %slice3A_538 = vector.extract_strided_slice %concatenate3A {offsets = [0, 13568], sizes = [128, 128], strides = [1, 1]} : vector<128x16384xf32> to vector<128x128xf32>
    %transpose3A_539 = tpu.transpose %slice3A_538, [1, 0] : vector<128x128xf32> -> vector<128x128xf32>
    %swap3A_540 = arith.constant 13568 : index
    %swap3A_541 = arith.constant 0 : index
    %swap3A_542 = vector.load %arg5[%swap3A_540, %swap3A_541] : memref<16384x128xf32, #tpu.memory_space<vmem>>, vector<128x128xf32>
    tpu.vector_store %arg5[%swap3A_540, %swap3A_541], %transpose3A_539 {strides = array<i32>} : memref<16384x128xf32, #tpu.memory_space<vmem>>, vector<128x128xf32>,
    %slice3A_543 = vector.extract_strided_slice %concatenate3A {offsets = [0, 13696], sizes = [128, 128], strides = [1, 1]} : vector<128x16384xf32> to vector<128x128xf32>
    %transpose3A_544 = tpu.transpose %slice3A_543, [1, 0] : vector<128x128xf32> -> vector<128x128xf32>
    %swap3A_545 = arith.constant 13696 : index
    %swap3A_546 = arith.constant 0 : index
    %swap3A_547 = vector.load %arg5[%swap3A_545, %swap3A_546] : memref<16384x128xf32, #tpu.memory_space<vmem>>, vector<128x128xf32>
    tpu.vector_store %arg5[%swap3A_545, %swap3A_546], %transpose3A_544 {strides = array<i32>} : memref<16384x128xf32, #tpu.memory_space<vmem>>, vector<128x128xf32>,
    %slice3A_548 = vector.extract_strided_slice %concatenate3A {offsets = [0, 13824], sizes = [128, 128], strides = [1, 1]} : vector<128x16384xf32> to vector<128x128xf32>
    %transpose3A_549 = tpu.transpose %slice3A_548, [1, 0] : vector<128x128xf32> -> vector<128x128xf32>
    %swap3A_550 = arith.constant 13824 : index
    %swap3A_551 = arith.constant 0 : index
    %swap3A_552 = vector.load %arg5[%swap3A_550, %swap3A_551] : memref<16384x128xf32, #tpu.memory_space<vmem>>, vector<128x128xf32>
    tpu.vector_store %arg5[%swap3A_550, %swap3A_551], %transpose3A_549 {strides = array<i32>} : memref<16384x128xf32, #tpu.memory_space<vmem>>, vector<128x128xf32>,
    %slice3A_553 = vector.extract_strided_slice %concatenate3A {offsets = [0, 13952], sizes = [128, 128], strides = [1, 1]} : vector<128x16384xf32> to vector<128x128xf32>
    %transpose3A_554 = tpu.transpose %slice3A_553, [1, 0] : vector<128x128xf32> -> vector<128x128xf32>
    %swap3A_555 = arith.constant 13952 : index
    %swap3A_556 = arith.constant 0 : index
    %swap3A_557 = vector.load %arg5[%swap3A_555, %swap3A_556] : memref<16384x128xf32, #tpu.memory_space<vmem>>, vector<128x128xf32>
    tpu.vector_store %arg5[%swap3A_555, %swap3A_556], %transpose3A_554 {strides = array<i32>} : memref<16384x128xf32, #tpu.memory_space<vmem>>, vector<128x128xf32>,
    %slice3A_558 = vector.extract_strided_slice %concatenate3A {offsets = [0, 14080], sizes = [128, 128], strides = [1, 1]} : vector<128x16384xf32> to vector<128x128xf32>
    %transpose3A_559 = tpu.transpose %slice3A_558, [1, 0] : vector<128x128xf32> -> vector<128x128xf32>
    %swap3A_560 = arith.constant 14080 : index
    %swap3A_561 = arith.constant 0 : index
    %swap3A_562 = vector.load %arg5[%swap3A_560, %swap3A_561] : memref<16384x128xf32, #tpu.memory_space<vmem>>, vector<128x128xf32>
    tpu.vector_store %arg5[%swap3A_560, %swap3A_561], %transpose3A_559 {strides = array<i32>} : memref<16384x128xf32, #tpu.memory_space<vmem>>, vector<128x128xf32>,
    %slice3A_563 = vector.extract_strided_slice %concatenate3A {offsets = [0, 14208], sizes = [128, 128], strides = [1, 1]} : vector<128x16384xf32> to vector<128x128xf32>
    %transpose3A_564 = tpu.transpose %slice3A_563, [1, 0] : vector<128x128xf32> -> vector<128x128xf32>
    %swap3A_565 = arith.constant 14208 : index
    %swap3A_566 = arith.constant 0 : index
    %swap3A_567 = vector.load %arg5[%swap3A_565, %swap3A_566] : memref<16384x128xf32, #tpu.memory_space<vmem>>, vector<128x128xf32>
    tpu.vector_store %arg5[%swap3A_565, %swap3A_566], %transpose3A_564 {strides = array<i32>} : memref<16384x128xf32, #tpu.memory_space<vmem>>, vector<128x128xf32>,
    %slice3A_568 = vector.extract_strided_slice %concatenate3A {offsets = [0, 14336], sizes = [128, 128], strides = [1, 1]} : vector<128x16384xf32> to vector<128x128xf32>
    %transpose3A_569 = tpu.transpose %slice3A_568, [1, 0] : vector<128x128xf32> -> vector<128x128xf32>
    %swap3A_570 = arith.constant 14336 : index
    %swap3A_571 = arith.constant 0 : index
    %swap3A_572 = vector.load %arg5[%swap3A_570, %swap3A_571] : memref<16384x128xf32, #tpu.memory_space<vmem>>, vector<128x128xf32>
    tpu.vector_store %arg5[%swap3A_570, %swap3A_571], %transpose3A_569 {strides = array<i32>} : memref<16384x128xf32, #tpu.memory_space<vmem>>, vector<128x128xf32>,
    %slice3A_573 = vector.extract_strided_slice %concatenate3A {offsets = [0, 14464], sizes = [128, 128], strides = [1, 1]} : vector<128x16384xf32> to vector<128x128xf32>
    %transpose3A_574 = tpu.transpose %slice3A_573, [1, 0] : vector<128x128xf32> -> vector<128x128xf32>
    %swap3A_575 = arith.constant 14464 : index
    %swap3A_576 = arith.constant 0 : index
    %swap3A_577 = vector.load %arg5[%swap3A_575, %swap3A_576] : memref<16384x128xf32, #tpu.memory_space<vmem>>, vector<128x128xf32>
    tpu.vector_store %arg5[%swap3A_575, %swap3A_576], %transpose3A_574 {strides = array<i32>} : memref<16384x128xf32, #tpu.memory_space<vmem>>, vector<128x128xf32>,
    %slice3A_578 = vector.extract_strided_slice %concatenate3A {offsets = [0, 14592], sizes = [128, 128], strides = [1, 1]} : vector<128x16384xf32> to vector<128x128xf32>
    %transpose3A_579 = tpu.transpose %slice3A_578, [1, 0] : vector<128x128xf32> -> vector<128x128xf32>
    %swap3A_580 = arith.constant 14592 : index
    %swap3A_581 = arith.constant 0 : index
    %swap3A_582 = vector.load %arg5[%swap3A_580, %swap3A_581] : memref<16384x128xf32, #tpu.memory_space<vmem>>, vector<128x128xf32>
    tpu.vector_store %arg5[%swap3A_580, %swap3A_581], %transpose3A_579 {strides = array<i32>} : memref<16384x128xf32, #tpu.memory_space<vmem>>, vector<128x128xf32>,
    %slice3A_583 = vector.extract_strided_slice %concatenate3A {offsets = [0, 14720], sizes = [128, 128], strides = [1, 1]} : vector<128x16384xf32> to vector<128x128xf32>
    %transpose3A_584 = tpu.transpose %slice3A_583, [1, 0] : vector<128x128xf32> -> vector<128x128xf32>
    %swap3A_585 = arith.constant 14720 : index
    %swap3A_586 = arith.constant 0 : index
    %swap3A_587 = vector.load %arg5[%swap3A_585, %swap3A_586] : memref<16384x128xf32, #tpu.memory_space<vmem>>, vector<128x128xf32>
    tpu.vector_store %arg5[%swap3A_585, %swap3A_586], %transpose3A_584 {strides = array<i32>} : memref<16384x128xf32, #tpu.memory_space<vmem>>, vector<128x128xf32>,
    %slice3A_588 = vector.extract_strided_slice %concatenate3A {offsets = [0, 14848], sizes = [128, 128], strides = [1, 1]} : vector<128x16384xf32> to vector<128x128xf32>
    %transpose3A_589 = tpu.transpose %slice3A_588, [1, 0] : vector<128x128xf32> -> vector<128x128xf32>
    %swap3A_590 = arith.constant 14848 : index
    %swap3A_591 = arith.constant 0 : index
    %swap3A_592 = vector.load %arg5[%swap3A_590, %swap3A_591] : memref<16384x128xf32, #tpu.memory_space<vmem>>, vector<128x128xf32>
    tpu.vector_store %arg5[%swap3A_590, %swap3A_591], %transpose3A_589 {strides = array<i32>} : memref<16384x128xf32, #tpu.memory_space<vmem>>, vector<128x128xf32>,
    %slice3A_593 = vector.extract_strided_slice %concatenate3A {offsets = [0, 14976], sizes = [128, 128], strides = [1, 1]} : vector<128x16384xf32> to vector<128x128xf32>
    %transpose3A_594 = tpu.transpose %slice3A_593, [1, 0] : vector<128x128xf32> -> vector<128x128xf32>
    %swap3A_595 = arith.constant 14976 : index
    %swap3A_596 = arith.constant 0 : index
    %swap3A_597 = vector.load %arg5[%swap3A_595, %swap3A_596] : memref<16384x128xf32, #tpu.memory_space<vmem>>, vector<128x128xf32>
    tpu.vector_store %arg5[%swap3A_595, %swap3A_596], %transpose3A_594 {strides = array<i32>} : memref<16384x128xf32, #tpu.memory_space<vmem>>, vector<128x128xf32>,
    %slice3A_598 = vector.extract_strided_slice %concatenate3A {offsets = [0, 15104], sizes = [128, 128], strides = [1, 1]} : vector<128x16384xf32> to vector<128x128xf32>
    %transpose3A_599 = tpu.transpose %slice3A_598, [1, 0] : vector<128x128xf32> -> vector<128x128xf32>
    %swap3A_600 = arith.constant 15104 : index
    %swap3A_601 = arith.constant 0 : index
    %swap3A_602 = vector.load %arg5[%swap3A_600, %swap3A_601] : memref<16384x128xf32, #tpu.memory_space<vmem>>, vector<128x128xf32>
    tpu.vector_store %arg5[%swap3A_600, %swap3A_601], %transpose3A_599 {strides = array<i32>} : memref<16384x128xf32, #tpu.memory_space<vmem>>, vector<128x128xf32>,
    %slice3A_603 = vector.extract_strided_slice %concatenate3A {offsets = [0, 15232], sizes = [128, 128], strides = [1, 1]} : vector<128x16384xf32> to vector<128x128xf32>
    %transpose3A_604 = tpu.transpose %slice3A_603, [1, 0] : vector<128x128xf32> -> vector<128x128xf32>
    %swap3A_605 = arith.constant 15232 : index
    %swap3A_606 = arith.constant 0 : index
    %swap3A_607 = vector.load %arg5[%swap3A_605, %swap3A_606] : memref<16384x128xf32, #tpu.memory_space<vmem>>, vector<128x128xf32>
    tpu.vector_store %arg5[%swap3A_605, %swap3A_606], %transpose3A_604 {strides = array<i32>} : memref<16384x128xf32, #tpu.memory_space<vmem>>, vector<128x128xf32>,
    %slice3A_608 = vector.extract_strided_slice %concatenate3A {offsets = [0, 15360], sizes = [128, 128], strides = [1, 1]} : vector<128x16384xf32> to vector<128x128xf32>
    %transpose3A_609 = tpu.transpose %slice3A_608, [1, 0] : vector<128x128xf32> -> vector<128x128xf32>
    %swap3A_610 = arith.constant 15360 : index
    %swap3A_611 = arith.constant 0 : index
    %swap3A_612 = vector.load %arg5[%swap3A_610, %swap3A_611] : memref<16384x128xf32, #tpu.memory_space<vmem>>, vector<128x128xf32>
    tpu.vector_store %arg5[%swap3A_610, %swap3A_611], %transpose3A_609 {strides = array<i32>} : memref<16384x128xf32, #tpu.memory_space<vmem>>, vector<128x128xf32>,
    %slice3A_613 = vector.extract_strided_slice %concatenate3A {offsets = [0, 15488], sizes = [128, 128], strides = [1, 1]} : vector<128x16384xf32> to vector<128x128xf32>
    %transpose3A_614 = tpu.transpose %slice3A_613, [1, 0] : vector<128x128xf32> -> vector<128x128xf32>
    %swap3A_615 = arith.constant 15488 : index
    %swap3A_616 = arith.constant 0 : index
    %swap3A_617 = vector.load %arg5[%swap3A_615, %swap3A_616] : memref<16384x128xf32, #tpu.memory_space<vmem>>, vector<128x128xf32>
    tpu.vector_store %arg5[%swap3A_615, %swap3A_616], %transpose3A_614 {strides = array<i32>} : memref<16384x128xf32, #tpu.memory_space<vmem>>, vector<128x128xf32>,
    %slice3A_618 = vector.extract_strided_slice %concatenate3A {offsets = [0, 15616], sizes = [128, 128], strides = [1, 1]} : vector<128x16384xf32> to vector<128x128xf32>
    %transpose3A_619 = tpu.transpose %slice3A_618, [1, 0] : vector<128x128xf32> -> vector<128x128xf32>
    %swap3A_620 = arith.constant 15616 : index
    %swap3A_621 = arith.constant 0 : index
    %swap3A_622 = vector.load %arg5[%swap3A_620, %swap3A_621] : memref<16384x128xf32, #tpu.memory_space<vmem>>, vector<128x128xf32>
    tpu.vector_store %arg5[%swap3A_620, %swap3A_621], %transpose3A_619 {strides = array<i32>} : memref<16384x128xf32, #tpu.memory_space<vmem>>, vector<128x128xf32>,
    %slice3A_623 = vector.extract_strided_slice %concatenate3A {offsets = [0, 15744], sizes = [128, 128], strides = [1, 1]} : vector<128x16384xf32> to vector<128x128xf32>
    %transpose3A_624 = tpu.transpose %slice3A_623, [1, 0] : vector<128x128xf32> -> vector<128x128xf32>
    %swap3A_625 = arith.constant 15744 : index
    %swap3A_626 = arith.constant 0 : index
    %swap3A_627 = vector.load %arg5[%swap3A_625, %swap3A_626] : memref<16384x128xf32, #tpu.memory_space<vmem>>, vector<128x128xf32>
    tpu.vector_store %arg5[%swap3A_625, %swap3A_626], %transpose3A_624 {strides = array<i32>} : memref<16384x128xf32, #tpu.memory_space<vmem>>, vector<128x128xf32>,
    %slice3A_628 = vector.extract_strided_slice %concatenate3A {offsets = [0, 15872], sizes = [128, 128], strides = [1, 1]} : vector<128x16384xf32> to vector<128x128xf32>
    %transpose3A_629 = tpu.transpose %slice3A_628, [1, 0] : vector<128x128xf32> -> vector<128x128xf32>
    %swap3A_630 = arith.constant 15872 : index
    %swap3A_631 = arith.constant 0 : index
    %swap3A_632 = vector.load %arg5[%swap3A_630, %swap3A_631] : memref<16384x128xf32, #tpu.memory_space<vmem>>, vector<128x128xf32>
    tpu.vector_store %arg5[%swap3A_630, %swap3A_631], %transpose3A_629 {strides = array<i32>} : memref<16384x128xf32, #tpu.memory_space<vmem>>, vector<128x128xf32>,
    %slice3A_633 = vector.extract_strided_slice %concatenate3A {offsets = [0, 16000], sizes = [128, 128], strides = [1, 1]} : vector<128x16384xf32> to vector<128x128xf32>
    %transpose3A_634 = tpu.transpose %slice3A_633, [1, 0] : vector<128x128xf32> -> vector<128x128xf32>
    %swap3A_635 = arith.constant 16000 : index
    %swap3A_636 = arith.constant 0 : index
    %swap3A_637 = vector.load %arg5[%swap3A_635, %swap3A_636] : memref<16384x128xf32, #tpu.memory_space<vmem>>, vector<128x128xf32>
    tpu.vector_store %arg5[%swap3A_635, %swap3A_636], %transpose3A_634 {strides = array<i32>} : memref<16384x128xf32, #tpu.memory_space<vmem>>, vector<128x128xf32>,
    %slice3A_638 = vector.extract_strided_slice %concatenate3A {offsets = [0, 16128], sizes = [128, 128], strides = [1, 1]} : vector<128x16384xf32> to vector<128x128xf32>
    %transpose3A_639 = tpu.transpose %slice3A_638, [1, 0] : vector<128x128xf32> -> vector<128x128xf32>
    %swap3A_640 = arith.constant 16128 : index
    %swap3A_641 = arith.constant 0 : index
    %swap3A_642 = vector.load %arg5[%swap3A_640, %swap3A_641] : memref<16384x128xf32, #tpu.memory_space<vmem>>, vector<128x128xf32>
    tpu.vector_store %arg5[%swap3A_640, %swap3A_641], %transpose3A_639 {strides = array<i32>} : memref<16384x128xf32, #tpu.memory_space<vmem>>, vector<128x128xf32>,
    %slice3A_643 = vector.extract_strided_slice %concatenate3A {offsets = [0, 16256], sizes = [128, 128], strides = [1, 1]} : vector<128x16384xf32> to vector<128x128xf32>
    %transpose3A_644 = tpu.transpose %slice3A_643, [1, 0] : vector<128x128xf32> -> vector<128x128xf32>
    %swap3A_645 = arith.constant 16256 : index
    %swap3A_646 = arith.constant 0 : index
    %swap3A_647 = vector.load %arg5[%swap3A_645, %swap3A_646] : memref<16384x128xf32, #tpu.memory_space<vmem>>, vector<128x128xf32>
    tpu.vector_store %arg5[%swap3A_645, %swap3A_646], %transpose3A_644 {strides = array<i32>} : memref<16384x128xf32, #tpu.memory_space<vmem>>, vector<128x128xf32>,
    return
  }
  func.func @transform_0(%arg0: i32) -> (i32, i32) {
    %add3A = arith.constant 0 : i32
    %add3A_0 = arith.addi %add3A, %arg0 : i32
    %min3A = arith.constant 61 : i32
    %min3A_1 = arith.minsi %add3A_0, %min3A : i32
    %c0_i32 = arith.constant 0 : i32
    %c0_i32_2 = arith.constant 0 : i32
    return %c0_i32, %min3A_1 : i32, i32
  }
  func.func @transform_1(%arg0: i32) -> (i32, i32) {
    %add3A = arith.constant 16 : i32
    %add3A_0 = arith.addi %add3A, %arg0 : i32
    %min3A = arith.constant 61 : i32
    %min3A_1 = arith.minsi %add3A_0, %min3A : i32
    %c0_i32 = arith.constant 0 : i32
    %c0_i32_2 = arith.constant 0 : i32
    return %c0_i32, %min3A_1 : i32, i32
  }
  func.func @transform_2(%arg0: i32) -> (i32, i32) {
    %add3A = arith.constant 32 : i32
    %add3A_0 = arith.addi %add3A, %arg0 : i32
    %min3A = arith.constant 61 : i32
    %min3A_1 = arith.minsi %add3A_0, %min3A : i32
    %c0_i32 = arith.constant 0 : i32
    %c0_i32_2 = arith.constant 0 : i32
    return %c0_i32, %min3A_1 : i32, i32
  }
  func.func @transform_3(%arg0: i32) -> (i32, i32) {
    %add3A = arith.constant 48 : i32
    %add3A_0 = arith.addi %add3A, %arg0 : i32
    %min3A = arith.constant 61 : i32
    %min3A_1 = arith.minsi %add3A_0, %min3A : i32
    %c0_i32 = arith.constant 0 : i32
    %c0_i32_2 = arith.constant 0 : i32
    return %c0_i32, %min3A_1 : i32, i32
  }
  func.func @transform_4(%arg0: i32) -> (i32, i32) {
    %c0_i32 = arith.constant 0 : i32
    %c0_i32_0 = arith.constant 0 : i32
    return %arg0, %c0_i32 : i32, i32
  }
}

</mosaic_0001>

<sc_bundles>
// kernel: kernel.5.cloned.1.call-start
scs
__scs_entry_jumppad:
0x0: {  	(pc) =	sbr.rel $0x88, $3  }
0x1: {  	(tag) =	ssettag $0x0;
	lr =	simm.s32 $0x1  }
0x2: {  	[smem:$0x3F9B] =	sst lr;
	_ =	strace $0xD0000000  }
0x3: {  	_ = 	snop  }
0x4: {  	_ = 	snop  }
0x5: {  	_ = 	snop  }
0x6: {  	_ = 	snop  }
0x7: {  	_ = 	snop  }
__scs_overlays_trampoline_lowered:
0x8: {  	[smem:$0x3FAA] =	sst s0  }
0x9: {  	[smem:$0x3FAB] =	sst s1  }
0xa: {  	[smem:$0x3FAC] =	sst s2  }
0xb: {  	[smem:$0x3FAD] =	sst s3  }
0xc: {  	[smem:$0x3FAE] =	sst s4  }
0xd: {  	[smem:$0x3FAF] =	sst s5  }
0xe: {  	[smem:$0x3FB0] =	sst s6  }
0xf: {  	[smem:$0x3FB1] =	sst s7  }
0x10: {  	[smem:$0x3FB2] =	sst s8  }
0x11: {  	[smem:$0x3FB3] =	sst s9;
	s0 =	simm.s32 @!p0 $0x0  }
0x12: {  	s1 =	sld [smem:$0x3F99];
	s0 =	simm.s32 @p0 $0x1  }
0x13: {  	[smem:$0x3FB4] =	sst s0;
	s0 =	simm.s32 @!p1 $0x0  }
0x14: {  	s2 =	sld [smem:$0x3F98];
	s0 =	simm.s32 @p1 $0x1  }
0x15: {  	[smem:$0x3FB5] =	sst s0;
	s0 =	simm.s32 @!p2 $0x0  }
0x16: {  	s3 =	sld [smem:$0x3FDB];
	s0 =	simm.s32 @p2 $0x1  }
0x17: {  	s4 =	simm.s32 $0x1BF5;
	[smem:$0x3FB7] =	sst s0  }
0x18: {  	s0 =	sld [smem:$0x3F9A];
	_ =	swait.ge [sflag:s4], $0x0  }
0x19: {  	s7 =	sld [smem:$0x3F9B]  }
0x1a: {  	s8 =	sadd.s32 $0xFFFFE003, lr  }
0x1b: {  	s9 =	sadd.s32 $0xFFFFFEF7, lr;
	s5 =	simm.s32 $0xFFFFFFFF;
	p2 =	slt.u32 s8, $0xFFFFF086  }
0x1c: {  	p1 =	slt.u32 s9, $0xF7A;
	s5 =	simm.s32 @!p2 $0x0  }
0x1d: {  	s5 =	simm.s32 @p1 $0x1;
	p0 =	seq.s32 s7, s2  }
0x1e: {  	s7 =	smul.u32 @!p0 $0xF7A, s2;
	p2 =	seq.s32 @!p0 s5, $0x0  }
0x1f: {  	s9 =	smul.u32 $0xF7A, s1;
	s8 =	simm.s32 @!p0 $0x1BF5;
	p2 =	por !p2, p0  }
0x20: {  	[sflag:s8] =	ssyncset.s32 @!p0 $0xFFFFF086;
	s6 =	sadd.s32 @!p0 s3, s7;
	s7 =	simm.s32 @!p0 $0x108  }
0x21: {  	s3 =	sadd.s32 s3, s9;
	s6 =	sadd.s32 @!p0 $0x88, s6;
	s7 =	simm.s32 @p2 $0x1082  }
0x22: {  	[simem:s7], [sflag:s8] =	dma.local @!p0 [hbm:s6], $0xF7A  }
0x23: {  	s9 =	sor.u32 $0xD0000000, s2;
	s6 =	simm.s32 $0x108;
	_ =	swait.ge @!p0 [sflag:s8], $0x0  }
0x24: {  	s3 =	sadd.s32 $0x88, s3;
	s6 =	simm.s32 @!p1 $0x1082;
	[sflag:s4] =	ssyncset.s32 $0xFFFFF086  }
0x25: {  	[simem:s6], [sflag:s4] =	dma.local [hbm:s3], $0xF7A  }
0x26: {  	[smem:$0x3F9B] =	sst s1;
	(tag) =	ssettag s2;
	_ =	strace s9  }
0x27: {  	s1 =	sld [smem:$0x3FAB]  }
0x28: {  	s2 =	sld [smem:$0x3FAC]  }
0x29: {  	s4 =	sld [smem:$0x3FAE]  }
0x2a: {  	p0 =	seq.s32 s5, $0x0;
	s5 =	sld [smem:$0x3FAF]  }
0x2b: {  	s6 =	sld [smem:$0x3FB0]  }
0x2c: {  	s7 =	sld [smem:$0x3FB1]  }
0x2d: {  	s3 =	simm.s32 $0x108;
	s8 =	sld [smem:$0x3FB2]  }
0x2e: {  	s3 =	simm.s32 @!p0 $0x1082;
	s9 =	sld [smem:$0x3FB3]  }
0x2f: {  	lr =	sadd.s32 s0, s3;
	s0 =	sld [smem:$0x3FAA]  }
0x30: {  	s3 =	sld [smem:$0x3FAD]  }
0x31: {  	[smem:$0x3FB6] =	sst s10  }
0x32: {  	s10 =	sld [smem:$0x3FB4];
	_ =	sdelay $0x3  }
0x33: {  	p0 =	seq.s32 s10, $0x1;
	s10 =	sld [smem:$0x3FB6];
	_ =	sdelay $0x3  }
0x34: {  	[smem:$0x3FB6] =	sst s10  }
0x35: {  	s10 =	sld [smem:$0x3FB5];
	_ =	sdelay $0x3  }
0x36: {  	p1 =	seq.s32 s10, $0x1;
	s10 =	sld [smem:$0x3FB6];
	_ =	sdelay $0x3  }
0x37: {  	[smem:$0x3FB6] =	sst s10  }
0x38: {  	s10 =	sld [smem:$0x3FB7]  }
0x39: {  	_ = 	snop;
	(pc) =	sbr.ind lr, $3  }
0x3a: {  	_ = 	snop  }
0x3b: {  	_ = 	snop  }
0x3c: {  	p2 =	seq.s32 s10, $0x1;
	s10 =	sld [smem:$0x3FB6]  }
0x3d: {  	_ =	shalt  }
0x3e: {  	_ =	shalt  }
0x3f: {  	_ =	shalt  }
0x40: {  	_ =	shalt  }
0x41: {  	_ =	shalt  }
0x42: {  	_ =	shalt  }
0x43: {  	_ =	shalt  }
0x44: {  	_ =	shalt  }
0x45: {  	_ =	shalt  }
0x46: {  	_ =	shalt  }
0x47: {  	_ =	shalt  }
0x48: {  	_ =	shalt  }
0x49: {  	_ =	shalt  }
0x4a: {  	_ =	shalt  }
0x4b: {  	_ =	shalt  }
0x4c: {  	_ =	shalt  }
0x4d: {  	_ =	shalt  }
0x4e: {  	_ =	shalt  }
0x4f: {  	_ =	shalt  }
0x50: {  	_ =	shalt  }
0x51: {  	_ =	shalt  }
0x52: {  	_ =	shalt  }
0x53: {  	_ =	shalt  }
0x54: {  	_ =	shalt  }
0x55: {  	_ =	shalt  }
0x56: {  	_ =	shalt  }
0x57: {  	_ =	shalt  }
0x58: {  	_ =	shalt  }
0x59: {  	_ =	shalt  }
0x5a: {  	_ =	shalt  }
0x5b: {  	_ =	shalt  }
0x5c: {  	_ =	shalt  }
0x5d: {  	_ =	shalt  }
0x5e: {  	_ =	shalt  }
0x5f: {  	_ =	shalt  }
0x60: {  	_ =	shalt  }
0x61: {  	_ =	shalt  }
0x62: {  	_ =	shalt  }
0x63: {  	_ =	shalt  }
0x64: {  	_ =	shalt  }
0x65: {  	_ =	shalt  }
0x66: {  	_ =	shalt  }
0x67: {  	_ =	shalt  }
0x68: {  	_ =	shalt  }
0x69: {  	_ =	shalt  }
0x6a: {  	_ =	shalt  }
0x6b: {  	_ =	shalt  }
0x6c: {  	_ =	shalt  }
0x6d: {  	_ =	shalt  }
0x6e: {  	_ =	shalt  }
0x6f: {  	_ =	shalt  }
0x70: {  	_ =	shalt  }
0x71: {  	_ =	shalt  }
0x72: {  	_ =	shalt  }
0x73: {  	_ =	shalt  }
0x74: {  	_ =	shalt  }
0x75: {  	_ =	shalt  }
0x76: {  	_ =	shalt  }
0x77: {  	_ =	shalt  }
0x78: {  	_ =	shalt  }
0x79: {  	_ =	shalt  }
0x7a: {  	_ =	shalt  }
0x7b: {  	_ =	shalt  }
0x7c: {  	_ =	shalt  }
0x7d: {  	_ =	shalt  }
0x7e: {  	_ =	shalt  }
0x7f: {  	_ =	shalt  }
0x80: {  	_ =	shalt  }
0x81: {  	_ =	shalt  }
0x82: {  	_ =	shalt  }
0x83: {  	_ =	shalt  }
0x84: {  	_ =	shalt  }
0x85: {  	_ =	shalt  }
0x86: {  	_ =	shalt  }
0x87: {  	_ =	shalt  }
.Lfunc_end0:
.L_simem_size_0:
called_computation_lowered:
.L_overlay_start_0:
0x88: {  	s2 =	sld [smem:$0x3FD9]  }
0x89: {  	s3 =	sld [smem:$0x3FFE];
	_ =	sdelay $0x1  }
0x8a: {  	s1 =	srdreg.scid  }
0x8b: {  	s0 =	sand.u32 $0x1, s1  }
0x8c: {  	s17 =	sshll.u32 s0, $0xA;
	s2 =	sadd.s32 s3, s2  }
0x8d: {  	s2 =	sadd.s32 s2, s17  }
0x8e: {  	[smem:$0x3FC2] =	sst s2  }
0x8f: {  	_ = 	snop  }
0x90: {  	s2 =	sld [smem:$0x3FC9];
	(tm) =	ssettm $0x1  }
0x91: {  	s18 =	sld [smem:$0x3FFB];
	_ =	sdelay $0x3  }
0x92: {  	_ =	strace s18  }
0x93: {  	s3 =	sld [smem:$0x3FFC];
	_ =	sdelay $0x3  }
0x94: {  	_ =	strace s3  }
0x95: {  	s3 =	sld [smem:$0x3FFD];
	_ =	sdelay $0x3  }
0x96: {  	_ =	strace s3  }
0x97: {  	_ =	strace $0x8FFFFFFF  }
0x98: {  	s19 =	sld [smem:$0x3FDB];
	_ =	sdelay $0x1  }
0x99: {  	s4 =	simm.s32 $_scs_section_size  }
0x9a: {  	s5 =	simm.s32 $_size__tile_overlayer_lowered;
	s6 =	simm.s32 $_tile_overlayer_lowered  }
0x9b: {  	s22 =	simm.s32 $0x1BFF;
	s21 =	sshll.u32 s6, $0x1;
	s3 =	sadd.s32 s4, s19  }
0x9c: {  	s7 =	simm.s32 $0x0;
	s20 =	sshll.u32 s5, $0x1;
	s5 =	sadd.s32 s21, s3  }
0x9d: {  	[timem:s7], [sflag:s22] =	dma.local [hbm:s5], s20  }
0x9e: {  	_ =	swait.ge [sflag:s22], s20  }
0x9f: {  	s4 =	ssub.s32 $0x0, s20;
	[sflag:s22] =	ssyncset.done $0x0  }
0xa0: {  	[sflag:s22] =	ssyncadd.s32 s4;
	_ =	sdelay $0x1  }
0xa1: {  	s23 =	simm.s32 $0x1B8B  }
0xa2: {  	_ =	swait.ge [sflag:s23], $0x1  }
0xa3: {  	[sflag:s23] =	ssyncset.done $0x0  }
0xa4: {  	s25 =	simm.s32 $0x1B8E;
	s24 =	sld [smem:$0x3FFE];
	[sflag:s23] =	ssyncadd.s32 $0xFFFFFFFF  }
0xa5: {  	s26 =	simm.s32 $execute0_lowered;
	[smem:$0x3FD2] =	sst s25  }
0xa6: {  	s5 =	sshll.u32 s26, $0x1;
	_ =	strace $0x80000046;
	[dreg:$0x1] =	wrdreg $0xFFFFFFFF  }
0xa7: {  	s28 =	simm.s32 $_size_execute0_lowered;
	s3 =	sadd.s32 s3, s5;
	[dreg:$0x0] =	wrdreg $0x0  }
0xa8: {  	s5 =	sshll.u32 s28, $0x1;
	[dreg:$0x2] =	wrdreg s3  }
0xa9: {  	[dreg:$0x3] =	wrdreg s5  }
0xaa: {  	[dreg:$0x4] =	wrdreg $0xC0  }
0xab: {  	_ =	task [dreg:s7], $0x5FFFF  }
0xac: {  	[dreg:$0x1] =	wrdreg $0xFFFFFFFF  }
0xad: {  	[dreg:$0x0] =	wrdreg $0x60  }
0xae: {  	[dreg:$0x2] =	wrdreg s24  }
0xaf: {  	[dreg:$0x3] =	wrdreg s2  }
0xb0: {  	[dreg:$0x4] =	wrdreg $0x9  }
0xb1: {  	_ =	task.clear_ibuf [dreg:s7], $0x5FFFF;
	_ =	strace $0x90000046  }
0xb2: {  	s29 =	simm.s32 $0x9;
	_ =	strace $0x80000048  }
0xb3: {  	_ =	swait.ge [sflag:s29], $0x1  }
0xb4: {  	[sflag:s29] =	ssyncadd.s32 $0xFFFFFFFF  }
0xb5: {  	_ =	strace $0x90000048  }
0xb6: {  	_ =	sfence  }
0xb7: {  	s30 =	sld [smem:$0x0];
	_ =	sdelay $0x2  }
0xb8: {  	s31 =	sshll.u32 s1, $0xD;
	s1 =	sshrl.u32 s1, $0x2  }
0xb9: {  	s3 =	sand.u32 $0x4000, s31;
	s1 =	sadd.s32 s1, s30  }
0xba: {  	s0 =	sor.u32 s3, s0;
	s1 =	sshll.u32 s1, $0x11  }
0xbb: {  	s0 =	sor.u32 s1, s0  }
0xbc: {  	s0 =	sadd.s32 $0x8F2B, s0  }
0xbd: {  	[sflag:s0] =	ssyncadd.remote.s32 $0x1  }
0xbe: {  	_ =	sfence.sel $0xFFFF  }
0xbf: {  	[dreg:$0x0] =	wrdreg $0xFFFFFFFF;
	(pc) =	sbr.abs _section_cstart, $3  }
0xc0: {  	[dreg:$0x1] =	wrdreg $0xFFFFFFFF  }
0xc1: {  	_ =	task.clear_ibuf [dreg:s7], $0x2FFFF;
	_ =	strace $0x9FFFFFFF  }
0xc2: {  	(tm) =	ssettm $0x7FFFFFFF  }
0xc3: {  	_ =	shalt  }
tec
execute0_lowered:
.L_overlay_start_1:
0x0: {  	(tag) =	ssettag $0x1  }
0x1: {  	s2 =	rddreg [dreg:$0x0]  }
0x2: {  	s3 =	rddreg [dreg:$0x1];
	s4 =	srdreg.scid  }
0x3: {  	s0 =	rddreg [dreg:$0x2];
	s1 =	simm.s32 $0x0;
	s5 =	sand.u32 $0x1, s4  }
0x4: {  	s10 =	simm.s32 $0x100;
	s11 =	simm.s32 $0x8200;
	s7 =	ssub.s32 $0x2, s5  }
0x5: {  	s12 =	simm.s32 $0x180;
	s13 =	simm.s32 $0xC200;
	s8 =	sshrl.u32 s7, $0x1  }
0x6: {  	p0 =	por $0x0, $0x0;
	[smem:$0x7FF] =	sst s1;
	s7 =	ssub.s32 s7, s8  }
0x7: {  	s4 =	sadd.s32 $0x1000, s2;
	_ =	strace $0x80000047;
	s15 =	smax.u32 s7, $0x1  }
0x8: {  	s6 =	sshll.u32 s5, $0xD;
	s5 =	sshll.u32 s5, $0x6;
	p1 =	sne.s32 s15, $0x1  }
.Ltmp0:
0x9: {  	s6 =	sadd.s32 s6, s2;
	s2 =	stileid.u32;
	(pc) =	sbr.rel @!p1 .LBB2_3-.Ltmp0, $4  }
0xa: {  	s3 =	sadd.s32 s3, s5;
	s30 =	sshll.u32 s2, $0xE;
	s9 =	sshll.u32 s2, $0x7  }
0xb: {  	s8 =	simm.s32 $0x80;
	s31 =	sadd.s32 s30, s6;
	s14 =	sadd.s32 s9, s3  }
0xc: {  	s3 =	simm.s32 $0x2;
	s6 =	simm.s32 $0x200;
	s9 =	simm.s32 $0x4200  }
0xd: {  	s7 =	simm.s32 $0x1;
	s5 =	sadd.s32 $0x401000, s31;
	s15 =	sadd.s32 $0xFFFFFFFF, s15  }
0xe: {  	[tilespmem:s1], [sflag:$0x2] =	stream.linear.gather [hbm4b:s14+s1], $0x200, $0x38;
	[tilespmem:$0x10200] =	vst v63  }
0xf: {  	_ =	swait.ge [sflag:s3], $0x200  }
0x10: {  	[sflag:s3] =	ssyncset.done $0x0  }
0x11: {  	[sflag:s3] =	ssyncadd.s32 $0xFFFFFE00  }
0x12: {  	v0 =	vld [tilespmem:$0x1A0]  }
0x13: {  	v1 =	vld [tilespmem:$0x1C0]  }
0x14: {  	v2 =	vld [tilespmem:$0x1D0]  }
0x15: {  	v3 =	vld [tilespmem:$0x20]  }
0x16: {  	v5 =	vld [tilespmem:$0x1F0]  }
0x17: {  	v6 =	vld [tilespmem:$0x1B0]  }
0x18: {  	v8 =	vld [tilespmem:$0x70]  }
0x19: {  	v10 =	vld [tilespmem:$0xB0]  }
0x1a: {  	v11 =	vld [tilespmem:$0x60]  }
0x1b: {  	v44 =	vld [tilespmem:$0x10]  }
0x1c: {  	v14 =	vld [tilespmem:$0x0]  }
0x1d: {  	v15 =	vld [tilespmem:$0xF0]  }
0x1e: {  	v16 =	vld [tilespmem:$0x50]  }
0x1f: {  	v18 =	vld [tilespmem:$0x40]  }
0x20: {  	v45 =	vld [tilespmem:$0x30]  }
0x21: {  	v46 =	vld [tilespmem:$0xD0]  }
0x22: {  	v24 =	vld [tilespmem:$0x90]  }
0x23: {  	v26 =	vld [tilespmem:$0xC0]  }
0x24: {  	v27 =	vld [tilespmem:$0xA0]  }
0x25: {  	v53 =	vld [tilespmem:$0x80];
	v4 =	vshra.s32 v0, $0x1F  }
0x26: {  	v58 =	vld [tilespmem:$0x140];
	v7 =	vshra.s32 v1, $0x1F;
	v9 =	vshra.s32 v2, $0x1F;
	v41 =	vshra.s32 v3, $0x1F  }
0x27: {  	v62 =	vld [tilespmem:$0x130];
	v42 =	vshra.s32 v5, $0x1F;
	v12 =	vshra.s32 v8, $0x1F;
	v13 =	vshra.s32 v6, $0x1F  }
0x28: {  	v17 =	vshra.s32 v10, $0x1F;
	v19 =	vshra.s32 v11, $0x1F;
	v20 =	vshra.s32 v44, $0x1F  }
0x29: {  	v21 =	vshra.s32 v15, $0x1F;
	v22 =	vshra.s32 v16, $0x1F;
	v23 =	vshra.s32 v18, $0x1F  }
0x2a: {  	v48 =	vshra.s32 v14, $0x1F;
	v25 =	vshra.s32 v45, $0x1F;
	v50 =	vshra.s32 v46, $0x1F  }
0x2b: {  	v51 =	vshra.s32 v24, $0x1F;
	v54 =	vshra.s32 v26, $0x1F;
	v55 =	vshra.s32 v27, $0x1F  }
0x2c: {  	v63 =	vshra.s32 v53, $0x1F;
	v28 =	vshra.s32 v58, $0x1F;
	v35 =	vshra.s32 v62, $0x1F  }
0x2d: {  	v4 =	vshrl.u32 v4, $0xE;
	v7 =	vshrl.u32 v7, $0xE;
	v40 =	vshrl.u32 v9, $0xE  }
0x2e: {  	v36 =	vld [tilespmem:$0x170];
	v9 =	vshrl.u32 v41, $0xE;
	v43 =	vshrl.u32 v42, $0xE;
	v12 =	vshrl.u32 v12, $0xE  }
0x2f: {  	v13 =	vshrl.u32 v13, $0xE;
	v17 =	vshrl.u32 v17, $0xE;
	v19 =	vshrl.u32 v19, $0xE  }
0x30: {  	v20 =	vshrl.u32 v20, $0xE;
	v23 =	vshrl.u32 v23, $0xE;
	v22 =	vshrl.u32 v22, $0xE  }
0x31: {  	v25 =	vshrl.u32 v25, $0xE;
	v21 =	vshrl.u32 v21, $0xE;
	v59 =	vshrl.u32 v48, $0xE  }
0x32: {  	v60 =	vshrl.u32 v54, $0xE;
	v61 =	vshrl.u32 v50, $0xE;
	v33 =	vshrl.u32 v28, $0xE  }
0x33: {  	v48 =	vshra.s32 v36, $0x1F;
	v4 =	vadd.s32 v4, v0;
	v7 =	vadd.s32 v7, v1  }
0x34: {  	v9 =	vadd.s32 v9, v3;
	v12 =	vadd.s32 v12, v8;
	v13 =	vadd.s32 v13, v6  }
0x35: {  	v19 =	vadd.s32 v19, v11;
	v17 =	vadd.s32 v17, v10;
	v20 =	vadd.s32 v20, v44  }
0x36: {  	v23 =	vadd.s32 v23, v18;
	v22 =	vadd.s32 v22, v16;
	v25 =	vadd.s32 v25, v45  }
0x37: {  	v52 =	vadd.s32 v21, v15;
	v21 =	vshrl.u32 v63, $0xE;
	v30 =	vadd.s32 v59, v14  }
0x38: {  	v4 =	vand.u32 $0xFFFC0000, v4;
	v7 =	vand.u32 $0xFFFC0000, v7;
	v12 =	vand.u32 $0xFFFC0000, v12  }
0x39: {  	v13 =	vand.u32 $0xFFFC0000, v13;
	v9 =	vand.u32 $0xFFFC0000, v9;
	v19 =	vand.u32 $0xFFFC0000, v19  }
0x3a: {  	v47 =	vand.u32 $0xFFFC0000, v17;
	v23 =	vand.u32 $0xFFFC0000, v23;
	v25 =	vand.u32 $0xFFFC0000, v25  }
0x3b: {  	v56 =	vld [tilespmem:$0x150];
	v20 =	vand.u32 $0xFFFC0000, v20;
	v17 =	vadd.s32 v60, v26;
	v29 =	vadd.s32 v21, v53  }
0x3c: {  	v32 =	vand.u32 $0xFFFC0000, v22;
	v4 =	vsub.s32 v0, v4;
	v1 =	vsub.s32 v1, v7  }
0x3d: {  	v0 =	vadd.s32 v40, v2;
	v6 =	vsub.s32 v6, v13;
	v11 =	vsub.s32 v11, v19;
	[tilespmem:$0x1C0] =	vst v1  }
0x3e: {  	v8 =	vsub.s32 v8, v12;
	v18 =	vsub.s32 v18, v23;
	v13 =	vsub.s32 v45, v25;
	[tilespmem:$0x1A0] =	vst v4  }
0x3f: {  	v7 =	vsub.s32 v44, v20;
	v3 =	vsub.s32 v3, v9;
	v20 =	vshrl.u32 v51, $0xE;
	[tilespmem:$0x1B0] =	vst v6  }
0x40: {  	v9 =	vand.u32 $0xFFFC0000, v52;
	v10 =	vsub.s32 v10, v47;
	v25 =	vshra.s32 v56, $0x1F;
	[tilespmem:$0x60] =	vst v11  }
0x41: {  	v34 =	vsub.s32 v16, v32;
	v47 =	vadd.s32 v33, v58;
	v50 =	vand.u32 $0xFFFC0000, v17;
	[tilespmem:$0x70] =	vst v8  }
0x42: {  	v42 =	vld [tilespmem:$0x1E0];
	v0 =	vand.u32 $0xFFFC0000, v0;
	v20 =	vadd.s32 v20, v24;
	v9 =	vsub.s32 v15, v9;
	[tilespmem:$0x40] =	vst v18  }
0x43: {  	v4 =	vshrl.u32 v55, $0xE;
	v12 =	vshrl.u32 v25, $0xE;
	[tilespmem:$0x20] =	vst v3;
	v3 =	vand.u32 $0xFFFC0000, v30  }
0x44: {  	[tilespmem:$0x10] =	vst v7;
	v7 =	vshrl.u32 v35, $0xE;
	v8 =	vshrl.u32 v48, $0xE;
	v52 =	vsub.s32 v26, v50  }
0x45: {  	[tilespmem:$0x30] =	vst v13;
	v2 =	vsub.s32 v2, v0;
	v0 =	vadd.s32 v43, v5;
	v20 =	vand.u32 $0xFFFC0000, v20  }
0x46: {  	v54 =	vld [tilespmem:$0x180];
	[tilespmem:$0xB0] =	vst v10;
	v4 =	vadd.s32 v4, v27;
	v31 =	vadd.s32 v12, v56;
	v3 =	vsub.s32 v14, v3  }
0x47: {  	[tilespmem:$0x50] =	vst v34;
	v55 =	vld [tilespmem:$0x190];
	v7 =	vadd.s32 v7, v62;
	v51 =	vshra.s32 v42, $0x1F;
	v8 =	vadd.s32 v8, v36  }
0x48: {  	[tilespmem:$0xC0] =	vst v52;
	v0 =	vand.u32 $0xFFFC0000, v0;
	v20 =	vsub.s32 v24, v20;
	v4 =	vand.u32 $0xFFFC0000, v4;
	v24 =	vld [tilespmem:$0x110]  }
0x49: {  	[tilespmem:$0xF0] =	vst v9;
	v7 =	vand.u32 $0xFFFC0000, v7;
	v6 =	vand.u32 $0xFFFC0000, v31;
	v5 =	vsub.s32 v5, v0;
	v0 =	vld [tilespmem:$0xE0]  }
0x4a: {  	v8 =	vand.u32 $0xFFFC0000, v8;
	v4 =	vsub.s32 v27, v4;
	v27 =	vld [tilespmem:$0x100];
	v7 =	vsub.s32 v62, v7;
	[tilespmem:$0x1F0] =	vst v5  }
0x4b: {  	v6 =	vsub.s32 v56, v6;
	v59 =	vsub.s32 v36, v8;
	v5 =	vadd.s32 v61, v46;
	[tilespmem:$0x130] =	vst v7  }
0x4c: {  	v7 =	vand.u32 $0xFFFC0000, v47;
	[tilespmem:$0x150] =	vst v6;
	v6 =	vshrl.u32 v51, $0xE;
	v5 =	vand.u32 $0xFFFC0000, v5  }
0x4d: {  	v43 =	vld [tilespmem:$0x160];
	[tilespmem:$0x1D0] =	vst v2;
	v7 =	vsub.s32 v58, v7;
	v58 =	vshra.s32 v54, $0x1F;
	v61 =	vshra.s32 v55, $0x1F  }
0x4e: {  	[tilespmem:$0x0] =	vst v3;
	v5 =	vsub.s32 v46, v5;
	v60 =	vshrl.u32 v58, $0xE;
	v38 =	vshra.s32 v24, $0x1F  }
0x4f: {  	[tilespmem:$0x90] =	vst v20;
	v46 =	vld [tilespmem:$0x120];
	v49 =	vshra.s32 v0, $0x1F;
	v37 =	vshra.s32 v27, $0x1F;
	v40 =	vshrl.u32 v38, $0xE  }
0x50: {  	[tilespmem:$0xA0] =	vst v4;
	v57 =	vshrl.u32 v49, $0xE;
	v39 =	vshrl.u32 v37, $0xE;
	v41 =	vadd.s32 v40, v24  }
0x51: {  	[tilespmem:$0xD0] =	vst v5;
	v49 =	vand.u32 $0xFFFC0000, v29;
	v2 =	vadd.s32 v57, v0;
	v5 =	vadd.s32 v39, v27  }
0x52: {  	[tilespmem:$0x170] =	vst v59;
	v45 =	vand.u32 $0xFFFC0000, v41;
	v1 =	vsub.s32 v53, v49;
	v53 =	vshra.s32 v43, $0x1F  }
0x53: {  	[tilespmem:$0x140] =	vst v7;
	v57 =	vadd.s32 v6, v42;
	v2 =	vand.u32 $0xFFFC0000, v2;
	v44 =	vand.u32 $0xFFFC0000, v5  }
0x54: {  	v5 =	vsub.s32 v24, v45;
	[tilespmem:$0x80] =	vst v1;
	v56 =	vshra.s32 v46, $0x1F;
	v4 =	vsub.s32 v27, v44  }
0x55: {  	v1 =	vshrl.u32 v56, $0xE;
	[tilespmem:$0x110] =	vst v5;
	v5 =	vand.u32 $0xFFFC0000, v57;
	v0 =	vsub.s32 v0, v2  }
0x56: {  	v2 =	vshrl.u32 v61, $0xE;
	[tilespmem:$0x100] =	vst v4;
	v4 =	vshrl.u32 v53, $0xE;
	v1 =	vadd.s32 v1, v46  }
0x57: {  	[tilespmem:$0xE0] =	vst v0;
	v5 =	vsub.s32 v42, v5;
	v0 =	vadd.s32 v60, v54;
	v1 =	vand.u32 $0xFFFC0000, v1  }
0x58: {  	v2 =	vadd.s32 v2, v55;
	v0 =	vand.u32 $0xFFFC0000, v0;
	[tilespmem:$0x1E0] =	vst v5;
	v1 =	vsub.s32 v46, v1  }
0x59: {  	v4 =	vadd.s32 v4, v43;
	v62 =	vand.u32 $0xFFFC0000, v2;
	v0 =	vsub.s32 v54, v0;
	[tilespmem:$0x120] =	vst v1  }
0x5a: {  	v4 =	vand.u32 $0xFFFC0000, v4;
	v63 =	vsub.s32 v55, v62;
	[tilespmem:$0x180] =	vst v0  }
0x5b: {  	v4 =	vsub.s32 v43, v4;
	[tilespmem:$0x190] =	vst v63  }
0x5c: {  	[tilespmem:$0x160] =	vst v4  }
0x5d: {  	[tilespmem:s6], [sflag:$0x1] =	stream.indirect.gather [hbm4b:s4+s8], $0x80, s1, s8, $0xb8;
	[tilespmem:$0x10200] =	vst v63  }
0x5e: {  	_ = 	snop  }
0x5f: {  	[tilespmem:s9], [sflag:$0x1] =	stream.indirect.gather [hbm4b:s4+s8], $0x80, s8, s8, $0xb8;
	[tilespmem:$0x10200] =	vst v63  }
0x60: {  	_ = 	snop  }
0x61: {  	[tilespmem:s11], [sflag:$0x1] =	stream.indirect.gather [hbm4b:s4+s8], $0x80, s10, s8, $0xb8;
	[tilespmem:$0x10200] =	vst v63  }
0x62: {  	p1 =	sne.s32 s15, $0x1  }
0x63: {  	[tilespmem:s13], [sflag:$0x1] =	stream.indirect.gather [hbm4b:s4+s8], $0x80, s12, s8, $0xb8;
	[tilespmem:$0x10200] =	vst v63  }
.Ltmp1:
0x64: {  	_ = 	snop;
	(pc) =	sbr.rel @!p1 .LBB2_3-.Ltmp1, $4  }
0x65: {  	_ =	swait.ge [sflag:s7], $0x4000  }
0x66: {  	[sflag:s7] =	ssyncset.done $0x0  }
0x67: {  	[sflag:s7] =	ssyncadd.s32 $0xFFFFC000  }
0x68: {  	s15 =	sadd.s32 $0xFFFFFFFF, s15;
	p0 =	por $0x1, $0x1;
	_ =	swait.ge [sflag:s7], $0x4000  }
.LBB2_2:
0x69: {  	p1 =	sne.s32 s15, $0x1;
	s15 =	sadd.s32 $0xFFFFFFFF, s15;
	[sflag:s7] =	ssyncset.done $0x0  }
0x6a: {  	[sflag:s7] =	ssyncadd.s32 $0xFFFFC000  }
0x6b: {  	_ =	swait.ge [sflag:s7], $0x4000  }
0x6c: {  	[sflag:s7] =	ssyncset.done $0x0  }
0x6d: {  	[sflag:s7] =	ssyncadd.s32 $0xFFFFC000  }
0x6e: {  	_ =	swait.ge [sflag:s7], $0x4000  }
0x6f: {  	[sflag:s7] =	ssyncset.done $0x0  }
0x70: {  	[sflag:s7] =	ssyncadd.s32 $0xFFFFC000  }
0x71: {  	[hbm4b:s5+s1] =	stream.linear.scatter [tilespmem:s6], [sflag:$0x2], $0x10000, $0x38;
	[tilespmem:$0x10200] =	vst v63  }
0x72: {  	_ =	swait.ge [sflag:s3], $0x10000  }
0x73: {  	[sflag:s3] =	ssyncset.done $0x0  }
0x74: {  	[sflag:s3] =	ssyncadd.s32 $0xFFFF0000  }
0x75: {  	[tilespmem:s1], [sflag:$0x2] =	stream.linear.gather [hbm4b:s14+s1], $0x200, $0x38;
	[tilespmem:$0x10200] =	vst v63  }
0x76: {  	_ =	swait.ge [sflag:s3], $0x200  }
0x77: {  	[sflag:s3] =	ssyncset.done $0x0  }
0x78: {  	[sflag:s3] =	ssyncadd.s32 $0xFFFFFE00  }
0x79: {  	v0 =	vld [tilespmem:$0x1A0]  }
0x7a: {  	v1 =	vld [tilespmem:$0x1C0];
	_ =	sdelay $0x1  }
0x7b: {  	v2 =	vld [tilespmem:$0x1D0]  }
0x7c: {  	v5 =	vld [tilespmem:$0x1F0]  }
0x7d: {  	v6 =	vld [tilespmem:$0x20];
	v3 =	vshra.s32 v0, $0x1F  }
0x7e: {  	v3 =	vshrl.u32 v3, $0xE;
	v7 =	vld [tilespmem:$0x1B0];
	v4 =	vshra.s32 v1, $0x1F  }
0x7f: {  	v8 =	vld [tilespmem:$0x70];
	v3 =	vadd.s32 v3, v0;
	v4 =	vshrl.u32 v4, $0xE  }
0x80: {  	v9 =	vld [tilespmem:$0x10];
	v3 =	vand.u32 $0xFFFC0000, v3;
	v4 =	vadd.s32 v4, v1;
	v10 =	vshra.s32 v2, $0x1F  }
0x81: {  	v0 =	vsub.s32 v0, v3;
	v4 =	vand.u32 $0xFFFC0000, v4;
	v10 =	vshrl.u32 v10, $0xE  }
0x82: {  	v11 =	vshra.s32 v6, $0x1F;
	v3 =	vld [tilespmem:$0xB0];
	v1 =	vsub.s32 v1, v4;
	v4 =	vadd.s32 v10, v2  }
0x83: {  	v12 =	vshra.s32 v5, $0x1F;
	v10 =	vld [tilespmem:$0x60];
	[tilespmem:$0x1C0] =	vst v1;
	v4 =	vand.u32 $0xFFFC0000, v4  }
0x84: {  	v11 =	vshrl.u32 v11, $0xE;
	v1 =	vld [tilespmem:$0x0];
	v2 =	vsub.s32 v2, v4;
	v4 =	vshrl.u32 v12, $0xE  }
0x85: {  	v13 =	vshra.s32 v7, $0x1F;
	v11 =	vadd.s32 v11, v6;
	v12 =	vshra.s32 v8, $0x1F  }
0x86: {  	v12 =	vshrl.u32 v12, $0xE;
	v14 =	vld [tilespmem:$0xF0];
	[tilespmem:$0x1A0] =	vst v0;
	v0 =	vshrl.u32 v13, $0xE;
	v13 =	vadd.s32 v4, v5  }
0x87: {  	v12 =	vadd.s32 v12, v8;
	v4 =	vld [tilespmem:$0x50];
	v0 =	vadd.s32 v0, v7;
	v13 =	vand.u32 $0xFFFC0000, v13  }
0x88: {  	v12 =	vand.u32 $0xFFFC0000, v12;
	v16 =	vshra.s32 v3, $0x1F;
	v15 =	vld [tilespmem:$0x40];
	v0 =	vand.u32 $0xFFFC0000, v0;
	[tilespmem:$0x1D0] =	vst v2  }
0x89: {  	v2 =	vshra.s32 v10, $0x1F;
	v16 =	vshrl.u32 v16, $0xE;
	v17 =	vld [tilespmem:$0x30];
	v0 =	vsub.s32 v7, v0  }
0x8a: {  	v11 =	vand.u32 $0xFFFC0000, v11;
	v7 =	vshra.s32 v9, $0x1F;
	v2 =	vshrl.u32 v2, $0xE;
	[tilespmem:$0x1B0] =	vst v0  }
0x8b: {  	v5 =	vsub.s32 v5, v13;
	v7 =	vshrl.u32 v7, $0xE;
	v2 =	vadd.s32 v2, v10;
	v0 =	vld [tilespmem:$0xE0]  }
0x8c: {  	v13 =	vadd.s32 v16, v3;
	v2 =	vand.u32 $0xFFFC0000, v2;
	v18 =	vshra.s32 v14, $0x1F;
	v16 =	vld [tilespmem:$0xD0];
	[tilespmem:$0x1F0] =	vst v5  }
0x8d: {  	v5 =	vadd.s32 v7, v9;
	v7 =	vshra.s32 v4, $0x1F;
	v10 =	vsub.s32 v10, v2;
	v2 =	vld [tilespmem:$0xC0]  }
0x8e: {  	v8 =	vsub.s32 v8, v12;
	v13 =	vand.u32 $0xFFFC0000, v13;
	v19 =	vshra.s32 v15, $0x1F;
	v12 =	vld [tilespmem:$0xA0]  }
0x8f: {  	v20 =	vshra.s32 v1, $0x1F;
	v7 =	vshrl.u32 v7, $0xE;
	v19 =	vshrl.u32 v19, $0xE;
	[tilespmem:$0x60] =	vst v10;
	v10 =	vld [tilespmem:$0x90]  }
0x90: {  	v21 =	vshra.s32 v17, $0x1F;
	v7 =	vadd.s32 v7, v4;
	v19 =	vadd.s32 v19, v15;
	v22 =	vld [tilespmem:$0x80]  }
0x91: {  	v21 =	vshrl.u32 v21, $0xE;
	v19 =	vand.u32 $0xFFFC0000, v19;
	[tilespmem:$0x70] =	vst v8;
	v8 =	vshra.s32 v0, $0x1F  }
0x92: {  	v21 =	vadd.s32 v21, v17;
	v15 =	vsub.s32 v15, v19;
	v19 =	vshra.s32 v16, $0x1F  }
0x93: {  	v21 =	vand.u32 $0xFFFC0000, v21;
	v8 =	vshrl.u32 v8, $0xE;
	[tilespmem:$0x40] =	vst v15;
	v15 =	vshra.s32 v2, $0x1F  }
0x94: {  	v20 =	vshrl.u32 v20, $0xE;
	v17 =	vsub.s32 v17, v21;
	v19 =	vshrl.u32 v19, $0xE  }
0x95: {  	v18 =	vshrl.u32 v18, $0xE;
	v5 =	vand.u32 $0xFFFC0000, v5;
	v15 =	vshrl.u32 v15, $0xE  }
0x96: {  	v5 =	vsub.s32 v9, v5;
	v9 =	vshra.s32 v12, $0x1F;
	v15 =	vadd.s32 v15, v2;
	[tilespmem:$0x30] =	vst v17;
	v17 =	vld [tilespmem:$0x150]  }
0x97: {  	v6 =	vsub.s32 v6, v11;
	v18 =	vadd.s32 v18, v14;
	v11 =	vshra.s32 v10, $0x1F;
	v21 =	vld [tilespmem:$0x140]  }
0x98: {  	v9 =	vshrl.u32 v9, $0xE;
	[tilespmem:$0x20] =	vst v6;
	v6 =	vshrl.u32 v11, $0xE;
	v11 =	vand.u32 $0xFFFC0000, v18;
	v18 =	vld [tilespmem:$0x130]  }
0x99: {  	[tilespmem:$0x10] =	vst v5;
	v5 =	vadd.s32 v6, v10;
	v6 =	vadd.s32 v9, v12;
	v9 =	vsub.s32 v14, v11;
	v11 =	vld [tilespmem:$0x110]  }
0x9a: {  	v14 =	vshra.s32 v22, $0x1F;
	v5 =	vand.u32 $0xFFFC0000, v5;
	v6 =	vand.u32 $0xFFFC0000, v6;
	v23 =	vld [tilespmem:$0x100]  }
0x9b: {  	v5 =	vsub.s32 v10, v5;
	v6 =	vsub.s32 v12, v6;
	v10 =	vshra.s32 v17, $0x1F  }
0x9c: {  	[tilespmem:$0xA0] =	vst v6;
	v6 =	vadd.s32 v19, v16;
	v12 =	vshra.s32 v21, $0x1F;
	v10 =	vshrl.u32 v10, $0xE  }
0x9d: {  	v3 =	vsub.s32 v3, v13;
	v14 =	vshrl.u32 v14, $0xE;
	[tilespmem:$0x90] =	vst v5;
	v5 =	vand.u32 $0xFFFC0000, v6  }
0x9e: {  	v8 =	vadd.s32 v8, v0;
	v6 =	vadd.s32 v14, v22;
	v5 =	vsub.s32 v16, v5  }
0x9f: {  	v13 =	vadd.s32 v20, v1;
	v8 =	vand.u32 $0xFFFC0000, v8;
	v10 =	vadd.s32 v10, v17  }
0xa0: {  	v13 =	vand.u32 $0xFFFC0000, v13;
	v7 =	vand.u32 $0xFFFC0000, v7;
	[tilespmem:$0xD0] =	vst v5;
	v5 =	vshrl.u32 v12, $0xE;
	v12 =	vld [tilespmem:$0x170]  }
0xa1: {  	v1 =	vsub.s32 v1, v13;
	v4 =	vsub.s32 v4, v7;
	[tilespmem:$0xB0] =	vst v3;
	v3 =	vshra.s32 v18, $0x1F;
	v7 =	vld [tilespmem:$0x160]  }
0xa2: {  	v14 =	vshra.s32 v11, $0x1F;
	v13 =	vshra.s32 v23, $0x1F;
	v3 =	vshrl.u32 v3, $0xE  }
0xa3: {  	[tilespmem:$0x50] =	vst v4;
	v4 =	vshrl.u32 v13, $0xE;
	v13 =	vshrl.u32 v14, $0xE;
	v3 =	vadd.s32 v3, v18  }
0xa4: {  	[tilespmem:$0x0] =	vst v1;
	v1 =	vadd.s32 v4, v23;
	v4 =	vadd.s32 v13, v11;
	v3 =	vand.u32 $0xFFFC0000, v3;
	v13 =	vld [tilespmem:$0x1E0]  }
0xa5: {  	v1 =	vand.u32 $0xFFFC0000, v1;
	v4 =	vand.u32 $0xFFFC0000, v4;
	v14 =	vld [tilespmem:$0x120];
	v3 =	vsub.s32 v18, v3  }
0xa6: {  	v1 =	vsub.s32 v23, v1;
	v4 =	vsub.s32 v11, v4;
	[tilespmem:$0x130] =	vst v3;
	v3 =	vand.u32 $0xFFFC0000, v10  }
0xa7: {  	[tilespmem:$0x100] =	vst v1;
	v1 =	vadd.s32 v5, v21;
	v3 =	vsub.s32 v17, v3;
	v5 =	vshra.s32 v12, $0x1F  }
0xa8: {  	v6 =	vand.u32 $0xFFFC0000, v6;
	v1 =	vand.u32 $0xFFFC0000, v1;
	[tilespmem:$0x150] =	vst v3;
	v3 =	vshrl.u32 v5, $0xE  }
0xa9: {  	v5 =	vsub.s32 v22, v6;
	v6 =	vand.u32 $0xFFFC0000, v15;
	v10 =	vld [tilespmem:$0x190];
	v11 =	vshra.s32 v13, $0x1F  }
0xaa: {  	v2 =	vsub.s32 v2, v6;
	v3 =	vadd.s32 v3, v12;
	[tilespmem:$0x80] =	vst v5;
	v5 =	vshra.s32 v7, $0x1F  }
0xab: {  	v3 =	vand.u32 $0xFFFC0000, v3;
	[tilespmem:$0xC0] =	vst v2;
	v2 =	vshra.s32 v14, $0x1F;
	v5 =	vshrl.u32 v5, $0xE;
	v6 =	vld [tilespmem:$0x180]  }
0xac: {  	v1 =	vsub.s32 v21, v1;
	v11 =	vshrl.u32 v11, $0xE;
	v2 =	vshrl.u32 v2, $0xE  }
0xad: {  	v5 =	vadd.s32 v5, v7;
	[tilespmem:$0xF0] =	vst v9;
	v2 =	vadd.s32 v2, v14;
	v9 =	vadd.s32 v11, v13  }
0xae: {  	[tilespmem:$0x110] =	vst v4;
	v2 =	vand.u32 $0xFFFC0000, v2;
	v4 =	vand.u32 $0xFFFC0000, v5;
	v5 =	vand.u32 $0xFFFC0000, v9  }
0xaf: {  	v2 =	vsub.s32 v14, v2;
	[tilespmem:$0x140] =	vst v1;
	v1 =	vsub.s32 v7, v4;
	v4 =	vsub.s32 v13, v5  }
0xb0: {  	v0 =	vsub.s32 v0, v8;
	[tilespmem:$0x160] =	vst v1;
	v1 =	vsub.s32 v12, v3;
	v3 =	vshra.s32 v6, $0x1F  }
0xb1: {  	[tilespmem:$0xE0] =	vst v0;
	v0 =	vshrl.u32 v3, $0xE;
	v3 =	vshra.s32 v10, $0x1F  }
0xb2: {  	[tilespmem:$0x170] =	vst v1;
	v0 =	vadd.s32 v0, v6;
	v1 =	vshrl.u32 v3, $0xE  }
0xb3: {  	v0 =	vand.u32 $0xFFFC0000, v0;
	v1 =	vadd.s32 v1, v10;
	[tilespmem:$0x1E0] =	vst v4  }
0xb4: {  	[tilespmem:$0x120] =	vst v2;
	v0 =	vsub.s32 v6, v0;
	v1 =	vand.u32 $0xFFFC0000, v1  }
0xb5: {  	[tilespmem:$0x180] =	vst v0;
	v0 =	vsub.s32 v10, v1  }
0xb6: {  	[tilespmem:$0x190] =	vst v0  }
0xb7: {  	[tilespmem:s6], [sflag:$0x1] =	stream.indirect.gather [hbm4b:s4+s8], $0x80, s1, s8, $0xb8;
	[tilespmem:$0x10200] =	vst v63  }
0xb8: {  	_ = 	snop  }
0xb9: {  	[tilespmem:s9], [sflag:$0x1] =	stream.indirect.gather [hbm4b:s4+s8], $0x80, s8, s8, $0xb8;
	[tilespmem:$0x10200] =	vst v63  }
0xba: {  	_ = 	snop  }
0xbb: {  	[tilespmem:s11], [sflag:$0x1] =	stream.indirect.gather [hbm4b:s4+s8], $0x80, s10, s8, $0xb8;
	[tilespmem:$0x10200] =	vst v63  }
0xbc: {  	_ = 	snop  }
0xbd: {  	[tilespmem:s13], [sflag:$0x1] =	stream.indirect.gather [hbm4b:s4+s8], $0x80, s12, s8, $0xb8;
	[tilespmem:$0x10200] =	vst v63  }
.Ltmp2:
0xbe: {  	_ = 	snop;
	(pc) =	sbr.rel @p1 .LBB2_2-.Ltmp2, $4  }
0xbf: {  	_ =	swait.ge [sflag:s7], $0x4000  }
0xc0: {  	[sflag:s7] =	ssyncset.done $0x0  }
0xc1: {  	[sflag:s7] =	ssyncadd.s32 $0xFFFFC000  }
0xc2: {  	_ =	swait.ge [sflag:s7], $0x4000  }
.LBB2_3:
0xc3: {  	[sflag:s7] =	ssyncset.done @p0 $0x0  }
0xc4: {  	[sflag:s7] =	ssyncadd.s32 @p0 $0xFFFFC000  }
0xc5: {  	_ =	swait.ge @p0 [sflag:s7], $0x4000  }
0xc6: {  	[sflag:s7] =	ssyncset.done @p0 $0x0  }
0xc7: {  	[sflag:s7] =	ssyncadd.s32 @p0 $0xFFFFC000  }
0xc8: {  	_ =	swait.ge @p0 [sflag:s7], $0x4000  }
0xc9: {  	[sflag:s7] =	ssyncset.done @p0 $0x0  }
0xca: {  	[sflag:s7] =	ssyncadd.s32 @p0 $0xFFFFC000  }
0xcb: {  	[hbm4b:s5+s1] =	stream.linear.scatter @p0 [tilespmem:s6], [sflag:$0x2], $0x10000, $0x38;
	[tilespmem:$0x10200] =	vst v63  }
0xcc: {  	_ =	swait.ge @p0 [sflag:s3], $0x10000  }
0xcd: {  	[sflag:s3] =	ssyncset.done @p0 $0x0  }
0xce: {  	[sflag:s3] =	ssyncadd.s32 @p0 $0xFFFF0000  }
0xcf: {  	[tilespmem:s1], [sflag:$0x2] =	stream.linear.gather [hbm4b:s14+s1], $0x200, $0x38;
	[tilespmem:$0x10200] =	vst v63  }
0xd0: {  	_ =	swait.ge [sflag:s3], $0x200  }
0xd1: {  	[sflag:s3] =	ssyncset.done $0x0  }
0xd2: {  	[sflag:s3] =	ssyncadd.s32 $0xFFFFFE00  }
0xd3: {  	v0 =	vld [tilespmem:$0x1A0]  }
0xd4: {  	v1 =	vld [tilespmem:$0x1C0]  }
0xd5: {  	v2 =	vld [tilespmem:$0x1D0]  }
0xd6: {  	v3 =	vld [tilespmem:$0x20]  }
0xd7: {  	v5 =	vld [tilespmem:$0x1F0]  }
0xd8: {  	v6 =	vld [tilespmem:$0x1B0]  }
0xd9: {  	v8 =	vld [tilespmem:$0x70]  }
0xda: {  	v10 =	vld [tilespmem:$0xB0]  }
0xdb: {  	v11 =	vld [tilespmem:$0x60]  }
0xdc: {  	v44 =	vld [tilespmem:$0x10]  }
0xdd: {  	v14 =	vld [tilespmem:$0x0]  }
0xde: {  	v15 =	vld [tilespmem:$0xF0]  }
0xdf: {  	v16 =	vld [tilespmem:$0x50]  }
0xe0: {  	v18 =	vld [tilespmem:$0x40]  }
0xe1: {  	v45 =	vld [tilespmem:$0x30]  }
0xe2: {  	v46 =	vld [tilespmem:$0xD0]  }
0xe3: {  	v24 =	vld [tilespmem:$0x90]  }
0xe4: {  	v26 =	vld [tilespmem:$0xC0]  }
0xe5: {  	v27 =	vld [tilespmem:$0xA0]  }
0xe6: {  	v53 =	vld [tilespmem:$0x80];
	v4 =	vshra.s32 v0, $0x1F  }
0xe7: {  	v58 =	vld [tilespmem:$0x140];
	v7 =	vshra.s32 v1, $0x1F;
	v9 =	vshra.s32 v2, $0x1F;
	v41 =	vshra.s32 v3, $0x1F  }
0xe8: {  	v62 =	vld [tilespmem:$0x130];
	v42 =	vshra.s32 v5, $0x1F;
	v12 =	vshra.s32 v8, $0x1F;
	v13 =	vshra.s32 v6, $0x1F  }
0xe9: {  	v17 =	vshra.s32 v10, $0x1F;
	v19 =	vshra.s32 v11, $0x1F;
	v20 =	vshra.s32 v44, $0x1F  }
0xea: {  	v21 =	vshra.s32 v15, $0x1F;
	v22 =	vshra.s32 v16, $0x1F;
	v23 =	vshra.s32 v18, $0x1F  }
0xeb: {  	v48 =	vshra.s32 v14, $0x1F;
	v25 =	vshra.s32 v45, $0x1F;
	v50 =	vshra.s32 v46, $0x1F  }
0xec: {  	v51 =	vshra.s32 v24, $0x1F;
	v54 =	vshra.s32 v26, $0x1F;
	v55 =	vshra.s32 v27, $0x1F  }
0xed: {  	v63 =	vshra.s32 v53, $0x1F;
	v28 =	vshra.s32 v58, $0x1F;
	v35 =	vshra.s32 v62, $0x1F  }
0xee: {  	v4 =	vshrl.u32 v4, $0xE;
	v7 =	vshrl.u32 v7, $0xE;
	v40 =	vshrl.u32 v9, $0xE  }
0xef: {  	v36 =	vld [tilespmem:$0x170];
	v9 =	vshrl.u32 v41, $0xE;
	v43 =	vshrl.u32 v42, $0xE;
	v12 =	vshrl.u32 v12, $0xE  }
0xf0: {  	v13 =	vshrl.u32 v13, $0xE;
	v17 =	vshrl.u32 v17, $0xE;
	v19 =	vshrl.u32 v19, $0xE  }
0xf1: {  	v20 =	vshrl.u32 v20, $0xE;
	v23 =	vshrl.u32 v23, $0xE;
	v22 =	vshrl.u32 v22, $0xE  }
0xf2: {  	v25 =	vshrl.u32 v25, $0xE;
	v21 =	vshrl.u32 v21, $0xE;
	v59 =	vshrl.u32 v48, $0xE  }
0xf3: {  	v60 =	vshrl.u32 v54, $0xE;
	v61 =	vshrl.u32 v50, $0xE;
	v33 =	vshrl.u32 v28, $0xE  }
0xf4: {  	v48 =	vshra.s32 v36, $0x1F;
	v4 =	vadd.s32 v4, v0;
	v7 =	vadd.s32 v7, v1  }
0xf5: {  	v9 =	vadd.s32 v9, v3;
	v12 =	vadd.s32 v12, v8;
	v13 =	vadd.s32 v13, v6  }
0xf6: {  	v19 =	vadd.s32 v19, v11;
	v17 =	vadd.s32 v17, v10;
	v20 =	vadd.s32 v20, v44  }
0xf7: {  	v23 =	vadd.s32 v23, v18;
	v22 =	vadd.s32 v22, v16;
	v25 =	vadd.s32 v25, v45  }
0xf8: {  	v52 =	vadd.s32 v21, v15;
	v21 =	vshrl.u32 v63, $0xE;
	v30 =	vadd.s32 v59, v14  }
0xf9: {  	v4 =	vand.u32 $0xFFFC0000, v4;
	v7 =	vand.u32 $0xFFFC0000, v7;
	v12 =	vand.u32 $0xFFFC0000, v12  }
0xfa: {  	v13 =	vand.u32 $0xFFFC0000, v13;
	v9 =	vand.u32 $0xFFFC0000, v9;
	v19 =	vand.u32 $0xFFFC0000, v19  }
0xfb: {  	v47 =	vand.u32 $0xFFFC0000, v17;
	v23 =	vand.u32 $0xFFFC0000, v23;
	v25 =	vand.u32 $0xFFFC0000, v25  }
0xfc: {  	v56 =	vld [tilespmem:$0x150];
	v20 =	vand.u32 $0xFFFC0000, v20;
	v17 =	vadd.s32 v60, v26;
	v29 =	vadd.s32 v21, v53  }
0xfd: {  	v32 =	vand.u32 $0xFFFC0000, v22;
	v4 =	vsub.s32 v0, v4;
	v1 =	vsub.s32 v1, v7  }
0xfe: {  	v0 =	vadd.s32 v40, v2;
	v6 =	vsub.s32 v6, v13;
	v11 =	vsub.s32 v11, v19;
	[tilespmem:$0x1C0] =	vst v1  }
0xff: {  	v8 =	vsub.s32 v8, v12;
	v18 =	vsub.s32 v18, v23;
	v13 =	vsub.s32 v45, v25;
	[tilespmem:$0x1A0] =	vst v4  }
0x100: {  	v7 =	vsub.s32 v44, v20;
	v3 =	vsub.s32 v3, v9;
	v20 =	vshrl.u32 v51, $0xE;
	[tilespmem:$0x1B0] =	vst v6  }
0x101: {  	v9 =	vand.u32 $0xFFFC0000, v52;
	v10 =	vsub.s32 v10, v47;
	v25 =	vshra.s32 v56, $0x1F;
	[tilespmem:$0x60] =	vst v11  }
0x102: {  	v34 =	vsub.s32 v16, v32;
	v47 =	vadd.s32 v33, v58;
	v50 =	vand.u32 $0xFFFC0000, v17;
	[tilespmem:$0x70] =	vst v8  }
0x103: {  	v42 =	vld [tilespmem:$0x1E0];
	v0 =	vand.u32 $0xFFFC0000, v0;
	v20 =	vadd.s32 v20, v24;
	v9 =	vsub.s32 v15, v9;
	[tilespmem:$0x40] =	vst v18  }
0x104: {  	v4 =	vshrl.u32 v55, $0xE;
	v12 =	vshrl.u32 v25, $0xE;
	[tilespmem:$0x20] =	vst v3;
	v3 =	vand.u32 $0xFFFC0000, v30  }
0x105: {  	[tilespmem:$0x10] =	vst v7;
	v7 =	vshrl.u32 v35, $0xE;
	v8 =	vshrl.u32 v48, $0xE;
	v52 =	vsub.s32 v26, v50  }
0x106: {  	[tilespmem:$0x30] =	vst v13;
	v2 =	vsub.s32 v2, v0;
	v0 =	vadd.s32 v43, v5;
	v20 =	vand.u32 $0xFFFC0000, v20  }
0x107: {  	v54 =	vld [tilespmem:$0x180];
	[tilespmem:$0xB0] =	vst v10;
	v4 =	vadd.s32 v4, v27;
	v31 =	vadd.s32 v12, v56;
	v3 =	vsub.s32 v14, v3  }
0x108: {  	[tilespmem:$0x50] =	vst v34;
	v55 =	vld [tilespmem:$0x190];
	v7 =	vadd.s32 v7, v62;
	v51 =	vshra.s32 v42, $0x1F;
	v8 =	vadd.s32 v8, v36  }
0x109: {  	[tilespmem:$0xC0] =	vst v52;
	v0 =	vand.u32 $0xFFFC0000, v0;
	v20 =	vsub.s32 v24, v20;
	v4 =	vand.u32 $0xFFFC0000, v4;
	v24 =	vld [tilespmem:$0x110]  }
0x10a: {  	[tilespmem:$0xF0] =	vst v9;
	v7 =	vand.u32 $0xFFFC0000, v7;
	v6 =	vand.u32 $0xFFFC0000, v31;
	v5 =	vsub.s32 v5, v0;
	v0 =	vld [tilespmem:$0xE0]  }
0x10b: {  	v8 =	vand.u32 $0xFFFC0000, v8;
	v4 =	vsub.s32 v27, v4;
	v27 =	vld [tilespmem:$0x100];
	v7 =	vsub.s32 v62, v7;
	[tilespmem:$0x1F0] =	vst v5  }
0x10c: {  	v6 =	vsub.s32 v56, v6;
	v59 =	vsub.s32 v36, v8;
	v5 =	vadd.s32 v61, v46;
	[tilespmem:$0x130] =	vst v7  }
0x10d: {  	v7 =	vand.u32 $0xFFFC0000, v47;
	[tilespmem:$0x150] =	vst v6;
	v6 =	vshrl.u32 v51, $0xE;
	v5 =	vand.u32 $0xFFFC0000, v5  }
0x10e: {  	v43 =	vld [tilespmem:$0x160];
	[tilespmem:$0x1D0] =	vst v2;
	v7 =	vsub.s32 v58, v7;
	v58 =	vshra.s32 v54, $0x1F;
	v61 =	vshra.s32 v55, $0x1F  }
0x10f: {  	[tilespmem:$0x0] =	vst v3;
	v5 =	vsub.s32 v46, v5;
	v60 =	vshrl.u32 v58, $0xE;
	v38 =	vshra.s32 v24, $0x1F  }
0x110: {  	[tilespmem:$0x90] =	vst v20;
	v46 =	vld [tilespmem:$0x120];
	v49 =	vshra.s32 v0, $0x1F;
	v37 =	vshra.s32 v27, $0x1F;
	v40 =	vshrl.u32 v38, $0xE  }
0x111: {  	[tilespmem:$0xA0] =	vst v4;
	v57 =	vshrl.u32 v49, $0xE;
	v39 =	vshrl.u32 v37, $0xE;
	v41 =	vadd.s32 v40, v24  }
0x112: {  	[tilespmem:$0xD0] =	vst v5;
	v49 =	vand.u32 $0xFFFC0000, v29;
	v2 =	vadd.s32 v57, v0;
	v5 =	vadd.s32 v39, v27  }
0x113: {  	[tilespmem:$0x170] =	vst v59;
	v45 =	vand.u32 $0xFFFC0000, v41;
	v1 =	vsub.s32 v53, v49;
	v53 =	vshra.s32 v43, $0x1F  }
0x114: {  	[tilespmem:$0x140] =	vst v7;
	v57 =	vadd.s32 v6, v42;
	v2 =	vand.u32 $0xFFFC0000, v2;
	v44 =	vand.u32 $0xFFFC0000, v5  }
0x115: {  	v5 =	vsub.s32 v24, v45;
	[tilespmem:$0x80] =	vst v1;
	v56 =	vshra.s32 v46, $0x1F;
	v4 =	vsub.s32 v27, v44  }
0x116: {  	v1 =	vshrl.u32 v56, $0xE;
	[tilespmem:$0x110] =	vst v5;
	v5 =	vand.u32 $0xFFFC0000, v57;
	v0 =	vsub.s32 v0, v2  }
0x117: {  	v2 =	vshrl.u32 v61, $0xE;
	[tilespmem:$0x100] =	vst v4;
	v4 =	vshrl.u32 v53, $0xE;
	v1 =	vadd.s32 v1, v46  }
0x118: {  	[tilespmem:$0xE0] =	vst v0;
	v5 =	vsub.s32 v42, v5;
	v0 =	vadd.s32 v60, v54;
	v1 =	vand.u32 $0xFFFC0000, v1  }
0x119: {  	v2 =	vadd.s32 v2, v55;
	v0 =	vand.u32 $0xFFFC0000, v0;
	[tilespmem:$0x1E0] =	vst v5;
	v1 =	vsub.s32 v46, v1  }
0x11a: {  	v4 =	vadd.s32 v4, v43;
	v62 =	vand.u32 $0xFFFC0000, v2;
	v0 =	vsub.s32 v54, v0;
	[tilespmem:$0x120] =	vst v1  }
0x11b: {  	v4 =	vand.u32 $0xFFFC0000, v4;
	v63 =	vsub.s32 v55, v62;
	[tilespmem:$0x180] =	vst v0  }
0x11c: {  	v4 =	vsub.s32 v43, v4;
	[tilespmem:$0x190] =	vst v63  }
0x11d: {  	[tilespmem:$0x160] =	vst v4  }
0x11e: {  	[tilespmem:s6], [sflag:$0x1] =	stream.indirect.gather [hbm4b:s4+s8], $0x80, s1, s8, $0xb8;
	[tilespmem:$0x10200] =	vst v63  }
0x11f: {  	_ = 	snop  }
0x120: {  	[tilespmem:s9], [sflag:$0x1] =	stream.indirect.gather [hbm4b:s4+s8], $0x80, s8, s8, $0xb8;
	[tilespmem:$0x10200] =	vst v63  }
0x121: {  	_ = 	snop  }
0x122: {  	[tilespmem:s11], [sflag:$0x1] =	stream.indirect.gather [hbm4b:s4+s8], $0x80, s10, s8, $0xb8;
	[tilespmem:$0x10200] =	vst v63  }
0x123: {  	_ = 	snop  }
0x124: {  	[tilespmem:s13], [sflag:$0x1] =	stream.indirect.gather [hbm4b:s4+s8], $0x80, s12, s8, $0xb8;
	[tilespmem:$0x10200] =	vst v63  }
0x125: {  	_ =	swait.ge [sflag:s7], $0x4000  }
0x126: {  	[sflag:s7] =	ssyncset.done $0x0  }
0x127: {  	[sflag:s7] =	ssyncadd.s32 $0xFFFFC000  }
0x128: {  	_ =	swait.ge [sflag:s7], $0x4000  }
0x129: {  	[sflag:s7] =	ssyncset.done $0x0  }
0x12a: {  	[sflag:s7] =	ssyncadd.s32 $0xFFFFC000  }
0x12b: {  	_ =	swait.ge [sflag:s7], $0x4000  }
0x12c: {  	[sflag:s7] =	ssyncset.done $0x0  }
0x12d: {  	[sflag:s7] =	ssyncadd.s32 $0xFFFFC000  }
0x12e: {  	_ =	swait.ge [sflag:s7], $0x4000  }
0x12f: {  	[sflag:s7] =	ssyncset.done $0x0  }
0x130: {  	[sflag:s7] =	ssyncadd.s32 $0xFFFFC000  }
0x131: {  	[hbm4b:s5+s1] =	stream.linear.scatter [tilespmem:s6], [sflag:$0x2], $0x10000, $0x38;
	[tilespmem:$0x10200] =	vst v63  }
0x132: {  	_ =	swait.ge [sflag:s3], $0x10000  }
0x133: {  	[sflag:s3] =	ssyncset.done $0x0  }
0x134: {  	[sflag:s3] =	ssyncadd.s32 $0xFFFF0000  }
0x135: {  	_ =	sfence.sel $0x180000  }
0x136: {  	[bflag:$0x0] =	sbarrier.arrive $0xFFFF  }
0x137: {  	p0 =	sne.s32 s2, $0x0;
	_ =	strace $0x90000047  }
0x138: {  	s0 =	sadd.s32 @!p0 $0x100000, s0;
	[bflag:$0x2] =	sbarrier.arrive $0xFFFF  }
0x139: {  	[sflag:s0] =	ssyncadd.tile.s32 @!p0 $0x1;
	_ =	shalt  }
.Lfunc_end2:
_tile_overlayer_lowered:
.L_overlay_start_2:
0x13a: {  	(tag) =	ssettag $0x2  }
0x13b: {  	s0 =	rddreg [dreg:$0x0];
	s2 =	stileid.u32  }
0x13c: {  	s1 =	rddreg [dreg:$0x1];
	p0 =	sne.s32 s2, $0x0  }
0x13d: {  	s3 =	rddreg [dreg:$0x2];
	[bflag:$0x3] =	sbarrier.arrive $0xFFFF;
	s2 =	simm.s32 @!p0 $0x1C02  }
0x13e: {  	[timem:s3], [sflag:s2] =	dma.local @!p0 [hbm:s0], s1  }
0x13f: {  	s0 =	simm.s32 @!p0 $0x2  }
0x140: {  	_ =	swait.ge @!p0 [sflag:s0], s1  }
0x141: {  	s1 =	ssub.s32 @!p0 $0x0, s1;
	[sflag:s0] =	ssyncset.done @!p0 $0x0  }
0x142: {  	[sflag:s0] =	ssyncadd.s32 @!p0 s1  }
0x143: {  	[bflag:$0x3] =	sbarrier.arrive $0xFFFF  }
0x144: {  	_ =	shalt  }

</sc_bundles>
